<compile_context>
chip_gen: v7x
topology: tpu7x:2x2x1
jax: 0.10.2.dev20260603
libtpu: 0.0.44.dev20260713+nightly
codegen_flags: <defaults>
</compile_context>

<pallas_src>
import functools

import jax
import jax.numpy as jnp
from jax import lax
from jax.experimental import pallas as pl
from jax.experimental.pallas import tpu as pltpu
from jax.experimental.pallas import tpu_sc as plsc

N = 10000
E = 320000
DN = 128
DE = 16
ON = 128
OE = 16

NC = 2
NS = 16
NW = NC * NS
EPW = E // NW
CHUNK = 100
NCHUNK = EPW // CHUNK
ZB = ON + 16
RPW = N // NS
SB = 20
NSB = NCHUNK // SB


def _stage1(nfeats, Wall):
    BLK = 2000

    def body(x_ref, w_ref, zb_ref, ps_ref, pd_ref):
        y = jnp.dot(x_ref[...], w_ref[...], preferred_element_type=jnp.float32)
        zb_ref[:, :ON] = y[:, :ON]
        col = lax.broadcasted_iota(jnp.int32, (BLK, ZB - ON), 1)
        zb_ref[:, ON:] = jnp.where(col == 0, 1.0, 0.0)
        ps_ref[...] = y[:, ON:ON + OE]
        pd_ref[...] = y[:, ON + OE:]

    return pl.pallas_call(
        body,
        grid=(N // BLK,),
        in_specs=[
            pl.BlockSpec((BLK, DN), lambda i: (i, 0)),
            pl.BlockSpec((DN, ON + 2 * OE), lambda i: (0, 0)),
        ],
        out_specs=[
            pl.BlockSpec((BLK, ZB), lambda i: (i, 0)),
            pl.BlockSpec((BLK, OE), lambda i: (i, 0)),
            pl.BlockSpec((BLK, OE), lambda i: (i, 0)),
        ],
        out_shape=[
            jax.ShapeDtypeStruct((N, ZB), jnp.float32),
            jax.ShapeDtypeStruct((N, OE), jnp.float32),
            jax.ShapeDtypeStruct((N, OE), jnp.float32),
        ],
    )(nfeats, Wall)


def _sc_gather_add(ps, pd, src3, dst3):
    mesh = plsc.VectorSubcoreMesh(core_axis_name="c", subcore_axis_name="s")

    NBUF = 4

    @functools.partial(
        pl.kernel,
        out_type=jax.ShapeDtypeStruct((E * OE,), jnp.float32),
        mesh=mesh,
        compiler_params=pltpu.CompilerParams(use_tc_tiling_on_sc=False, needs_layout_passes=False),
        scratch_types=(
            [pltpu.VMEM((NCHUNK, CHUNK), jnp.int32)] * 2
            + [pltpu.VMEM((CHUNK, OE), jnp.float32)] * (2 * NBUF)
            + [pltpu.VMEM((CHUNK * OE,), jnp.float32)] * NBUF
            + [pltpu.SemaphoreType.DMA] * (2 * NBUF)
        ),
    )
    def k(ps_hbm, pd_hbm, src_hbm, dst_hbm, s_hbm, srcv, dstv, *bufs):
        psr = bufs[0:NBUF]
        pdr = bufs[NBUF:2 * NBUF]
        sr = bufs[2 * NBUF:3 * NBUF]
        gs = bufs[3 * NBUF:4 * NBUF]
        ws = bufs[4 * NBUF:5 * NBUF]
        c = lax.axis_index("c")
        s = lax.axis_index("s")
        wid = s * NC + c
        pltpu.sync_copy(src_hbm.at[wid], srcv)
        pltpu.sync_copy(dst_hbm.at[wid], dstv)
        base = wid * EPW

        def gathers(j, i):
            pltpu.async_copy(ps_hbm.at[srcv.at[j]], psr[i], gs[i])
            pltpu.async_copy(pd_hbm.at[dstv.at[j]], pdr[i], gs[i])

        def drain_g(i):
            pltpu.make_async_copy(ps_hbm.at[srcv.at[0]], psr[i], gs[i]).wait()
            pltpu.make_async_copy(pd_hbm.at[dstv.at[0]], pdr[i], gs[i]).wait()

        def drain_w(i):
            pltpu.make_async_copy(sr[i],
                                  s_hbm.at[pl.ds(base * OE, CHUNK * OE)],
                                  ws[i]).wait()

        def add(i):
            @plsc.parallel_loop(0, CHUNK, step=1, unroll=8)
            def _(e):
                sr[i][pl.ds(e * OE, OE)] = psr[i][e, :] + pdr[i][e, :]

        for i in range(NBUF):
            gathers(i, i)

        def quad(q, _):
            j = q * NBUF
            for i in range(NBUF):
                drain_g(i)

                @pl.when(q > 0)
                def _():
                    drain_w(i)

                add(i)
                pltpu.async_copy(
                    sr[i],
                    s_hbm.at[pl.ds((base + (j + i) * CHUNK) * OE,
                                   CHUNK * OE)],
                    ws[i])

                @pl.when(q < NCHUNK // NBUF - 1)
                def _():
                    gathers(j + i + NBUF, i)

            return ()

        lax.fori_loop(0, NCHUNK // NBUF, quad, ())
        for i in range(NBUF):
            drain_w(i)

    return k(ps, pd, src3, dst3)


def _stage3(s2, e2, Web, btile, Wcb):
    BLK = 4000

    def body(s_ref, e_ref, web_ref, b_ref, wcb_ref, w_ref):
        pe = jnp.dot(e_ref[...], web_ref[...],
                     preferred_element_type=jnp.float32) + b_ref[...]
        feat = s_ref[...] + pe
        feat = jnp.where(feat >= 0, feat, 0.01 * feat)
        av = jnp.dot(feat, wcb_ref[...], preferred_element_type=jnp.float32)
        av = jnp.where(av >= 0, av, 0.01 * av)
        w_ref[...] = jnp.exp(av - 16.0)

    return pl.pallas_call(
        body,
        grid=((E // 8) // BLK,),
        in_specs=[
            pl.BlockSpec((BLK, 128), lambda i: (i, 0)),
            pl.BlockSpec((BLK, 128), lambda i: (i, 0)),
            pl.BlockSpec((128, 128), lambda i: (0, 0)),
            pl.BlockSpec((1, 128), lambda i: (0, 0)),
            pl.BlockSpec((128, 8), lambda i: (0, 0)),
        ],
        out_specs=pl.BlockSpec((BLK, 8), lambda i: (i, 0)),
        out_shape=jax.ShapeDtypeStruct((E // 8, 8), jnp.float32),
    )(s2, e2, Web, btile, Wcb)


def _sc_edge_pass(zb, w4, src4, dst4):
    mesh = plsc.VectorSubcoreMesh(core_axis_name="c", subcore_axis_name="s")

    @functools.partial(
        pl.kernel,
        out_type=jax.ShapeDtypeStruct((NC, N, ZB), jnp.float32),
        mesh=mesh,
        compiler_params=pltpu.CompilerParams(use_tc_tiling_on_sc=False, needs_layout_passes=False),
        scratch_types=[
            pltpu.VMEM_SHARED((N, ZB), jnp.float32),
            pltpu.VMEM((SB, CHUNK), jnp.int32),
            pltpu.VMEM((SB, CHUNK), jnp.int32),
            pltpu.VMEM((SB * CHUNK,), jnp.float32),
            pltpu.VMEM((CHUNK, ZB), jnp.float32),
            pltpu.VMEM((CHUNK, ZB), jnp.float32),
            pltpu.SemaphoreType.DMA,
            pltpu.SemaphoreType.DMA,
            pltpu.SemaphoreType.DMA,
            pltpu.SemaphoreType.DMA,
        ],
    )
    def k(zb_hbm, w_hbm, src_hbm, dst_hbm, u_hbm, U, srcv, dstv, wv,
          rowsA, rowsB, gsA, gsB, ssA, ssB):
        c = lax.axis_index("c")
        s = lax.axis_index("s")
        wid = s * NC + c

        def zero_row(r, _):
            for f in range(ZB // 16):
                rowsA[r, pl.ds(f * 16, 16)] = jnp.zeros((16,), jnp.float32)
            return ()

        lax.fori_loop(0, CHUNK, zero_row, ())
        for q in range(RPW // CHUNK):
            pltpu.sync_copy(rowsA, U.at[pl.ds(s * RPW + q * CHUNK, CHUNK)])
        pltpu.sync_copy(rowsA.at[pl.ds(0, RPW % CHUNK)],
                        U.at[pl.ds(s * RPW + (RPW // CHUNK) * CHUNK,
                                   RPW % CHUNK)])
        plsc.subcore_barrier()

        def scale(rows, j):
            base = j * CHUNK

            @plsc.parallel_loop(0, CHUNK, step=1, unroll=4)
            def _(e):
                ws = plsc.load_gather(
                    wv, [jnp.full((16,), base + e, jnp.int32)])
                for f in range(ZB // 16):
                    rows[e, pl.ds(f * 16, 16)] = (
                        rows[e, pl.ds(f * 16, 16)] * ws)

        def superblock(b, _):
            pltpu.sync_copy(src_hbm.at[wid, b], srcv)
            pltpu.sync_copy(dst_hbm.at[wid, b], dstv)
            pltpu.sync_copy(w_hbm.at[wid, b], wv)
            gA = pltpu.async_copy(zb_hbm.at[srcv.at[0]], rowsA, gsA)
            gB = pltpu.async_copy(zb_hbm.at[srcv.at[1]], rowsB, gsB)

            def pair(k2, _):
                j = k2 * 2
                gA.wait()
                scale(rowsA, j)
                sA = pltpu.async_copy(rowsA, U.at[dstv.at[j]], ssA, add=True)
                gB.wait()
                scale(rowsB, j + 1)
                sB = pltpu.async_copy(rowsB, U.at[dstv.at[j + 1]], ssB,
                                      add=True)
                sA.wait()

                @pl.when(k2 < SB // 2 - 1)
                def _():
                    pltpu.async_copy(zb_hbm.at[srcv.at[j + 2]], rowsA, gsA)

                sB.wait()

                @pl.when(k2 < SB // 2 - 1)
                def _():
                    pltpu.async_copy(zb_hbm.at[srcv.at[j + 3]], rowsB, gsB)

                return ()

            lax.fori_loop(0, SB // 2, pair, ())
            return ()

        lax.fori_loop(0, NSB, superblock, ())
        plsc.subcore_barrier()
        pltpu.sync_copy(U.at[pl.ds(s * RPW, RPW)],
                        u_hbm.at[c, pl.ds(s * RPW, RPW)])

    return k(zb, w4, src4, dst4)


def _stage5(U0, U1):
    BLK = 2000

    def body(u0_ref, u1_ref, h_ref):
        su = u0_ref[...] + u1_ref[...]
        den = su[:, ON:ON + 1]
        den = jnp.where(den == 0.0, 1.0, den)
        h_ref[...] = su[:, :ON] / den

    return pl.pallas_call(
        body,
        grid=(N // BLK,),
        in_specs=[
            pl.BlockSpec((BLK, ZB), lambda i: (i, 0)),
            pl.BlockSpec((BLK, ZB), lambda i: (i, 0)),
        ],
        out_specs=pl.BlockSpec((BLK, ON), lambda i: (i, 0)),
        out_shape=jax.ShapeDtypeStruct((N, ON), jnp.float32),
    )(U0, U1)


def kernel(nfeats, efeats, edge_index, W_fc, W_edge, b_edge, W_coef):
    src = edge_index[0].astype(jnp.int32)
    dst = edge_index[1].astype(jnp.int32)
    W_s = W_edge[:, :DN]
    W_e = W_edge[:, DN:DN + DE]
    W_d = W_edge[:, DN + DE:]

    Wall = jnp.concatenate([W_fc.T, W_s.T, W_d.T], axis=1)
    zb, ps, pd = _stage1(nfeats, Wall)

    src3 = src.reshape(NW, NCHUNK, CHUNK)
    dst3 = dst.reshape(NW, NCHUNK, CHUNK)
    s_edges = _sc_gather_add(ps, pd, src3, dst3)

    src4 = src.reshape(NW, NSB, SB, CHUNK)
    dst4 = dst.reshape(NW, NSB, SB, CHUNK)

    eye8 = jnp.eye(8, dtype=jnp.float32)
    Web = jnp.kron(eye8, W_e.T)
    Wcb = jnp.kron(eye8, W_coef.T)
    btile = jnp.tile(b_edge, 8).reshape(1, 128)
    w2 = _stage3(s_edges.reshape(E // 8, 128),
                 efeats.reshape(E // 8, 128), Web, btile, Wcb)
    w4 = w2.reshape(NW, NSB, SB * CHUNK)
    Upart = _sc_edge_pass(zb, w4, src4, dst4)

    h = _stage5(Upart[0], Upart[1])
    return (h, efeats)

# --- scband reference (transcript-rebuilt; emitter-appended) ---
"""Pipeline reference for scband-gatlayer-82678120448391 (READ-ONLY COPY).

The authoritative reference and input builder live on the scoring server;
editing this copy changes nothing except your own understanding.
"""

import jax, jax.numpy as jnp
import numpy as np

N = 10000
E = 320000
DN = 128   # in_dim_n
DE = 16    # in_dim_e
ON = 128   # out_dim_n
OE = 16    # out_dim_e


def setup_inputs(seed: int = 0) -> dict:
    key = jax.random.key(seed)
    k1, k2, k3, k4, k5, k6 = jax.random.split(key, 6)
    nfeats = jax.random.normal(k1, (N, DN), dtype=jnp.float32)
    efeats = jax.random.normal(k2, (E, DE), dtype=jnp.float32)
    edge_index = jax.random.randint(k3, (2, E), 0, N)
    # fc: Linear(in_dim_n, out_dim_n, bias=False) -> weight [ON, DN]
    W_fc = jax.random.normal(k4, (ON, DN), dtype=jnp.float32) * (1.0 / np.sqrt(DN))
    # attn_fc_edge: Linear(DE + 2*ON, OE, bias=True), xavier_normal with relu gain
    fan_in = DE + 2 * ON
    gain = np.sqrt(2.0)
    std_e = gain * np.sqrt(2.0 / (fan_in + OE))
    W_edge = jax.random.normal(k5, (OE, fan_in), dtype=jnp.float32) * std_e
    b_edge = jnp.zeros((OE,), dtype=jnp.float32)
    # attn_fc_coef: Linear(OE, 1, bias=False), xavier_normal with relu gain
    std_c = gain * np.sqrt(2.0 / (OE + 1))
    W_coef = jax.random.normal(k6, (1, OE), dtype=jnp.float32) * std_c
    return {
        'nfeats': nfeats,
        'efeats': efeats,
        'edge_index': edge_index,
        'W_fc': W_fc,
        'W_edge': W_edge,
        'b_edge': b_edge,
        'W_coef': W_coef,
    }


def reference(nfeats, efeats, edge_index, W_fc, W_edge, b_edge, W_coef):
    src = edge_index[0]
    dst = edge_index[1]
    # edge_attention: stack [src_feats, edge_feats, dst_feats] (pre-fc node feats)
    stacked = jnp.concatenate([nfeats[src], efeats, nfeats[dst]], axis=1)
    feat = jax.nn.leaky_relu(stacked @ W_edge.T + b_edge, negative_slope=0.01)
    a = jax.nn.leaky_relu(feat @ W_coef.T, negative_slope=0.01)[:, 0]  # [E]
    # node transform: z = fc(nfeats)
    z = nfeats @ W_fc.T  # [N, ON]
    # per-dst-node softmax over incoming edges (DGL mailbox softmax)
    amax = jax.ops.segment_max(a, dst, num_segments=N)
    ex = jnp.exp(a - amax[dst])
    denom = jax.ops.segment_sum(ex, dst, num_segments=N)
    alpha = ex / denom[dst]  # [E]
    h = jax.ops.segment_sum(alpha[:, None] * z[src], dst, num_segments=N)  # [N, ON]
    # edge_attention only writes 'attn'; g.edata['feats'] is never overwritten,
    # so the returned edge feats are the original efeats.
    return (h, efeats)

if __name__ == "__main__":
    import jax
    _d = setup_inputs()
    print(jax.jit(kernel)(*tuple(_d.values())))

</pallas_src>

<mosaic_0001>
#map = affine_map<(d0, d1) -> (0, 0)>
#map1 = affine_map<(d0, d1) -> (0, 0, 0)>
#map2 = affine_map<(d0, d1) -> (0, 0, 0, 0)>
module attributes {stable_mosaic.version = 14 : i64} {
  func.func @k(%arg0: i32, %arg1: i32, %arg2: memref<10000x144xf32, #tpu.memory_space<hbm>>, %arg3: memref<32x5x2000xf32, #tpu.memory_space<hbm>>, %arg4: memref<32x5x20x100xi32, #tpu.memory_space<hbm>>, %arg5: memref<32x5x20x100xi32, #tpu.memory_space<hbm>>, %arg6: memref<2x10000x144xf32, #tpu.memory_space<hbm>>, %arg7: memref<10000x144xf32, #tpu.memory_space<vmem_shared>>, %arg8: memref<20x100xi32, #tpu.memory_space<vmem>>, %arg9: memref<20x100xi32, #tpu.memory_space<vmem>>, %arg10: memref<2000xf32, #tpu.memory_space<vmem>>, %arg11: memref<100x144xf32, #tpu.memory_space<vmem>>, %arg12: memref<100x144xf32, #tpu.memory_space<vmem>>, %arg13: memref<!tpu.dma_semaphore, #tpu.memory_space<semaphore_mem>>, %arg14: memref<!tpu.dma_semaphore, #tpu.memory_space<semaphore_mem>>, %arg15: memref<!tpu.dma_semaphore, #tpu.memory_space<semaphore_mem>>, %arg16: memref<!tpu.dma_semaphore, #tpu.memory_space<semaphore_mem>>) attributes {dimension_semantics = [#tpu.dimension_semantics<core_parallel>, #tpu.dimension_semantics<subcore_parallel>], iteration_bounds = array<i64: 2, 16>, scalar_prefetch = 0 : i64, scratch_operands = 10 : i64, tpu.core_type = #tpu.core_type<sc_vector_subcore>, window_params = [{transform_indices = #map}, {transform_indices = #map1}, {transform_indices = #map2}, {transform_indices = #map2}, {transform_indices = #map1}]} {
    %mul3A = arith.constant 2 : i32
    %mul3A_0 = arith.muli %arg1, %mul3A : i32
    %add3A = arith.addi %mul3A_0, %arg0 : i32
    %scan3A = arith.constant 0 : i32
    %scan3A_1 = arith.constant 100 : i32
    %scan3A_2 = arith.addi %scan3A, %scan3A_1 : i32
    %scan3A_3 = arith.constant 1 : i32
    scf.for %scan3A_43 = %scan3A to %scan3A_2 step %scan3A_3  : i32 {
      %broadcast_in_dim3A = arith.constant 0.000000e+00 : f32
      %broadcast_in_dim3A_44 = vector.broadcast %broadcast_in_dim3A : f32 to vector<16xf32>
      %swap3A = arith.index_cast %scan3A_43 : i32 to index
      %swap3A_45 = arith.constant 0 : index
      %swap3A_46 = tpu.vector_load %arg11[%swap3A, %swap3A_45] {strides = array<i32>} : memref<100x144xf32, #tpu.memory_space<vmem>>, vector<16xf32>,
      tpu.vector_store %arg11[%swap3A, %swap3A_45], %broadcast_in_dim3A_44 {strides = array<i32>} : memref<100x144xf32, #tpu.memory_space<vmem>>, vector<16xf32>,
      %broadcast_in_dim3A_47 = arith.constant 0.000000e+00 : f32
      %broadcast_in_dim3A_48 = vector.broadcast %broadcast_in_dim3A_47 : f32 to vector<16xf32>
      %swap3A_49 = arith.index_cast %scan3A_43 : i32 to index
      %swap3A_50 = arith.constant 16 : index
      %swap3A_51 = tpu.vector_load %arg11[%swap3A_49, %swap3A_50] {strides = array<i32>} : memref<100x144xf32, #tpu.memory_space<vmem>>, vector<16xf32>,
      tpu.vector_store %arg11[%swap3A_49, %swap3A_50], %broadcast_in_dim3A_48 {strides = array<i32>} : memref<100x144xf32, #tpu.memory_space<vmem>>, vector<16xf32>,
      %broadcast_in_dim3A_52 = arith.constant 0.000000e+00 : f32
      %broadcast_in_dim3A_53 = vector.broadcast %broadcast_in_dim3A_52 : f32 to vector<16xf32>
      %swap3A_54 = arith.index_cast %scan3A_43 : i32 to index
      %swap3A_55 = arith.constant 32 : index
      %swap3A_56 = tpu.vector_load %arg11[%swap3A_54, %swap3A_55] {strides = array<i32>} : memref<100x144xf32, #tpu.memory_space<vmem>>, vector<16xf32>,
      tpu.vector_store %arg11[%swap3A_54, %swap3A_55], %broadcast_in_dim3A_53 {strides = array<i32>} : memref<100x144xf32, #tpu.memory_space<vmem>>, vector<16xf32>,
      %broadcast_in_dim3A_57 = arith.constant 0.000000e+00 : f32
      %broadcast_in_dim3A_58 = vector.broadcast %broadcast_in_dim3A_57 : f32 to vector<16xf32>
      %swap3A_59 = arith.index_cast %scan3A_43 : i32 to index
      %swap3A_60 = arith.constant 48 : index
      %swap3A_61 = tpu.vector_load %arg11[%swap3A_59, %swap3A_60] {strides = array<i32>} : memref<100x144xf32, #tpu.memory_space<vmem>>, vector<16xf32>,
      tpu.vector_store %arg11[%swap3A_59, %swap3A_60], %broadcast_in_dim3A_58 {strides = array<i32>} : memref<100x144xf32, #tpu.memory_space<vmem>>, vector<16xf32>,
      %broadcast_in_dim3A_62 = arith.constant 0.000000e+00 : f32
      %broadcast_in_dim3A_63 = vector.broadcast %broadcast_in_dim3A_62 : f32 to vector<16xf32>
      %swap3A_64 = arith.index_cast %scan3A_43 : i32 to index
      %swap3A_65 = arith.constant 64 : index
      %swap3A_66 = tpu.vector_load %arg11[%swap3A_64, %swap3A_65] {strides = array<i32>} : memref<100x144xf32, #tpu.memory_space<vmem>>, vector<16xf32>,
      tpu.vector_store %arg11[%swap3A_64, %swap3A_65], %broadcast_in_dim3A_63 {strides = array<i32>} : memref<100x144xf32, #tpu.memory_space<vmem>>, vector<16xf32>,
      %broadcast_in_dim3A_67 = arith.constant 0.000000e+00 : f32
      %broadcast_in_dim3A_68 = vector.broadcast %broadcast_in_dim3A_67 : f32 to vector<16xf32>
      %swap3A_69 = arith.index_cast %scan3A_43 : i32 to index
      %swap3A_70 = arith.constant 80 : index
      %swap3A_71 = tpu.vector_load %arg11[%swap3A_69, %swap3A_70] {strides = array<i32>} : memref<100x144xf32, #tpu.memory_space<vmem>>, vector<16xf32>,
      tpu.vector_store %arg11[%swap3A_69, %swap3A_70], %broadcast_in_dim3A_68 {strides = array<i32>} : memref<100x144xf32, #tpu.memory_space<vmem>>, vector<16xf32>,
      %broadcast_in_dim3A_72 = arith.constant 0.000000e+00 : f32
      %broadcast_in_dim3A_73 = vector.broadcast %broadcast_in_dim3A_72 : f32 to vector<16xf32>
      %swap3A_74 = arith.index_cast %scan3A_43 : i32 to index
      %swap3A_75 = arith.constant 96 : index
      %swap3A_76 = tpu.vector_load %arg11[%swap3A_74, %swap3A_75] {strides = array<i32>} : memref<100x144xf32, #tpu.memory_space<vmem>>, vector<16xf32>,
      tpu.vector_store %arg11[%swap3A_74, %swap3A_75], %broadcast_in_dim3A_73 {strides = array<i32>} : memref<100x144xf32, #tpu.memory_space<vmem>>, vector<16xf32>,
      %broadcast_in_dim3A_77 = arith.constant 0.000000e+00 : f32
      %broadcast_in_dim3A_78 = vector.broadcast %broadcast_in_dim3A_77 : f32 to vector<16xf32>
      %swap3A_79 = arith.index_cast %scan3A_43 : i32 to index
      %swap3A_80 = arith.constant 112 : index
      %swap3A_81 = tpu.vector_load %arg11[%swap3A_79, %swap3A_80] {strides = array<i32>} : memref<100x144xf32, #tpu.memory_space<vmem>>, vector<16xf32>,
      tpu.vector_store %arg11[%swap3A_79, %swap3A_80], %broadcast_in_dim3A_78 {strides = array<i32>} : memref<100x144xf32, #tpu.memory_space<vmem>>, vector<16xf32>,
      %broadcast_in_dim3A_82 = arith.constant 0.000000e+00 : f32
      %broadcast_in_dim3A_83 = vector.broadcast %broadcast_in_dim3A_82 : f32 to vector<16xf32>
      %swap3A_84 = arith.index_cast %scan3A_43 : i32 to index
      %swap3A_85 = arith.constant 128 : index
      %swap3A_86 = tpu.vector_load %arg11[%swap3A_84, %swap3A_85] {strides = array<i32>} : memref<100x144xf32, #tpu.memory_space<vmem>>, vector<16xf32>,
      tpu.vector_store %arg11[%swap3A_84, %swap3A_85], %broadcast_in_dim3A_83 {strides = array<i32>} : memref<100x144xf32, #tpu.memory_space<vmem>>, vector<16xf32>,
    }
    %scan3A_4 = arith.constant 100 : i32
    %mul3A_5 = arith.constant 625 : i32
    %mul3A_6 = arith.muli %arg1, %mul3A_5 : i32
    %add3A_7 = arith.constant 0 : i32
    %add3A_8 = arith.addi %mul3A_6, %add3A_7 : i32
    "tpu.region"() ({
      %run_scoped3A = tpu.sem_alloc : memref<!tpu.dma_semaphore, #tpu.memory_space<semaphore_mem>>
      %dma_start3A = arith.constant 0 : i32
      %dma_start3A_43 = tpu.memref_slice %arg7[%add3A_8, %dma_start3A] : memref<10000x144xf32, #tpu.memory_space<vmem_shared>> -> memref<100x144xf32, #tpu.memory_space<vmem_shared>>
      %dma_start3A_44 = arith.constant 0 : i32
      %dma_start3A_45 = tpu.memref_slice %arg7[%add3A_8, %dma_start3A_44] : memref<10000x144xf32, #tpu.memory_space<vmem_shared>> -> memref<100x144xf32, #tpu.memory_space<vmem_shared>>
      tpu.enqueue_dma source(%arg11 : memref<100x144xf32, #tpu.memory_space<vmem>>) target(%dma_start3A_45 : memref<100x144xf32, #tpu.memory_space<vmem_shared>>) target_semaphore(%run_scoped3A : memref<!tpu.dma_semaphore, #tpu.memory_space<semaphore_mem>>)
      %dma_wait3A = arith.constant 0 : i32
      %dma_wait3A_46 = tpu.memref_slice %arg7[%add3A_8, %dma_wait3A] : memref<10000x144xf32, #tpu.memory_space<vmem_shared>> -> memref<100x144xf32, #tpu.memory_space<vmem_shared>>
      %dma_wait3A_47 = arith.constant 0 : i32
      %dma_wait3A_48 = tpu.memref_slice %arg7[%add3A_8, %dma_wait3A_47] : memref<10000x144xf32, #tpu.memory_space<vmem_shared>> -> memref<100x144xf32, #tpu.memory_space<vmem_shared>>
      tpu.wait_dma2 semaphore(%run_scoped3A : memref<!tpu.dma_semaphore, #tpu.memory_space<semaphore_mem>>) src(%arg11 : memref<100x144xf32, #tpu.memory_space<vmem>>) dst(%dma_wait3A_48 : memref<100x144xf32, #tpu.memory_space<vmem_shared>>)
      tpu.yield
    }) : () -> ()
    %mul3A_9 = arith.constant 625 : i32
    %mul3A_10 = arith.muli %arg1, %mul3A_9 : i32
    %add3A_11 = arith.constant 100 : i32
    %add3A_12 = arith.addi %mul3A_10, %add3A_11 : i32
    "tpu.region"() ({
      %run_scoped3A = tpu.sem_alloc : memref<!tpu.dma_semaphore, #tpu.memory_space<semaphore_mem>>
      %dma_start3A = arith.constant 0 : i32
      %dma_start3A_43 = tpu.memref_slice %arg7[%add3A_12, %dma_start3A] : memref<10000x144xf32, #tpu.memory_space<vmem_shared>> -> memref<100x144xf32, #tpu.memory_space<vmem_shared>>
      %dma_start3A_44 = arith.constant 0 : i32
      %dma_start3A_45 = tpu.memref_slice %arg7[%add3A_12, %dma_start3A_44] : memref<10000x144xf32, #tpu.memory_space<vmem_shared>> -> memref<100x144xf32, #tpu.memory_space<vmem_shared>>
      tpu.enqueue_dma source(%arg11 : memref<100x144xf32, #tpu.memory_space<vmem>>) target(%dma_start3A_45 : memref<100x144xf32, #tpu.memory_space<vmem_shared>>) target_semaphore(%run_scoped3A : memref<!tpu.dma_semaphore, #tpu.memory_space<semaphore_mem>>)
      %dma_wait3A = arith.constant 0 : i32
      %dma_wait3A_46 = tpu.memref_slice %arg7[%add3A_12, %dma_wait3A] : memref<10000x144xf32, #tpu.memory_space<vmem_shared>> -> memref<100x144xf32, #tpu.memory_space<vmem_shared>>
      %dma_wait3A_47 = arith.constant 0 : i32
      %dma_wait3A_48 = tpu.memref_slice %arg7[%add3A_12, %dma_wait3A_47] : memref<10000x144xf32, #tpu.memory_space<vmem_shared>> -> memref<100x144xf32, #tpu.memory_space<vmem_shared>>
      tpu.wait_dma2 semaphore(%run_scoped3A : memref<!tpu.dma_semaphore, #tpu.memory_space<semaphore_mem>>) src(%arg11 : memref<100x144xf32, #tpu.memory_space<vmem>>) dst(%dma_wait3A_48 : memref<100x144xf32, #tpu.memory_space<vmem_shared>>)
      tpu.yield
    }) : () -> ()
    %mul3A_13 = arith.constant 625 : i32
    %mul3A_14 = arith.muli %arg1, %mul3A_13 : i32
    %add3A_15 = arith.constant 200 : i32
    %add3A_16 = arith.addi %mul3A_14, %add3A_15 : i32
    "tpu.region"() ({
      %run_scoped3A = tpu.sem_alloc : memref<!tpu.dma_semaphore, #tpu.memory_space<semaphore_mem>>
      %dma_start3A = arith.constant 0 : i32
      %dma_start3A_43 = tpu.memref_slice %arg7[%add3A_16, %dma_start3A] : memref<10000x144xf32, #tpu.memory_space<vmem_shared>> -> memref<100x144xf32, #tpu.memory_space<vmem_shared>>
      %dma_start3A_44 = arith.constant 0 : i32
      %dma_start3A_45 = tpu.memref_slice %arg7[%add3A_16, %dma_start3A_44] : memref<10000x144xf32, #tpu.memory_space<vmem_shared>> -> memref<100x144xf32, #tpu.memory_space<vmem_shared>>
      tpu.enqueue_dma source(%arg11 : memref<100x144xf32, #tpu.memory_space<vmem>>) target(%dma_start3A_45 : memref<100x144xf32, #tpu.memory_space<vmem_shared>>) target_semaphore(%run_scoped3A : memref<!tpu.dma_semaphore, #tpu.memory_space<semaphore_mem>>)
      %dma_wait3A = arith.constant 0 : i32
      %dma_wait3A_46 = tpu.memref_slice %arg7[%add3A_16, %dma_wait3A] : memref<10000x144xf32, #tpu.memory_space<vmem_shared>> -> memref<100x144xf32, #tpu.memory_space<vmem_shared>>
      %dma_wait3A_47 = arith.constant 0 : i32
      %dma_wait3A_48 = tpu.memref_slice %arg7[%add3A_16, %dma_wait3A_47] : memref<10000x144xf32, #tpu.memory_space<vmem_shared>> -> memref<100x144xf32, #tpu.memory_space<vmem_shared>>
      tpu.wait_dma2 semaphore(%run_scoped3A : memref<!tpu.dma_semaphore, #tpu.memory_space<semaphore_mem>>) src(%arg11 : memref<100x144xf32, #tpu.memory_space<vmem>>) dst(%dma_wait3A_48 : memref<100x144xf32, #tpu.memory_space<vmem_shared>>)
      tpu.yield
    }) : () -> ()
    %mul3A_17 = arith.constant 625 : i32
    %mul3A_18 = arith.muli %arg1, %mul3A_17 : i32
    %add3A_19 = arith.constant 300 : i32
    %add3A_20 = arith.addi %mul3A_18, %add3A_19 : i32
    "tpu.region"() ({
      %run_scoped3A = tpu.sem_alloc : memref<!tpu.dma_semaphore, #tpu.memory_space<semaphore_mem>>
      %dma_start3A = arith.constant 0 : i32
      %dma_start3A_43 = tpu.memref_slice %arg7[%add3A_20, %dma_start3A] : memref<10000x144xf32, #tpu.memory_space<vmem_shared>> -> memref<100x144xf32, #tpu.memory_space<vmem_shared>>
      %dma_start3A_44 = arith.constant 0 : i32
      %dma_start3A_45 = tpu.memref_slice %arg7[%add3A_20, %dma_start3A_44] : memref<10000x144xf32, #tpu.memory_space<vmem_shared>> -> memref<100x144xf32, #tpu.memory_space<vmem_shared>>
      tpu.enqueue_dma source(%arg11 : memref<100x144xf32, #tpu.memory_space<vmem>>) target(%dma_start3A_45 : memref<100x144xf32, #tpu.memory_space<vmem_shared>>) target_semaphore(%run_scoped3A : memref<!tpu.dma_semaphore, #tpu.memory_space<semaphore_mem>>)
      %dma_wait3A = arith.constant 0 : i32
      %dma_wait3A_46 = tpu.memref_slice %arg7[%add3A_20, %dma_wait3A] : memref<10000x144xf32, #tpu.memory_space<vmem_shared>> -> memref<100x144xf32, #tpu.memory_space<vmem_shared>>
      %dma_wait3A_47 = arith.constant 0 : i32
      %dma_wait3A_48 = tpu.memref_slice %arg7[%add3A_20, %dma_wait3A_47] : memref<10000x144xf32, #tpu.memory_space<vmem_shared>> -> memref<100x144xf32, #tpu.memory_space<vmem_shared>>
      tpu.wait_dma2 semaphore(%run_scoped3A : memref<!tpu.dma_semaphore, #tpu.memory_space<semaphore_mem>>) src(%arg11 : memref<100x144xf32, #tpu.memory_space<vmem>>) dst(%dma_wait3A_48 : memref<100x144xf32, #tpu.memory_space<vmem_shared>>)
      tpu.yield
    }) : () -> ()
    %mul3A_21 = arith.constant 625 : i32
    %mul3A_22 = arith.muli %arg1, %mul3A_21 : i32
    %add3A_23 = arith.constant 400 : i32
    %add3A_24 = arith.addi %mul3A_22, %add3A_23 : i32
    "tpu.region"() ({
      %run_scoped3A = tpu.sem_alloc : memref<!tpu.dma_semaphore, #tpu.memory_space<semaphore_mem>>
      %dma_start3A = arith.constant 0 : i32
      %dma_start3A_43 = tpu.memref_slice %arg7[%add3A_24, %dma_start3A] : memref<10000x144xf32, #tpu.memory_space<vmem_shared>> -> memref<100x144xf32, #tpu.memory_space<vmem_shared>>
      %dma_start3A_44 = arith.constant 0 : i32
      %dma_start3A_45 = tpu.memref_slice %arg7[%add3A_24, %dma_start3A_44] : memref<10000x144xf32, #tpu.memory_space<vmem_shared>> -> memref<100x144xf32, #tpu.memory_space<vmem_shared>>
      tpu.enqueue_dma source(%arg11 : memref<100x144xf32, #tpu.memory_space<vmem>>) target(%dma_start3A_45 : memref<100x144xf32, #tpu.memory_space<vmem_shared>>) target_semaphore(%run_scoped3A : memref<!tpu.dma_semaphore, #tpu.memory_space<semaphore_mem>>)
      %dma_wait3A = arith.constant 0 : i32
      %dma_wait3A_46 = tpu.memref_slice %arg7[%add3A_24, %dma_wait3A] : memref<10000x144xf32, #tpu.memory_space<vmem_shared>> -> memref<100x144xf32, #tpu.memory_space<vmem_shared>>
      %dma_wait3A_47 = arith.constant 0 : i32
      %dma_wait3A_48 = tpu.memref_slice %arg7[%add3A_24, %dma_wait3A_47] : memref<10000x144xf32, #tpu.memory_space<vmem_shared>> -> memref<100x144xf32, #tpu.memory_space<vmem_shared>>
      tpu.wait_dma2 semaphore(%run_scoped3A : memref<!tpu.dma_semaphore, #tpu.memory_space<semaphore_mem>>) src(%arg11 : memref<100x144xf32, #tpu.memory_space<vmem>>) dst(%dma_wait3A_48 : memref<100x144xf32, #tpu.memory_space<vmem_shared>>)
      tpu.yield
    }) : () -> ()
    %mul3A_25 = arith.constant 625 : i32
    %mul3A_26 = arith.muli %arg1, %mul3A_25 : i32
    %add3A_27 = arith.constant 500 : i32
    %add3A_28 = arith.addi %mul3A_26, %add3A_27 : i32
    "tpu.region"() ({
      %run_scoped3A = tpu.sem_alloc : memref<!tpu.dma_semaphore, #tpu.memory_space<semaphore_mem>>
      %dma_start3A = arith.constant 0 : i32
      %dma_start3A_43 = tpu.memref_slice %arg7[%add3A_28, %dma_start3A] : memref<10000x144xf32, #tpu.memory_space<vmem_shared>> -> memref<100x144xf32, #tpu.memory_space<vmem_shared>>
      %dma_start3A_44 = arith.constant 0 : i32
      %dma_start3A_45 = tpu.memref_slice %arg7[%add3A_28, %dma_start3A_44] : memref<10000x144xf32, #tpu.memory_space<vmem_shared>> -> memref<100x144xf32, #tpu.memory_space<vmem_shared>>
      tpu.enqueue_dma source(%arg11 : memref<100x144xf32, #tpu.memory_space<vmem>>) target(%dma_start3A_45 : memref<100x144xf32, #tpu.memory_space<vmem_shared>>) target_semaphore(%run_scoped3A : memref<!tpu.dma_semaphore, #tpu.memory_space<semaphore_mem>>)
      %dma_wait3A = arith.constant 0 : i32
      %dma_wait3A_46 = tpu.memref_slice %arg7[%add3A_28, %dma_wait3A] : memref<10000x144xf32, #tpu.memory_space<vmem_shared>> -> memref<100x144xf32, #tpu.memory_space<vmem_shared>>
      %dma_wait3A_47 = arith.constant 0 : i32
      %dma_wait3A_48 = tpu.memref_slice %arg7[%add3A_28, %dma_wait3A_47] : memref<10000x144xf32, #tpu.memory_space<vmem_shared>> -> memref<100x144xf32, #tpu.memory_space<vmem_shared>>
      tpu.wait_dma2 semaphore(%run_scoped3A : memref<!tpu.dma_semaphore, #tpu.memory_space<semaphore_mem>>) src(%arg11 : memref<100x144xf32, #tpu.memory_space<vmem>>) dst(%dma_wait3A_48 : memref<100x144xf32, #tpu.memory_space<vmem_shared>>)
      tpu.yield
    }) : () -> ()
    %mul3A_29 = arith.constant 625 : i32
    %mul3A_30 = arith.muli %arg1, %mul3A_29 : i32
    %add3A_31 = arith.constant 600 : i32
    %add3A_32 = arith.addi %mul3A_30, %add3A_31 : i32
    "tpu.region"() ({
      %run_scoped3A = tpu.sem_alloc : memref<!tpu.dma_semaphore, #tpu.memory_space<semaphore_mem>>
      %dma_start3A = arith.constant 0 : i32
      %dma_start3A_43 = arith.constant 0 : i32
      %dma_start3A_44 = tpu.memref_slice %arg11[%dma_start3A, %dma_start3A_43] : memref<100x144xf32, #tpu.memory_space<vmem>> -> memref<25x144xf32, #tpu.memory_space<vmem>>
      %dma_start3A_45 = arith.constant 0 : i32
      %dma_start3A_46 = tpu.memref_slice %arg7[%add3A_32, %dma_start3A_45] : memref<10000x144xf32, #tpu.memory_space<vmem_shared>> -> memref<25x144xf32, #tpu.memory_space<vmem_shared>>
      %dma_start3A_47 = arith.constant 0 : i32
      %dma_start3A_48 = tpu.memref_slice %arg7[%add3A_32, %dma_start3A_47] : memref<10000x144xf32, #tpu.memory_space<vmem_shared>> -> memref<25x144xf32, #tpu.memory_space<vmem_shared>>
      %dma_start3A_49 = arith.constant 0 : i32
      %dma_start3A_50 = arith.constant 0 : i32
      %dma_start3A_51 = tpu.memref_slice %arg11[%dma_start3A_49, %dma_start3A_50] : memref<100x144xf32, #tpu.memory_space<vmem>> -> memref<25x144xf32, #tpu.memory_space<vmem>>
      tpu.enqueue_dma source(%dma_start3A_51 : memref<25x144xf32, #tpu.memory_space<vmem>>) target(%dma_start3A_48 : memref<25x144xf32, #tpu.memory_space<vmem_shared>>) target_semaphore(%run_scoped3A : memref<!tpu.dma_semaphore, #tpu.memory_space<semaphore_mem>>)
      %dma_wait3A = arith.constant 0 : i32
      %dma_wait3A_52 = arith.constant 0 : i32
      %dma_wait3A_53 = tpu.memref_slice %arg11[%dma_wait3A, %dma_wait3A_52] : memref<100x144xf32, #tpu.memory_space<vmem>> -> memref<25x144xf32, #tpu.memory_space<vmem>>
      %dma_wait3A_54 = arith.constant 0 : i32
      %dma_wait3A_55 = tpu.memref_slice %arg7[%add3A_32, %dma_wait3A_54] : memref<10000x144xf32, #tpu.memory_space<vmem_shared>> -> memref<25x144xf32, #tpu.memory_space<vmem_shared>>
      %dma_wait3A_56 = arith.constant 0 : i32
      %dma_wait3A_57 = tpu.memref_slice %arg7[%add3A_32, %dma_wait3A_56] : memref<10000x144xf32, #tpu.memory_space<vmem_shared>> -> memref<25x144xf32, #tpu.memory_space<vmem_shared>>
      %dma_wait3A_58 = arith.constant 0 : i32
      %dma_wait3A_59 = arith.constant 0 : i32
      %dma_wait3A_60 = tpu.memref_slice %arg11[%dma_wait3A_58, %dma_wait3A_59] : memref<100x144xf32, #tpu.memory_space<vmem>> -> memref<25x144xf32, #tpu.memory_space<vmem>>
      tpu.wait_dma2 semaphore(%run_scoped3A : memref<!tpu.dma_semaphore, #tpu.memory_space<semaphore_mem>>) src(%dma_wait3A_60 : memref<25x144xf32, #tpu.memory_space<vmem>>) dst(%dma_wait3A_57 : memref<25x144xf32, #tpu.memory_space<vmem_shared>>)
      tpu.yield
    }) : () -> ()
    %barrier3A = arith.constant 0 : index
    tpu.barrier barrier_id(%barrier3A)
    %scan3A_33 = arith.constant 0 : i32
    %scan3A_34 = arith.constant 5 : i32
    %scan3A_35 = arith.addi %scan3A_33, %scan3A_34 : i32
    %scan3A_36 = arith.constant 1 : i32
    scf.for %scan3A_43 = %scan3A_33 to %scan3A_35 step %scan3A_36  : i32 {
      "tpu.region"() ({
        %run_scoped3A = tpu.sem_alloc : memref<!tpu.dma_semaphore, #tpu.memory_space<semaphore_mem>>
        %dma_start3A_64 = arith.constant 0 : i32
        %dma_start3A_65 = arith.constant 0 : i32
        %dma_start3A_66 = tpu.memref_slice %arg4[%add3A, %scan3A_43, %dma_start3A_64, %dma_start3A_65] : memref<32x5x20x100xi32, #tpu.memory_space<hbm>> -> memref<1x1x20x100xi32, #tpu.memory_space<hbm>>
        %dma_start3A_67 = tpu.memref_squeeze %dma_start3A_66 : memref<1x1x20x100xi32, #tpu.memory_space<hbm>> -> memref<20x100xi32, #tpu.memory_space<hbm>>
        %dma_start3A_68 = arith.constant 0 : i32
        %dma_start3A_69 = arith.constant 0 : i32
        %dma_start3A_70 = tpu.memref_slice %arg4[%add3A, %scan3A_43, %dma_start3A_68, %dma_start3A_69] : memref<32x5x20x100xi32, #tpu.memory_space<hbm>> -> memref<1x1x20x100xi32, #tpu.memory_space<hbm>>
        %dma_start3A_71 = tpu.memref_squeeze %dma_start3A_70 : memref<1x1x20x100xi32, #tpu.memory_space<hbm>> -> memref<20x100xi32, #tpu.memory_space<hbm>>
        tpu.enqueue_dma source(%dma_start3A_71 : memref<20x100xi32, #tpu.memory_space<hbm>>) target(%arg8 : memref<20x100xi32, #tpu.memory_space<vmem>>) target_semaphore(%run_scoped3A : memref<!tpu.dma_semaphore, #tpu.memory_space<semaphore_mem>>)
        %dma_wait3A = arith.constant 0 : i32
        %dma_wait3A_72 = arith.constant 0 : i32
        %dma_wait3A_73 = tpu.memref_slice %arg4[%add3A, %scan3A_43, %dma_wait3A, %dma_wait3A_72] : memref<32x5x20x100xi32, #tpu.memory_space<hbm>> -> memref<1x1x20x100xi32, #tpu.memory_space<hbm>>
        %dma_wait3A_74 = tpu.memref_squeeze %dma_wait3A_73 : memref<1x1x20x100xi32, #tpu.memory_space<hbm>> -> memref<20x100xi32, #tpu.memory_space<hbm>>
        %dma_wait3A_75 = arith.constant 0 : i32
        %dma_wait3A_76 = arith.constant 0 : i32
        %dma_wait3A_77 = tpu.memref_slice %arg4[%add3A, %scan3A_43, %dma_wait3A_75, %dma_wait3A_76] : memref<32x5x20x100xi32, #tpu.memory_space<hbm>> -> memref<1x1x20x100xi32, #tpu.memory_space<hbm>>
        %dma_wait3A_78 = tpu.memref_squeeze %dma_wait3A_77 : memref<1x1x20x100xi32, #tpu.memory_space<hbm>> -> memref<20x100xi32, #tpu.memory_space<hbm>>
        tpu.wait_dma2 semaphore(%run_scoped3A : memref<!tpu.dma_semaphore, #tpu.memory_space<semaphore_mem>>) src(%dma_wait3A_78 : memref<20x100xi32, #tpu.memory_space<hbm>>) dst(%arg8 : memref<20x100xi32, #tpu.memory_space<vmem>>)
        tpu.yield
      }) : () -> ()
      "tpu.region"() ({
        %run_scoped3A = tpu.sem_alloc : memref<!tpu.dma_semaphore, #tpu.memory_space<semaphore_mem>>
        %dma_start3A_64 = arith.constant 0 : i32
        %dma_start3A_65 = arith.constant 0 : i32
        %dma_start3A_66 = tpu.memref_slice %arg5[%add3A, %scan3A_43, %dma_start3A_64, %dma_start3A_65] : memref<32x5x20x100xi32, #tpu.memory_space<hbm>> -> memref<1x1x20x100xi32, #tpu.memory_space<hbm>>
        %dma_start3A_67 = tpu.memref_squeeze %dma_start3A_66 : memref<1x1x20x100xi32, #tpu.memory_space<hbm>> -> memref<20x100xi32, #tpu.memory_space<hbm>>
        %dma_start3A_68 = arith.constant 0 : i32
        %dma_start3A_69 = arith.constant 0 : i32
        %dma_start3A_70 = tpu.memref_slice %arg5[%add3A, %scan3A_43, %dma_start3A_68, %dma_start3A_69] : memref<32x5x20x100xi32, #tpu.memory_space<hbm>> -> memref<1x1x20x100xi32, #tpu.memory_space<hbm>>
        %dma_start3A_71 = tpu.memref_squeeze %dma_start3A_70 : memref<1x1x20x100xi32, #tpu.memory_space<hbm>> -> memref<20x100xi32, #tpu.memory_space<hbm>>
        tpu.enqueue_dma source(%dma_start3A_71 : memref<20x100xi32, #tpu.memory_space<hbm>>) target(%arg9 : memref<20x100xi32, #tpu.memory_space<vmem>>) target_semaphore(%run_scoped3A : memref<!tpu.dma_semaphore, #tpu.memory_space<semaphore_mem>>)
        %dma_wait3A = arith.constant 0 : i32
        %dma_wait3A_72 = arith.constant 0 : i32
        %dma_wait3A_73 = tpu.memref_slice %arg5[%add3A, %scan3A_43, %dma_wait3A, %dma_wait3A_72] : memref<32x5x20x100xi32, #tpu.memory_space<hbm>> -> memref<1x1x20x100xi32, #tpu.memory_space<hbm>>
        %dma_wait3A_74 = tpu.memref_squeeze %dma_wait3A_73 : memref<1x1x20x100xi32, #tpu.memory_space<hbm>> -> memref<20x100xi32, #tpu.memory_space<hbm>>
        %dma_wait3A_75 = arith.constant 0 : i32
        %dma_wait3A_76 = arith.constant 0 : i32
        %dma_wait3A_77 = tpu.memref_slice %arg5[%add3A, %scan3A_43, %dma_wait3A_75, %dma_wait3A_76] : memref<32x5x20x100xi32, #tpu.memory_space<hbm>> -> memref<1x1x20x100xi32, #tpu.memory_space<hbm>>
        %dma_wait3A_78 = tpu.memref_squeeze %dma_wait3A_77 : memref<1x1x20x100xi32, #tpu.memory_space<hbm>> -> memref<20x100xi32, #tpu.memory_space<hbm>>
        tpu.wait_dma2 semaphore(%run_scoped3A : memref<!tpu.dma_semaphore, #tpu.memory_space<semaphore_mem>>) src(%dma_wait3A_78 : memref<20x100xi32, #tpu.memory_space<hbm>>) dst(%arg9 : memref<20x100xi32, #tpu.memory_space<vmem>>)
        tpu.yield
      }) : () -> ()
      "tpu.region"() ({
        %run_scoped3A = tpu.sem_alloc : memref<!tpu.dma_semaphore, #tpu.memory_space<semaphore_mem>>
        %dma_start3A_64 = arith.constant 0 : i32
        %dma_start3A_65 = tpu.memref_slice %arg3[%add3A, %scan3A_43, %dma_start3A_64] : memref<32x5x2000xf32, #tpu.memory_space<hbm>> -> memref<1x1x2000xf32, #tpu.memory_space<hbm>>
        %dma_start3A_66 = tpu.memref_squeeze %dma_start3A_65 : memref<1x1x2000xf32, #tpu.memory_space<hbm>> -> memref<2000xf32, #tpu.memory_space<hbm>>
        %dma_start3A_67 = arith.constant 0 : i32
        %dma_start3A_68 = tpu.memref_slice %arg3[%add3A, %scan3A_43, %dma_start3A_67] : memref<32x5x2000xf32, #tpu.memory_space<hbm>> -> memref<1x1x2000xf32, #tpu.memory_space<hbm>>
        %dma_start3A_69 = tpu.memref_squeeze %dma_start3A_68 : memref<1x1x2000xf32, #tpu.memory_space<hbm>> -> memref<2000xf32, #tpu.memory_space<hbm>>
        tpu.enqueue_dma source(%dma_start3A_69 : memref<2000xf32, #tpu.memory_space<hbm>>) target(%arg10 : memref<2000xf32, #tpu.memory_space<vmem>>) target_semaphore(%run_scoped3A : memref<!tpu.dma_semaphore, #tpu.memory_space<semaphore_mem>>)
        %dma_wait3A = arith.constant 0 : i32
        %dma_wait3A_70 = tpu.memref_slice %arg3[%add3A, %scan3A_43, %dma_wait3A] : memref<32x5x2000xf32, #tpu.memory_space<hbm>> -> memref<1x1x2000xf32, #tpu.memory_space<hbm>>
        %dma_wait3A_71 = tpu.memref_squeeze %dma_wait3A_70 : memref<1x1x2000xf32, #tpu.memory_space<hbm>> -> memref<2000xf32, #tpu.memory_space<hbm>>
        %dma_wait3A_72 = arith.constant 0 : i32
        %dma_wait3A_73 = tpu.memref_slice %arg3[%add3A, %scan3A_43, %dma_wait3A_72] : memref<32x5x2000xf32, #tpu.memory_space<hbm>> -> memref<1x1x2000xf32, #tpu.memory_space<hbm>>
        %dma_wait3A_74 = tpu.memref_squeeze %dma_wait3A_73 : memref<1x1x2000xf32, #tpu.memory_space<hbm>> -> memref<2000xf32, #tpu.memory_space<hbm>>
        tpu.wait_dma2 semaphore(%run_scoped3A : memref<!tpu.dma_semaphore, #tpu.memory_space<semaphore_mem>>) src(%dma_wait3A_74 : memref<2000xf32, #tpu.memory_space<hbm>>) dst(%arg10 : memref<2000xf32, #tpu.memory_space<vmem>>)
        tpu.yield
      }) : () -> ()
      %dma_start3A = arith.constant 0 : i32
      %dma_start3A_44 = arith.constant 0 : i32
      %dma_start3A_45 = tpu.memref_slice %arg8[%dma_start3A, %dma_start3A_44] : memref<20x100xi32, #tpu.memory_space<vmem>> -> memref<1x100xi32, #tpu.memory_space<vmem>>
      %dma_start3A_46 = tpu.memref_squeeze %dma_start3A_45 : memref<1x100xi32, #tpu.memory_space<vmem>> -> memref<100xi32, #tpu.memory_space<vmem>>
      %dma_start3A_47 = arith.constant 0 : i32
      %dma_start3A_48 = arith.constant 0 : i32
      %dma_start3A_49 = tpu.memref_slice %arg2[%dma_start3A_47, %dma_start3A_48] : memref<10000x144xf32, #tpu.memory_space<hbm>> -> memref<10000x144xf32, #tpu.memory_space<hbm>>
      tpu.enqueue_indirect_dma source(%dma_start3A_49 : memref<10000x144xf32, #tpu.memory_space<hbm>>) target(%arg11 : memref<100x144xf32, #tpu.memory_space<vmem>>) offsets(%dma_start3A_46 : memref<100xi32, #tpu.memory_space<vmem>>) semaphore(%arg13 : memref<!tpu.dma_semaphore, #tpu.memory_space<semaphore_mem>>)
      %dma_start3A_50 = arith.constant 1 : i32
      %dma_start3A_51 = arith.constant 0 : i32
      %dma_start3A_52 = tpu.memref_slice %arg8[%dma_start3A_50, %dma_start3A_51] : memref<20x100xi32, #tpu.memory_space<vmem>> -> memref<1x100xi32, #tpu.memory_space<vmem>>
      %dma_start3A_53 = tpu.memref_squeeze %dma_start3A_52 : memref<1x100xi32, #tpu.memory_space<vmem>> -> memref<100xi32, #tpu.memory_space<vmem>>
      %dma_start3A_54 = arith.constant 0 : i32
      %dma_start3A_55 = arith.constant 0 : i32
      %dma_start3A_56 = tpu.memref_slice %arg2[%dma_start3A_54, %dma_start3A_55] : memref<10000x144xf32, #tpu.memory_space<hbm>> -> memref<10000x144xf32, #tpu.memory_space<hbm>>
      tpu.enqueue_indirect_dma source(%dma_start3A_56 : memref<10000x144xf32, #tpu.memory_space<hbm>>) target(%arg12 : memref<100x144xf32, #tpu.memory_space<vmem>>) offsets(%dma_start3A_53 : memref<100xi32, #tpu.memory_space<vmem>>) semaphore(%arg14 : memref<!tpu.dma_semaphore, #tpu.memory_space<semaphore_mem>>)
      %scan3A_57 = arith.constant 0 : i32
      %scan3A_58 = arith.constant 1 : i32
      %scan3A_59 = arith.constant 0 : i32
      %scan3A_60 = arith.constant 10 : i32
      %scan3A_61 = arith.addi %scan3A_59, %scan3A_60 : i32
      %scan3A_62 = arith.constant 1 : i32
      scf.for %scan3A_64 = %scan3A_59 to %scan3A_61 step %scan3A_62  : i32 {
        %mul3A_65 = arith.constant 2 : i32
        %mul3A_66 = arith.muli %scan3A_64, %mul3A_65 : i32
        %dma_wait3A = arith.constant 0 : i32
        %dma_wait3A_67 = tpu.memref_slice %arg8[%scan3A_57, %dma_wait3A] : memref<20x100xi32, #tpu.memory_space<vmem>> -> memref<1x100xi32, #tpu.memory_space<vmem>>
        %dma_wait3A_68 = tpu.memref_squeeze %dma_wait3A_67 : memref<1x100xi32, #tpu.memory_space<vmem>> -> memref<100xi32, #tpu.memory_space<vmem>>
        %dma_wait3A_69 = arith.constant 0 : i32
        %dma_wait3A_70 = arith.constant 0 : i32
        %dma_wait3A_71 = tpu.memref_slice %arg2[%dma_wait3A_69, %dma_wait3A_70] : memref<10000x144xf32, #tpu.memory_space<hbm>> -> memref<10000x144xf32, #tpu.memory_space<hbm>>
        tpu.wait_indirect_dma semaphore(%arg13 : memref<!tpu.dma_semaphore, #tpu.memory_space<semaphore_mem>>) src(%dma_wait3A_71 : memref<10000x144xf32, #tpu.memory_space<hbm>>) dst(%arg11 : memref<100x144xf32, #tpu.memory_space<vmem>>)
        %mul3A_72 = arith.constant 100 : i32
        %mul3A_73 = arith.muli %mul3A_66, %mul3A_72 : i32
        %parallel_loop3A = arith.constant 0 : i32
        %parallel_loop3A_74 = arith.constant 100 : i32
        %parallel_loop3A_75 = arith.constant 1 : i32
        scf.for %parallel_loop3A_122 = %parallel_loop3A to %parallel_loop3A_74 step %parallel_loop3A_75  : i32 {
          %parallel_loop3A_123 = arith.addi %mul3A_73, %parallel_loop3A_122 : i32
          %parallel_loop3A_124 = vector.broadcast %parallel_loop3A_123 : i32 to vector<16xi32>
          %parallel_loop3A_125 = tpu.vector_load_idx %arg10[%parallel_loop3A_124] : memref<2000xf32, #tpu.memory_space<vmem>>[vector<16xi32>], vector<16xf32>,
          %parallel_loop3A_126 = arith.index_cast %parallel_loop3A_122 : i32 to index
          %parallel_loop3A_127 = arith.constant 0 : index
          %parallel_loop3A_128 = tpu.vector_load %arg11[%parallel_loop3A_126, %parallel_loop3A_127] {strides = array<i32>} : memref<100x144xf32, #tpu.memory_space<vmem>>, vector<16xf32>,
          %parallel_loop3A_129 = arith.mulf %parallel_loop3A_128, %parallel_loop3A_125 : vector<16xf32>
          %parallel_loop3A_130 = arith.index_cast %parallel_loop3A_122 : i32 to index
          %parallel_loop3A_131 = arith.constant 0 : index
          %parallel_loop3A_132 = tpu.vector_load %arg11[%parallel_loop3A_130, %parallel_loop3A_131] {strides = array<i32>} : memref<100x144xf32, #tpu.memory_space<vmem>>, vector<16xf32>,
          tpu.vector_store %arg11[%parallel_loop3A_130, %parallel_loop3A_131], %parallel_loop3A_129 {strides = array<i32>} : memref<100x144xf32, #tpu.memory_space<vmem>>, vector<16xf32>,
          %parallel_loop3A_133 = arith.index_cast %parallel_loop3A_122 : i32 to index
          %parallel_loop3A_134 = arith.constant 16 : index
          %parallel_loop3A_135 = tpu.vector_load %arg11[%parallel_loop3A_133, %parallel_loop3A_134] {strides = array<i32>} : memref<100x144xf32, #tpu.memory_space<vmem>>, vector<16xf32>,
          %parallel_loop3A_136 = arith.mulf %parallel_loop3A_135, %parallel_loop3A_125 : vector<16xf32>
          %parallel_loop3A_137 = arith.index_cast %parallel_loop3A_122 : i32 to index
          %parallel_loop3A_138 = arith.constant 16 : index
          %parallel_loop3A_139 = tpu.vector_load %arg11[%parallel_loop3A_137, %parallel_loop3A_138] {strides = array<i32>} : memref<100x144xf32, #tpu.memory_space<vmem>>, vector<16xf32>,
          tpu.vector_store %arg11[%parallel_loop3A_137, %parallel_loop3A_138], %parallel_loop3A_136 {strides = array<i32>} : memref<100x144xf32, #tpu.memory_space<vmem>>, vector<16xf32>,
          %parallel_loop3A_140 = arith.index_cast %parallel_loop3A_122 : i32 to index
          %parallel_loop3A_141 = arith.constant 32 : index
          %parallel_loop3A_142 = tpu.vector_load %arg11[%parallel_loop3A_140, %parallel_loop3A_141] {strides = array<i32>} : memref<100x144xf32, #tpu.memory_space<vmem>>, vector<16xf32>,
          %parallel_loop3A_143 = arith.mulf %parallel_loop3A_142, %parallel_loop3A_125 : vector<16xf32>
          %parallel_loop3A_144 = arith.index_cast %parallel_loop3A_122 : i32 to index
          %parallel_loop3A_145 = arith.constant 32 : index
          %parallel_loop3A_146 = tpu.vector_load %arg11[%parallel_loop3A_144, %parallel_loop3A_145] {strides = array<i32>} : memref<100x144xf32, #tpu.memory_space<vmem>>, vector<16xf32>,
          tpu.vector_store %arg11[%parallel_loop3A_144, %parallel_loop3A_145], %parallel_loop3A_143 {strides = array<i32>} : memref<100x144xf32, #tpu.memory_space<vmem>>, vector<16xf32>,
          %parallel_loop3A_147 = arith.index_cast %parallel_loop3A_122 : i32 to index
          %parallel_loop3A_148 = arith.constant 48 : index
          %parallel_loop3A_149 = tpu.vector_load %arg11[%parallel_loop3A_147, %parallel_loop3A_148] {strides = array<i32>} : memref<100x144xf32, #tpu.memory_space<vmem>>, vector<16xf32>,
          %parallel_loop3A_150 = arith.mulf %parallel_loop3A_149, %parallel_loop3A_125 : vector<16xf32>
          %parallel_loop3A_151 = arith.index_cast %parallel_loop3A_122 : i32 to index
          %parallel_loop3A_152 = arith.constant 48 : index
          %parallel_loop3A_153 = tpu.vector_load %arg11[%parallel_loop3A_151, %parallel_loop3A_152] {strides = array<i32>} : memref<100x144xf32, #tpu.memory_space<vmem>>, vector<16xf32>,
          tpu.vector_store %arg11[%parallel_loop3A_151, %parallel_loop3A_152], %parallel_loop3A_150 {strides = array<i32>} : memref<100x144xf32, #tpu.memory_space<vmem>>, vector<16xf32>,
          %parallel_loop3A_154 = arith.index_cast %parallel_loop3A_122 : i32 to index
          %parallel_loop3A_155 = arith.constant 64 : index
          %parallel_loop3A_156 = tpu.vector_load %arg11[%parallel_loop3A_154, %parallel_loop3A_155] {strides = array<i32>} : memref<100x144xf32, #tpu.memory_space<vmem>>, vector<16xf32>,
          %parallel_loop3A_157 = arith.mulf %parallel_loop3A_156, %parallel_loop3A_125 : vector<16xf32>
          %parallel_loop3A_158 = arith.index_cast %parallel_loop3A_122 : i32 to index
          %parallel_loop3A_159 = arith.constant 64 : index
          %parallel_loop3A_160 = tpu.vector_load %arg11[%parallel_loop3A_158, %parallel_loop3A_159] {strides = array<i32>} : memref<100x144xf32, #tpu.memory_space<vmem>>, vector<16xf32>,
          tpu.vector_store %arg11[%parallel_loop3A_158, %parallel_loop3A_159], %parallel_loop3A_157 {strides = array<i32>} : memref<100x144xf32, #tpu.memory_space<vmem>>, vector<16xf32>,
          %parallel_loop3A_161 = arith.index_cast %parallel_loop3A_122 : i32 to index
          %parallel_loop3A_162 = arith.constant 80 : index
          %parallel_loop3A_163 = tpu.vector_load %arg11[%parallel_loop3A_161, %parallel_loop3A_162] {strides = array<i32>} : memref<100x144xf32, #tpu.memory_space<vmem>>, vector<16xf32>,
          %parallel_loop3A_164 = arith.mulf %parallel_loop3A_163, %parallel_loop3A_125 : vector<16xf32>
          %parallel_loop3A_165 = arith.index_cast %parallel_loop3A_122 : i32 to index
          %parallel_loop3A_166 = arith.constant 80 : index
          %parallel_loop3A_167 = tpu.vector_load %arg11[%parallel_loop3A_165, %parallel_loop3A_166] {strides = array<i32>} : memref<100x144xf32, #tpu.memory_space<vmem>>, vector<16xf32>,
          tpu.vector_store %arg11[%parallel_loop3A_165, %parallel_loop3A_166], %parallel_loop3A_164 {strides = array<i32>} : memref<100x144xf32, #tpu.memory_space<vmem>>, vector<16xf32>,
          %parallel_loop3A_168 = arith.index_cast %parallel_loop3A_122 : i32 to index
          %parallel_loop3A_169 = arith.constant 96 : index
          %parallel_loop3A_170 = tpu.vector_load %arg11[%parallel_loop3A_168, %parallel_loop3A_169] {strides = array<i32>} : memref<100x144xf32, #tpu.memory_space<vmem>>, vector<16xf32>,
          %parallel_loop3A_171 = arith.mulf %parallel_loop3A_170, %parallel_loop3A_125 : vector<16xf32>
          %parallel_loop3A_172 = arith.index_cast %parallel_loop3A_122 : i32 to index
          %parallel_loop3A_173 = arith.constant 96 : index
          %parallel_loop3A_174 = tpu.vector_load %arg11[%parallel_loop3A_172, %parallel_loop3A_173] {strides = array<i32>} : memref<100x144xf32, #tpu.memory_space<vmem>>, vector<16xf32>,
          tpu.vector_store %arg11[%parallel_loop3A_172, %parallel_loop3A_173], %parallel_loop3A_171 {strides = array<i32>} : memref<100x144xf32, #tpu.memory_space<vmem>>, vector<16xf32>,
          %parallel_loop3A_175 = arith.index_cast %parallel_loop3A_122 : i32 to index
          %parallel_loop3A_176 = arith.constant 112 : index
          %parallel_loop3A_177 = tpu.vector_load %arg11[%parallel_loop3A_175, %parallel_loop3A_176] {strides = array<i32>} : memref<100x144xf32, #tpu.memory_space<vmem>>, vector<16xf32>,
          %parallel_loop3A_178 = arith.mulf %parallel_loop3A_177, %parallel_loop3A_125 : vector<16xf32>
          %parallel_loop3A_179 = arith.index_cast %parallel_loop3A_122 : i32 to index
          %parallel_loop3A_180 = arith.constant 112 : index
          %parallel_loop3A_181 = tpu.vector_load %arg11[%parallel_loop3A_179, %parallel_loop3A_180] {strides = array<i32>} : memref<100x144xf32, #tpu.memory_space<vmem>>, vector<16xf32>,
          tpu.vector_store %arg11[%parallel_loop3A_179, %parallel_loop3A_180], %parallel_loop3A_178 {strides = array<i32>} : memref<100x144xf32, #tpu.memory_space<vmem>>, vector<16xf32>,
          %parallel_loop3A_182 = arith.index_cast %parallel_loop3A_122 : i32 to index
          %parallel_loop3A_183 = arith.constant 128 : index
          %parallel_loop3A_184 = tpu.vector_load %arg11[%parallel_loop3A_182, %parallel_loop3A_183] {strides = array<i32>} : memref<100x144xf32, #tpu.memory_space<vmem>>, vector<16xf32>,
          %parallel_loop3A_185 = arith.mulf %parallel_loop3A_184, %parallel_loop3A_125 : vector<16xf32>
          %parallel_loop3A_186 = arith.index_cast %parallel_loop3A_122 : i32 to index
          %parallel_loop3A_187 = arith.constant 128 : index
          %parallel_loop3A_188 = tpu.vector_load %arg11[%parallel_loop3A_186, %parallel_loop3A_187] {strides = array<i32>} : memref<100x144xf32, #tpu.memory_space<vmem>>, vector<16xf32>,
          tpu.vector_store %arg11[%parallel_loop3A_186, %parallel_loop3A_187], %parallel_loop3A_185 {strides = array<i32>} : memref<100x144xf32, #tpu.memory_space<vmem>>, vector<16xf32>,
        } {sc.loop_unroll_factor = 4 : i64, sc.parallel_access}
        %dma_start3A_76 = arith.constant 0 : i32
        %dma_start3A_77 = tpu.memref_slice %arg9[%mul3A_66, %dma_start3A_76] : memref<20x100xi32, #tpu.memory_space<vmem>> -> memref<1x100xi32, #tpu.memory_space<vmem>>
        %dma_start3A_78 = tpu.memref_squeeze %dma_start3A_77 : memref<1x100xi32, #tpu.memory_space<vmem>> -> memref<100xi32, #tpu.memory_space<vmem>>
        %dma_start3A_79 = arith.constant 0 : i32
        %dma_start3A_80 = arith.constant 0 : i32
        %dma_start3A_81 = tpu.memref_slice %arg7[%dma_start3A_79, %dma_start3A_80] : memref<10000x144xf32, #tpu.memory_space<vmem_shared>> -> memref<10000x144xf32, #tpu.memory_space<vmem_shared>>
        tpu.enqueue_indirect_dma source(%arg11 : memref<100x144xf32, #tpu.memory_space<vmem>>) target(%dma_start3A_81 : memref<10000x144xf32, #tpu.memory_space<vmem_shared>>) offsets(%dma_start3A_78 : memref<100xi32, #tpu.memory_space<vmem>>) semaphore(%arg15 : memref<!tpu.dma_semaphore, #tpu.memory_space<semaphore_mem>>) {add = true}
        %dma_wait3A_82 = arith.constant 0 : i32
        %dma_wait3A_83 = tpu.memref_slice %arg8[%scan3A_58, %dma_wait3A_82] : memref<20x100xi32, #tpu.memory_space<vmem>> -> memref<1x100xi32, #tpu.memory_space<vmem>>
        %dma_wait3A_84 = tpu.memref_squeeze %dma_wait3A_83 : memref<1x100xi32, #tpu.memory_space<vmem>> -> memref<100xi32, #tpu.memory_space<vmem>>
        %dma_wait3A_85 = arith.constant 0 : i32
        %dma_wait3A_86 = arith.constant 0 : i32
        %dma_wait3A_87 = tpu.memref_slice %arg2[%dma_wait3A_85, %dma_wait3A_86] : memref<10000x144xf32, #tpu.memory_space<hbm>> -> memref<10000x144xf32, #tpu.memory_space<hbm>>
        tpu.wait_indirect_dma semaphore(%arg14 : memref<!tpu.dma_semaphore, #tpu.memory_space<semaphore_mem>>) src(%dma_wait3A_87 : memref<10000x144xf32, #tpu.memory_space<hbm>>) dst(%arg12 : memref<100x144xf32, #tpu.memory_space<vmem>>)
        %add3A_88 = arith.constant 1 : i32
        %add3A_89 = arith.addi %mul3A_66, %add3A_88 : i32
        %mul3A_90 = arith.constant 100 : i32
        %mul3A_91 = arith.muli %add3A_89, %mul3A_90 : i32
        %parallel_loop3A_92 = arith.constant 0 : i32
        %parallel_loop3A_93 = arith.constant 100 : i32
        %parallel_loop3A_94 = arith.constant 1 : i32
        scf.for %parallel_loop3A_122 = %parallel_loop3A_92 to %parallel_loop3A_93 step %parallel_loop3A_94  : i32 {
          %parallel_loop3A_123 = arith.addi %mul3A_91, %parallel_loop3A_122 : i32
          %parallel_loop3A_124 = vector.broadcast %parallel_loop3A_123 : i32 to vector<16xi32>
          %parallel_loop3A_125 = tpu.vector_load_idx %arg10[%parallel_loop3A_124] : memref<2000xf32, #tpu.memory_space<vmem>>[vector<16xi32>], vector<16xf32>,
          %parallel_loop3A_126 = arith.index_cast %parallel_loop3A_122 : i32 to index
          %parallel_loop3A_127 = arith.constant 0 : index
          %parallel_loop3A_128 = tpu.vector_load %arg12[%parallel_loop3A_126, %parallel_loop3A_127] {strides = array<i32>} : memref<100x144xf32, #tpu.memory_space<vmem>>, vector<16xf32>,
          %parallel_loop3A_129 = arith.mulf %parallel_loop3A_128, %parallel_loop3A_125 : vector<16xf32>
          %parallel_loop3A_130 = arith.index_cast %parallel_loop3A_122 : i32 to index
          %parallel_loop3A_131 = arith.constant 0 : index
          %parallel_loop3A_132 = tpu.vector_load %arg12[%parallel_loop3A_130, %parallel_loop3A_131] {strides = array<i32>} : memref<100x144xf32, #tpu.memory_space<vmem>>, vector<16xf32>,
          tpu.vector_store %arg12[%parallel_loop3A_130, %parallel_loop3A_131], %parallel_loop3A_129 {strides = array<i32>} : memref<100x144xf32, #tpu.memory_space<vmem>>, vector<16xf32>,
          %parallel_loop3A_133 = arith.index_cast %parallel_loop3A_122 : i32 to index
          %parallel_loop3A_134 = arith.constant 16 : index
          %parallel_loop3A_135 = tpu.vector_load %arg12[%parallel_loop3A_133, %parallel_loop3A_134] {strides = array<i32>} : memref<100x144xf32, #tpu.memory_space<vmem>>, vector<16xf32>,
          %parallel_loop3A_136 = arith.mulf %parallel_loop3A_135, %parallel_loop3A_125 : vector<16xf32>
          %parallel_loop3A_137 = arith.index_cast %parallel_loop3A_122 : i32 to index
          %parallel_loop3A_138 = arith.constant 16 : index
          %parallel_loop3A_139 = tpu.vector_load %arg12[%parallel_loop3A_137, %parallel_loop3A_138] {strides = array<i32>} : memref<100x144xf32, #tpu.memory_space<vmem>>, vector<16xf32>,
          tpu.vector_store %arg12[%parallel_loop3A_137, %parallel_loop3A_138], %parallel_loop3A_136 {strides = array<i32>} : memref<100x144xf32, #tpu.memory_space<vmem>>, vector<16xf32>,
          %parallel_loop3A_140 = arith.index_cast %parallel_loop3A_122 : i32 to index
          %parallel_loop3A_141 = arith.constant 32 : index
          %parallel_loop3A_142 = tpu.vector_load %arg12[%parallel_loop3A_140, %parallel_loop3A_141] {strides = array<i32>} : memref<100x144xf32, #tpu.memory_space<vmem>>, vector<16xf32>,
          %parallel_loop3A_143 = arith.mulf %parallel_loop3A_142, %parallel_loop3A_125 : vector<16xf32>
          %parallel_loop3A_144 = arith.index_cast %parallel_loop3A_122 : i32 to index
          %parallel_loop3A_145 = arith.constant 32 : index
          %parallel_loop3A_146 = tpu.vector_load %arg12[%parallel_loop3A_144, %parallel_loop3A_145] {strides = array<i32>} : memref<100x144xf32, #tpu.memory_space<vmem>>, vector<16xf32>,
          tpu.vector_store %arg12[%parallel_loop3A_144, %parallel_loop3A_145], %parallel_loop3A_143 {strides = array<i32>} : memref<100x144xf32, #tpu.memory_space<vmem>>, vector<16xf32>,
          %parallel_loop3A_147 = arith.index_cast %parallel_loop3A_122 : i32 to index
          %parallel_loop3A_148 = arith.constant 48 : index
          %parallel_loop3A_149 = tpu.vector_load %arg12[%parallel_loop3A_147, %parallel_loop3A_148] {strides = array<i32>} : memref<100x144xf32, #tpu.memory_space<vmem>>, vector<16xf32>,
          %parallel_loop3A_150 = arith.mulf %parallel_loop3A_149, %parallel_loop3A_125 : vector<16xf32>
          %parallel_loop3A_151 = arith.index_cast %parallel_loop3A_122 : i32 to index
          %parallel_loop3A_152 = arith.constant 48 : index
          %parallel_loop3A_153 = tpu.vector_load %arg12[%parallel_loop3A_151, %parallel_loop3A_152] {strides = array<i32>} : memref<100x144xf32, #tpu.memory_space<vmem>>, vector<16xf32>,
          tpu.vector_store %arg12[%parallel_loop3A_151, %parallel_loop3A_152], %parallel_loop3A_150 {strides = array<i32>} : memref<100x144xf32, #tpu.memory_space<vmem>>, vector<16xf32>,
          %parallel_loop3A_154 = arith.index_cast %parallel_loop3A_122 : i32 to index
          %parallel_loop3A_155 = arith.constant 64 : index
          %parallel_loop3A_156 = tpu.vector_load %arg12[%parallel_loop3A_154, %parallel_loop3A_155] {strides = array<i32>} : memref<100x144xf32, #tpu.memory_space<vmem>>, vector<16xf32>,
          %parallel_loop3A_157 = arith.mulf %parallel_loop3A_156, %parallel_loop3A_125 : vector<16xf32>
          %parallel_loop3A_158 = arith.index_cast %parallel_loop3A_122 : i32 to index
          %parallel_loop3A_159 = arith.constant 64 : index
          %parallel_loop3A_160 = tpu.vector_load %arg12[%parallel_loop3A_158, %parallel_loop3A_159] {strides = array<i32>} : memref<100x144xf32, #tpu.memory_space<vmem>>, vector<16xf32>,
          tpu.vector_store %arg12[%parallel_loop3A_158, %parallel_loop3A_159], %parallel_loop3A_157 {strides = array<i32>} : memref<100x144xf32, #tpu.memory_space<vmem>>, vector<16xf32>,
          %parallel_loop3A_161 = arith.index_cast %parallel_loop3A_122 : i32 to index
          %parallel_loop3A_162 = arith.constant 80 : index
          %parallel_loop3A_163 = tpu.vector_load %arg12[%parallel_loop3A_161, %parallel_loop3A_162] {strides = array<i32>} : memref<100x144xf32, #tpu.memory_space<vmem>>, vector<16xf32>,
          %parallel_loop3A_164 = arith.mulf %parallel_loop3A_163, %parallel_loop3A_125 : vector<16xf32>
          %parallel_loop3A_165 = arith.index_cast %parallel_loop3A_122 : i32 to index
          %parallel_loop3A_166 = arith.constant 80 : index
          %parallel_loop3A_167 = tpu.vector_load %arg12[%parallel_loop3A_165, %parallel_loop3A_166] {strides = array<i32>} : memref<100x144xf32, #tpu.memory_space<vmem>>, vector<16xf32>,
          tpu.vector_store %arg12[%parallel_loop3A_165, %parallel_loop3A_166], %parallel_loop3A_164 {strides = array<i32>} : memref<100x144xf32, #tpu.memory_space<vmem>>, vector<16xf32>,
          %parallel_loop3A_168 = arith.index_cast %parallel_loop3A_122 : i32 to index
          %parallel_loop3A_169 = arith.constant 96 : index
          %parallel_loop3A_170 = tpu.vector_load %arg12[%parallel_loop3A_168, %parallel_loop3A_169] {strides = array<i32>} : memref<100x144xf32, #tpu.memory_space<vmem>>, vector<16xf32>,
          %parallel_loop3A_171 = arith.mulf %parallel_loop3A_170, %parallel_loop3A_125 : vector<16xf32>
          %parallel_loop3A_172 = arith.index_cast %parallel_loop3A_122 : i32 to index
          %parallel_loop3A_173 = arith.constant 96 : index
          %parallel_loop3A_174 = tpu.vector_load %arg12[%parallel_loop3A_172, %parallel_loop3A_173] {strides = array<i32>} : memref<100x144xf32, #tpu.memory_space<vmem>>, vector<16xf32>,
          tpu.vector_store %arg12[%parallel_loop3A_172, %parallel_loop3A_173], %parallel_loop3A_171 {strides = array<i32>} : memref<100x144xf32, #tpu.memory_space<vmem>>, vector<16xf32>,
          %parallel_loop3A_175 = arith.index_cast %parallel_loop3A_122 : i32 to index
          %parallel_loop3A_176 = arith.constant 112 : index
          %parallel_loop3A_177 = tpu.vector_load %arg12[%parallel_loop3A_175, %parallel_loop3A_176] {strides = array<i32>} : memref<100x144xf32, #tpu.memory_space<vmem>>, vector<16xf32>,
          %parallel_loop3A_178 = arith.mulf %parallel_loop3A_177, %parallel_loop3A_125 : vector<16xf32>
          %parallel_loop3A_179 = arith.index_cast %parallel_loop3A_122 : i32 to index
          %parallel_loop3A_180 = arith.constant 112 : index
          %parallel_loop3A_181 = tpu.vector_load %arg12[%parallel_loop3A_179, %parallel_loop3A_180] {strides = array<i32>} : memref<100x144xf32, #tpu.memory_space<vmem>>, vector<16xf32>,
          tpu.vector_store %arg12[%parallel_loop3A_179, %parallel_loop3A_180], %parallel_loop3A_178 {strides = array<i32>} : memref<100x144xf32, #tpu.memory_space<vmem>>, vector<16xf32>,
          %parallel_loop3A_182 = arith.index_cast %parallel_loop3A_122 : i32 to index
          %parallel_loop3A_183 = arith.constant 128 : index
          %parallel_loop3A_184 = tpu.vector_load %arg12[%parallel_loop3A_182, %parallel_loop3A_183] {strides = array<i32>} : memref<100x144xf32, #tpu.memory_space<vmem>>, vector<16xf32>,
          %parallel_loop3A_185 = arith.mulf %parallel_loop3A_184, %parallel_loop3A_125 : vector<16xf32>
          %parallel_loop3A_186 = arith.index_cast %parallel_loop3A_122 : i32 to index
          %parallel_loop3A_187 = arith.constant 128 : index
          %parallel_loop3A_188 = tpu.vector_load %arg12[%parallel_loop3A_186, %parallel_loop3A_187] {strides = array<i32>} : memref<100x144xf32, #tpu.memory_space<vmem>>, vector<16xf32>,
          tpu.vector_store %arg12[%parallel_loop3A_186, %parallel_loop3A_187], %parallel_loop3A_185 {strides = array<i32>} : memref<100x144xf32, #tpu.memory_space<vmem>>, vector<16xf32>,
        } {sc.loop_unroll_factor = 4 : i64, sc.parallel_access}
        %add3A_95 = arith.constant 1 : i32
        %add3A_96 = arith.addi %mul3A_66, %add3A_95 : i32
        %dma_start3A_97 = arith.constant 0 : i32
        %dma_start3A_98 = tpu.memref_slice %arg9[%add3A_96, %dma_start3A_97] : memref<20x100xi32, #tpu.memory_space<vmem>> -> memref<1x100xi32, #tpu.memory_space<vmem>>
        %dma_start3A_99 = tpu.memref_squeeze %dma_start3A_98 : memref<1x100xi32, #tpu.memory_space<vmem>> -> memref<100xi32, #tpu.memory_space<vmem>>
        %dma_start3A_100 = arith.constant 0 : i32
        %dma_start3A_101 = arith.constant 0 : i32
        %dma_start3A_102 = tpu.memref_slice %arg7[%dma_start3A_100, %dma_start3A_101] : memref<10000x144xf32, #tpu.memory_space<vmem_shared>> -> memref<10000x144xf32, #tpu.memory_space<vmem_shared>>
        tpu.enqueue_indirect_dma source(%arg12 : memref<100x144xf32, #tpu.memory_space<vmem>>) target(%dma_start3A_102 : memref<10000x144xf32, #tpu.memory_space<vmem_shared>>) offsets(%dma_start3A_99 : memref<100xi32, #tpu.memory_space<vmem>>) semaphore(%arg16 : memref<!tpu.dma_semaphore, #tpu.memory_space<semaphore_mem>>) {add = true}
        %dma_wait3A_103 = arith.constant 0 : i32
        %dma_wait3A_104 = tpu.memref_slice %arg9[%mul3A_66, %dma_wait3A_103] : memref<20x100xi32, #tpu.memory_space<vmem>> -> memref<1x100xi32, #tpu.memory_space<vmem>>
        %dma_wait3A_105 = tpu.memref_squeeze %dma_wait3A_104 : memref<1x100xi32, #tpu.memory_space<vmem>> -> memref<100xi32, #tpu.memory_space<vmem>>
        %dma_wait3A_106 = arith.constant 0 : i32
        %dma_wait3A_107 = arith.constant 0 : i32
        %dma_wait3A_108 = tpu.memref_slice %arg7[%dma_wait3A_106, %dma_wait3A_107] : memref<10000x144xf32, #tpu.memory_space<vmem_shared>> -> memref<10000x144xf32, #tpu.memory_space<vmem_shared>>
        tpu.wait_indirect_dma semaphore(%arg15 : memref<!tpu.dma_semaphore, #tpu.memory_space<semaphore_mem>>) src(%arg11 : memref<100x144xf32, #tpu.memory_space<vmem>>) dst(%dma_wait3A_108 : memref<10000x144xf32, #tpu.memory_space<vmem_shared>>)
        %lt3A = arith.constant 9 : i32
        %lt3A_109 = arith.cmpi slt, %scan3A_64, %lt3A : i32
        %convert_element_type3A = arith.extui %lt3A_109 : i1 to i32
        %cond3A = arith.constant 0 : i32
        %cond3A_110 = arith.cmpi ne, %convert_element_type3A, %cond3A : i32
        scf.if %cond3A_110 {
          %add3A_122 = arith.constant 2 : i32
          %add3A_123 = arith.addi %mul3A_66, %add3A_122 : i32
          %dma_start3A_124 = arith.constant 0 : i32
          %dma_start3A_125 = tpu.memref_slice %arg8[%add3A_123, %dma_start3A_124] : memref<20x100xi32, #tpu.memory_space<vmem>> -> memref<1x100xi32, #tpu.memory_space<vmem>>
          %dma_start3A_126 = tpu.memref_squeeze %dma_start3A_125 : memref<1x100xi32, #tpu.memory_space<vmem>> -> memref<100xi32, #tpu.memory_space<vmem>>
          %dma_start3A_127 = arith.constant 0 : i32
          %dma_start3A_128 = arith.constant 0 : i32
          %dma_start3A_129 = tpu.memref_slice %arg2[%dma_start3A_127, %dma_start3A_128] : memref<10000x144xf32, #tpu.memory_space<hbm>> -> memref<10000x144xf32, #tpu.memory_space<hbm>>
          tpu.enqueue_indirect_dma source(%dma_start3A_129 : memref<10000x144xf32, #tpu.memory_space<hbm>>) target(%arg11 : memref<100x144xf32, #tpu.memory_space<vmem>>) offsets(%dma_start3A_126 : memref<100xi32, #tpu.memory_space<vmem>>) semaphore(%arg13 : memref<!tpu.dma_semaphore, #tpu.memory_space<semaphore_mem>>)
        } else {
        }
        %dma_wait3A_111 = arith.constant 0 : i32
        %dma_wait3A_112 = tpu.memref_slice %arg9[%add3A_96, %dma_wait3A_111] : memref<20x100xi32, #tpu.memory_space<vmem>> -> memref<1x100xi32, #tpu.memory_space<vmem>>
        %dma_wait3A_113 = tpu.memref_squeeze %dma_wait3A_112 : memref<1x100xi32, #tpu.memory_space<vmem>> -> memref<100xi32, #tpu.memory_space<vmem>>
        %dma_wait3A_114 = arith.constant 0 : i32
        %dma_wait3A_115 = arith.constant 0 : i32
        %dma_wait3A_116 = tpu.memref_slice %arg7[%dma_wait3A_114, %dma_wait3A_115] : memref<10000x144xf32, #tpu.memory_space<vmem_shared>> -> memref<10000x144xf32, #tpu.memory_space<vmem_shared>>
        tpu.wait_indirect_dma semaphore(%arg16 : memref<!tpu.dma_semaphore, #tpu.memory_space<semaphore_mem>>) src(%arg12 : memref<100x144xf32, #tpu.memory_space<vmem>>) dst(%dma_wait3A_116 : memref<10000x144xf32, #tpu.memory_space<vmem_shared>>)
        %lt3A_117 = arith.constant 9 : i32
        %lt3A_118 = arith.cmpi slt, %scan3A_64, %lt3A_117 : i32
        %convert_element_type3A_119 = arith.extui %lt3A_118 : i1 to i32
        %cond3A_120 = arith.constant 0 : i32
        %cond3A_121 = arith.cmpi ne, %convert_element_type3A_119, %cond3A_120 : i32
        scf.if %cond3A_121 {
          %add3A_122 = arith.constant 3 : i32
          %add3A_123 = arith.addi %mul3A_66, %add3A_122 : i32
          %dma_start3A_124 = arith.constant 0 : i32
          %dma_start3A_125 = tpu.memref_slice %arg8[%add3A_123, %dma_start3A_124] : memref<20x100xi32, #tpu.memory_space<vmem>> -> memref<1x100xi32, #tpu.memory_space<vmem>>
          %dma_start3A_126 = tpu.memref_squeeze %dma_start3A_125 : memref<1x100xi32, #tpu.memory_space<vmem>> -> memref<100xi32, #tpu.memory_space<vmem>>
          %dma_start3A_127 = arith.constant 0 : i32
          %dma_start3A_128 = arith.constant 0 : i32
          %dma_start3A_129 = tpu.memref_slice %arg2[%dma_start3A_127, %dma_start3A_128] : memref<10000x144xf32, #tpu.memory_space<hbm>> -> memref<10000x144xf32, #tpu.memory_space<hbm>>
          tpu.enqueue_indirect_dma source(%dma_start3A_129 : memref<10000x144xf32, #tpu.memory_space<hbm>>) target(%arg12 : memref<100x144xf32, #tpu.memory_space<vmem>>) offsets(%dma_start3A_126 : memref<100xi32, #tpu.memory_space<vmem>>) semaphore(%arg14 : memref<!tpu.dma_semaphore, #tpu.memory_space<semaphore_mem>>)
        } else {
        }
      }
      %scan3A_63 = arith.constant 10 : i32
    }
    %scan3A_37 = arith.constant 5 : i32
    %barrier3A_38 = arith.constant 0 : index
    tpu.barrier barrier_id(%barrier3A_38)
    %mul3A_39 = arith.constant 625 : i32
    %mul3A_40 = arith.muli %arg1, %mul3A_39 : i32
    %mul3A_41 = arith.constant 625 : i32
    %mul3A_42 = arith.muli %arg1, %mul3A_41 : i32
    "tpu.region"() ({
      %run_scoped3A = tpu.sem_alloc : memref<!tpu.dma_semaphore, #tpu.memory_space<semaphore_mem>>
      %dma_start3A = arith.constant 0 : i32
      %dma_start3A_43 = tpu.memref_slice %arg6[%arg0, %mul3A_42, %dma_start3A] : memref<2x10000x144xf32, #tpu.memory_space<hbm>> -> memref<1x625x144xf32, #tpu.memory_space<hbm>>
      %dma_start3A_44 = tpu.memref_squeeze %dma_start3A_43 : memref<1x625x144xf32, #tpu.memory_space<hbm>> -> memref<625x144xf32, #tpu.memory_space<hbm>>
      %dma_start3A_45 = arith.constant 0 : i32
      %dma_start3A_46 = tpu.memref_slice %arg7[%mul3A_40, %dma_start3A_45] : memref<10000x144xf32, #tpu.memory_space<vmem_shared>> -> memref<625x144xf32, #tpu.memory_space<vmem_shared>>
      tpu.enqueue_dma source(%dma_start3A_46 : memref<625x144xf32, #tpu.memory_space<vmem_shared>>) target(%dma_start3A_44 : memref<625x144xf32, #tpu.memory_space<hbm>>) target_semaphore(%run_scoped3A : memref<!tpu.dma_semaphore, #tpu.memory_space<semaphore_mem>>)
      %dma_wait3A = arith.constant 0 : i32
      %dma_wait3A_47 = tpu.memref_slice %arg6[%arg0, %mul3A_42, %dma_wait3A] : memref<2x10000x144xf32, #tpu.memory_space<hbm>> -> memref<1x625x144xf32, #tpu.memory_space<hbm>>
      %dma_wait3A_48 = tpu.memref_squeeze %dma_wait3A_47 : memref<1x625x144xf32, #tpu.memory_space<hbm>> -> memref<625x144xf32, #tpu.memory_space<hbm>>
      %dma_wait3A_49 = arith.constant 0 : i32
      %dma_wait3A_50 = tpu.memref_slice %arg7[%mul3A_40, %dma_wait3A_49] : memref<10000x144xf32, #tpu.memory_space<vmem_shared>> -> memref<625x144xf32, #tpu.memory_space<vmem_shared>>
      tpu.wait_dma2 semaphore(%run_scoped3A : memref<!tpu.dma_semaphore, #tpu.memory_space<semaphore_mem>>) src(%dma_wait3A_50 : memref<625x144xf32, #tpu.memory_space<vmem_shared>>) dst(%dma_wait3A_48 : memref<625x144xf32, #tpu.memory_space<hbm>>)
      tpu.yield
    }) : () -> ()
    return
  }
}

#map = affine_map<(d0, d1) -> (0, 0)>
#map1 = affine_map<(d0, d1) -> (0, 0, 0)>
#map2 = affine_map<(d0, d1) -> (0)>
module attributes {stable_mosaic.version = 14 : i64} {
  func.func @k(%arg0: i32, %arg1: i32, %arg2: memref<10000x16xf32, #tpu.memory_space<hbm>>, %arg3: memref<10000x16xf32, #tpu.memory_space<hbm>>, %arg4: memref<32x100x100xi32, #tpu.memory_space<hbm>>, %arg5: memref<32x100x100xi32, #tpu.memory_space<hbm>>, %arg6: memref<5120000xf32, #tpu.memory_space<hbm>>, %arg7: memref<100x100xi32, #tpu.memory_space<vmem>>, %arg8: memref<100x100xi32, #tpu.memory_space<vmem>>, %arg9: memref<100x16xf32, #tpu.memory_space<vmem>>, %arg10: memref<100x16xf32, #tpu.memory_space<vmem>>, %arg11: memref<100x16xf32, #tpu.memory_space<vmem>>, %arg12: memref<100x16xf32, #tpu.memory_space<vmem>>, %arg13: memref<100x16xf32, #tpu.memory_space<vmem>>, %arg14: memref<100x16xf32, #tpu.memory_space<vmem>>, %arg15: memref<100x16xf32, #tpu.memory_space<vmem>>, %arg16: memref<100x16xf32, #tpu.memory_space<vmem>>, %arg17: memref<1600xf32, #tpu.memory_space<vmem>>, %arg18: memref<1600xf32, #tpu.memory_space<vmem>>, %arg19: memref<1600xf32, #tpu.memory_space<vmem>>, %arg20: memref<1600xf32, #tpu.memory_space<vmem>>, %arg21: memref<!tpu.dma_semaphore, #tpu.memory_space<semaphore_mem>>, %arg22: memref<!tpu.dma_semaphore, #tpu.memory_space<semaphore_mem>>, %arg23: memref<!tpu.dma_semaphore, #tpu.memory_space<semaphore_mem>>, %arg24: memref<!tpu.dma_semaphore, #tpu.memory_space<semaphore_mem>>, %arg25: memref<!tpu.dma_semaphore, #tpu.memory_space<semaphore_mem>>, %arg26: memref<!tpu.dma_semaphore, #tpu.memory_space<semaphore_mem>>, %arg27: memref<!tpu.dma_semaphore, #tpu.memory_space<semaphore_mem>>, %arg28: memref<!tpu.dma_semaphore, #tpu.memory_space<semaphore_mem>>) attributes {dimension_semantics = [#tpu.dimension_semantics<core_parallel>, #tpu.dimension_semantics<subcore_parallel>], iteration_bounds = array<i64: 2, 16>, scalar_prefetch = 0 : i64, scratch_operands = 22 : i64, tpu.core_type = #tpu.core_type<sc_vector_subcore>, window_params = [{transform_indices = #map}, {transform_indices = #map}, {transform_indices = #map1}, {transform_indices = #map1}, {transform_indices = #map2}]} {
    %mul3A = arith.constant 2 : i32
    %mul3A_0 = arith.muli %arg1, %mul3A : i32
    %add3A = arith.addi %mul3A_0, %arg0 : i32
    "tpu.region"() ({
      %run_scoped3A = tpu.sem_alloc : memref<!tpu.dma_semaphore, #tpu.memory_space<semaphore_mem>>
      %dma_start3A_77 = arith.constant 0 : i32
      %dma_start3A_78 = arith.constant 0 : i32
      %dma_start3A_79 = tpu.memref_slice %arg4[%add3A, %dma_start3A_77, %dma_start3A_78] : memref<32x100x100xi32, #tpu.memory_space<hbm>> -> memref<1x100x100xi32, #tpu.memory_space<hbm>>
      %dma_start3A_80 = tpu.memref_squeeze %dma_start3A_79 : memref<1x100x100xi32, #tpu.memory_space<hbm>> -> memref<100x100xi32, #tpu.memory_space<hbm>>
      %dma_start3A_81 = arith.constant 0 : i32
      %dma_start3A_82 = arith.constant 0 : i32
      %dma_start3A_83 = tpu.memref_slice %arg4[%add3A, %dma_start3A_81, %dma_start3A_82] : memref<32x100x100xi32, #tpu.memory_space<hbm>> -> memref<1x100x100xi32, #tpu.memory_space<hbm>>
      %dma_start3A_84 = tpu.memref_squeeze %dma_start3A_83 : memref<1x100x100xi32, #tpu.memory_space<hbm>> -> memref<100x100xi32, #tpu.memory_space<hbm>>
      tpu.enqueue_dma source(%dma_start3A_84 : memref<100x100xi32, #tpu.memory_space<hbm>>) target(%arg7 : memref<100x100xi32, #tpu.memory_space<vmem>>) target_semaphore(%run_scoped3A : memref<!tpu.dma_semaphore, #tpu.memory_space<semaphore_mem>>)
      %dma_wait3A_85 = arith.constant 0 : i32
      %dma_wait3A_86 = arith.constant 0 : i32
      %dma_wait3A_87 = tpu.memref_slice %arg4[%add3A, %dma_wait3A_85, %dma_wait3A_86] : memref<32x100x100xi32, #tpu.memory_space<hbm>> -> memref<1x100x100xi32, #tpu.memory_space<hbm>>
      %dma_wait3A_88 = tpu.memref_squeeze %dma_wait3A_87 : memref<1x100x100xi32, #tpu.memory_space<hbm>> -> memref<100x100xi32, #tpu.memory_space<hbm>>
      %dma_wait3A_89 = arith.constant 0 : i32
      %dma_wait3A_90 = arith.constant 0 : i32
      %dma_wait3A_91 = tpu.memref_slice %arg4[%add3A, %dma_wait3A_89, %dma_wait3A_90] : memref<32x100x100xi32, #tpu.memory_space<hbm>> -> memref<1x100x100xi32, #tpu.memory_space<hbm>>
      %dma_wait3A_92 = tpu.memref_squeeze %dma_wait3A_91 : memref<1x100x100xi32, #tpu.memory_space<hbm>> -> memref<100x100xi32, #tpu.memory_space<hbm>>
      tpu.wait_dma2 semaphore(%run_scoped3A : memref<!tpu.dma_semaphore, #tpu.memory_space<semaphore_mem>>) src(%dma_wait3A_92 : memref<100x100xi32, #tpu.memory_space<hbm>>) dst(%arg7 : memref<100x100xi32, #tpu.memory_space<vmem>>)
      tpu.yield
    }) : () -> ()
    "tpu.region"() ({
      %run_scoped3A = tpu.sem_alloc : memref<!tpu.dma_semaphore, #tpu.memory_space<semaphore_mem>>
      %dma_start3A_77 = arith.constant 0 : i32
      %dma_start3A_78 = arith.constant 0 : i32
      %dma_start3A_79 = tpu.memref_slice %arg5[%add3A, %dma_start3A_77, %dma_start3A_78] : memref<32x100x100xi32, #tpu.memory_space<hbm>> -> memref<1x100x100xi32, #tpu.memory_space<hbm>>
      %dma_start3A_80 = tpu.memref_squeeze %dma_start3A_79 : memref<1x100x100xi32, #tpu.memory_space<hbm>> -> memref<100x100xi32, #tpu.memory_space<hbm>>
      %dma_start3A_81 = arith.constant 0 : i32
      %dma_start3A_82 = arith.constant 0 : i32
      %dma_start3A_83 = tpu.memref_slice %arg5[%add3A, %dma_start3A_81, %dma_start3A_82] : memref<32x100x100xi32, #tpu.memory_space<hbm>> -> memref<1x100x100xi32, #tpu.memory_space<hbm>>
      %dma_start3A_84 = tpu.memref_squeeze %dma_start3A_83 : memref<1x100x100xi32, #tpu.memory_space<hbm>> -> memref<100x100xi32, #tpu.memory_space<hbm>>
      tpu.enqueue_dma source(%dma_start3A_84 : memref<100x100xi32, #tpu.memory_space<hbm>>) target(%arg8 : memref<100x100xi32, #tpu.memory_space<vmem>>) target_semaphore(%run_scoped3A : memref<!tpu.dma_semaphore, #tpu.memory_space<semaphore_mem>>)
      %dma_wait3A_85 = arith.constant 0 : i32
      %dma_wait3A_86 = arith.constant 0 : i32
      %dma_wait3A_87 = tpu.memref_slice %arg5[%add3A, %dma_wait3A_85, %dma_wait3A_86] : memref<32x100x100xi32, #tpu.memory_space<hbm>> -> memref<1x100x100xi32, #tpu.memory_space<hbm>>
      %dma_wait3A_88 = tpu.memref_squeeze %dma_wait3A_87 : memref<1x100x100xi32, #tpu.memory_space<hbm>> -> memref<100x100xi32, #tpu.memory_space<hbm>>
      %dma_wait3A_89 = arith.constant 0 : i32
      %dma_wait3A_90 = arith.constant 0 : i32
      %dma_wait3A_91 = tpu.memref_slice %arg5[%add3A, %dma_wait3A_89, %dma_wait3A_90] : memref<32x100x100xi32, #tpu.memory_space<hbm>> -> memref<1x100x100xi32, #tpu.memory_space<hbm>>
      %dma_wait3A_92 = tpu.memref_squeeze %dma_wait3A_91 : memref<1x100x100xi32, #tpu.memory_space<hbm>> -> memref<100x100xi32, #tpu.memory_space<hbm>>
      tpu.wait_dma2 semaphore(%run_scoped3A : memref<!tpu.dma_semaphore, #tpu.memory_space<semaphore_mem>>) src(%dma_wait3A_92 : memref<100x100xi32, #tpu.memory_space<hbm>>) dst(%arg8 : memref<100x100xi32, #tpu.memory_space<vmem>>)
      tpu.yield
    }) : () -> ()
    %mul3A_1 = arith.constant 10000 : i32
    %mul3A_2 = arith.muli %add3A, %mul3A_1 : i32
    %dma_start3A = arith.constant 0 : i32
    %dma_start3A_3 = arith.constant 0 : i32
    %dma_start3A_4 = tpu.memref_slice %arg7[%dma_start3A, %dma_start3A_3] : memref<100x100xi32, #tpu.memory_space<vmem>> -> memref<1x100xi32, #tpu.memory_space<vmem>>
    %dma_start3A_5 = tpu.memref_squeeze %dma_start3A_4 : memref<1x100xi32, #tpu.memory_space<vmem>> -> memref<100xi32, #tpu.memory_space<vmem>>
    %dma_start3A_6 = arith.constant 0 : i32
    %dma_start3A_7 = arith.constant 0 : i32
    %dma_start3A_8 = tpu.memref_slice %arg2[%dma_start3A_6, %dma_start3A_7] : memref<10000x16xf32, #tpu.memory_space<hbm>> -> memref<10000x16xf32, #tpu.memory_space<hbm>>
    tpu.enqueue_indirect_dma source(%dma_start3A_8 : memref<10000x16xf32, #tpu.memory_space<hbm>>) target(%arg9 : memref<100x16xf32, #tpu.memory_space<vmem>>) offsets(%dma_start3A_5 : memref<100xi32, #tpu.memory_space<vmem>>) semaphore(%arg21 : memref<!tpu.dma_semaphore, #tpu.memory_space<semaphore_mem>>)
    %dma_start3A_9 = arith.constant 0 : i32
    %dma_start3A_10 = arith.constant 0 : i32
    %dma_start3A_11 = tpu.memref_slice %arg8[%dma_start3A_9, %dma_start3A_10] : memref<100x100xi32, #tpu.memory_space<vmem>> -> memref<1x100xi32, #tpu.memory_space<vmem>>
    %dma_start3A_12 = tpu.memref_squeeze %dma_start3A_11 : memref<1x100xi32, #tpu.memory_space<vmem>> -> memref<100xi32, #tpu.memory_space<vmem>>
    %dma_start3A_13 = arith.constant 0 : i32
    %dma_start3A_14 = arith.constant 0 : i32
    %dma_start3A_15 = tpu.memref_slice %arg3[%dma_start3A_13, %dma_start3A_14] : memref<10000x16xf32, #tpu.memory_space<hbm>> -> memref<10000x16xf32, #tpu.memory_space<hbm>>
    tpu.enqueue_indirect_dma source(%dma_start3A_15 : memref<10000x16xf32, #tpu.memory_space<hbm>>) target(%arg13 : memref<100x16xf32, #tpu.memory_space<vmem>>) offsets(%dma_start3A_12 : memref<100xi32, #tpu.memory_space<vmem>>) semaphore(%arg21 : memref<!tpu.dma_semaphore, #tpu.memory_space<semaphore_mem>>)
    %dma_start3A_16 = arith.constant 1 : i32
    %dma_start3A_17 = arith.constant 0 : i32
    %dma_start3A_18 = tpu.memref_slice %arg7[%dma_start3A_16, %dma_start3A_17] : memref<100x100xi32, #tpu.memory_space<vmem>> -> memref<1x100xi32, #tpu.memory_space<vmem>>
    %dma_start3A_19 = tpu.memref_squeeze %dma_start3A_18 : memref<1x100xi32, #tpu.memory_space<vmem>> -> memref<100xi32, #tpu.memory_space<vmem>>
    %dma_start3A_20 = arith.constant 0 : i32
    %dma_start3A_21 = arith.constant 0 : i32
    %dma_start3A_22 = tpu.memref_slice %arg2[%dma_start3A_20, %dma_start3A_21] : memref<10000x16xf32, #tpu.memory_space<hbm>> -> memref<10000x16xf32, #tpu.memory_space<hbm>>
    tpu.enqueue_indirect_dma source(%dma_start3A_22 : memref<10000x16xf32, #tpu.memory_space<hbm>>) target(%arg10 : memref<100x16xf32, #tpu.memory_space<vmem>>) offsets(%dma_start3A_19 : memref<100xi32, #tpu.memory_space<vmem>>) semaphore(%arg22 : memref<!tpu.dma_semaphore, #tpu.memory_space<semaphore_mem>>)
    %dma_start3A_23 = arith.constant 1 : i32
    %dma_start3A_24 = arith.constant 0 : i32
    %dma_start3A_25 = tpu.memref_slice %arg8[%dma_start3A_23, %dma_start3A_24] : memref<100x100xi32, #tpu.memory_space<vmem>> -> memref<1x100xi32, #tpu.memory_space<vmem>>
    %dma_start3A_26 = tpu.memref_squeeze %dma_start3A_25 : memref<1x100xi32, #tpu.memory_space<vmem>> -> memref<100xi32, #tpu.memory_space<vmem>>
    %dma_start3A_27 = arith.constant 0 : i32
    %dma_start3A_28 = arith.constant 0 : i32
    %dma_start3A_29 = tpu.memref_slice %arg3[%dma_start3A_27, %dma_start3A_28] : memref<10000x16xf32, #tpu.memory_space<hbm>> -> memref<10000x16xf32, #tpu.memory_space<hbm>>
    tpu.enqueue_indirect_dma source(%dma_start3A_29 : memref<10000x16xf32, #tpu.memory_space<hbm>>) target(%arg14 : memref<100x16xf32, #tpu.memory_space<vmem>>) offsets(%dma_start3A_26 : memref<100xi32, #tpu.memory_space<vmem>>) semaphore(%arg22 : memref<!tpu.dma_semaphore, #tpu.memory_space<semaphore_mem>>)
    %dma_start3A_30 = arith.constant 2 : i32
    %dma_start3A_31 = arith.constant 0 : i32
    %dma_start3A_32 = tpu.memref_slice %arg7[%dma_start3A_30, %dma_start3A_31] : memref<100x100xi32, #tpu.memory_space<vmem>> -> memref<1x100xi32, #tpu.memory_space<vmem>>
    %dma_start3A_33 = tpu.memref_squeeze %dma_start3A_32 : memref<1x100xi32, #tpu.memory_space<vmem>> -> memref<100xi32, #tpu.memory_space<vmem>>
    %dma_start3A_34 = arith.constant 0 : i32
    %dma_start3A_35 = arith.constant 0 : i32
    %dma_start3A_36 = tpu.memref_slice %arg2[%dma_start3A_34, %dma_start3A_35] : memref<10000x16xf32, #tpu.memory_space<hbm>> -> memref<10000x16xf32, #tpu.memory_space<hbm>>
    tpu.enqueue_indirect_dma source(%dma_start3A_36 : memref<10000x16xf32, #tpu.memory_space<hbm>>) target(%arg11 : memref<100x16xf32, #tpu.memory_space<vmem>>) offsets(%dma_start3A_33 : memref<100xi32, #tpu.memory_space<vmem>>) semaphore(%arg23 : memref<!tpu.dma_semaphore, #tpu.memory_space<semaphore_mem>>)
    %dma_start3A_37 = arith.constant 2 : i32
    %dma_start3A_38 = arith.constant 0 : i32
    %dma_start3A_39 = tpu.memref_slice %arg8[%dma_start3A_37, %dma_start3A_38] : memref<100x100xi32, #tpu.memory_space<vmem>> -> memref<1x100xi32, #tpu.memory_space<vmem>>
    %dma_start3A_40 = tpu.memref_squeeze %dma_start3A_39 : memref<1x100xi32, #tpu.memory_space<vmem>> -> memref<100xi32, #tpu.memory_space<vmem>>
    %dma_start3A_41 = arith.constant 0 : i32
    %dma_start3A_42 = arith.constant 0 : i32
    %dma_start3A_43 = tpu.memref_slice %arg3[%dma_start3A_41, %dma_start3A_42] : memref<10000x16xf32, #tpu.memory_space<hbm>> -> memref<10000x16xf32, #tpu.memory_space<hbm>>
    tpu.enqueue_indirect_dma source(%dma_start3A_43 : memref<10000x16xf32, #tpu.memory_space<hbm>>) target(%arg15 : memref<100x16xf32, #tpu.memory_space<vmem>>) offsets(%dma_start3A_40 : memref<100xi32, #tpu.memory_space<vmem>>) semaphore(%arg23 : memref<!tpu.dma_semaphore, #tpu.memory_space<semaphore_mem>>)
    %dma_start3A_44 = arith.constant 3 : i32
    %dma_start3A_45 = arith.constant 0 : i32
    %dma_start3A_46 = tpu.memref_slice %arg7[%dma_start3A_44, %dma_start3A_45] : memref<100x100xi32, #tpu.memory_space<vmem>> -> memref<1x100xi32, #tpu.memory_space<vmem>>
    %dma_start3A_47 = tpu.memref_squeeze %dma_start3A_46 : memref<1x100xi32, #tpu.memory_space<vmem>> -> memref<100xi32, #tpu.memory_space<vmem>>
    %dma_start3A_48 = arith.constant 0 : i32
    %dma_start3A_49 = arith.constant 0 : i32
    %dma_start3A_50 = tpu.memref_slice %arg2[%dma_start3A_48, %dma_start3A_49] : memref<10000x16xf32, #tpu.memory_space<hbm>> -> memref<10000x16xf32, #tpu.memory_space<hbm>>
    tpu.enqueue_indirect_dma source(%dma_start3A_50 : memref<10000x16xf32, #tpu.memory_space<hbm>>) target(%arg12 : memref<100x16xf32, #tpu.memory_space<vmem>>) offsets(%dma_start3A_47 : memref<100xi32, #tpu.memory_space<vmem>>) semaphore(%arg24 : memref<!tpu.dma_semaphore, #tpu.memory_space<semaphore_mem>>)
    %dma_start3A_51 = arith.constant 3 : i32
    %dma_start3A_52 = arith.constant 0 : i32
    %dma_start3A_53 = tpu.memref_slice %arg8[%dma_start3A_51, %dma_start3A_52] : memref<100x100xi32, #tpu.memory_space<vmem>> -> memref<1x100xi32, #tpu.memory_space<vmem>>
    %dma_start3A_54 = tpu.memref_squeeze %dma_start3A_53 : memref<1x100xi32, #tpu.memory_space<vmem>> -> memref<100xi32, #tpu.memory_space<vmem>>
    %dma_start3A_55 = arith.constant 0 : i32
    %dma_start3A_56 = arith.constant 0 : i32
    %dma_start3A_57 = tpu.memref_slice %arg3[%dma_start3A_55, %dma_start3A_56] : memref<10000x16xf32, #tpu.memory_space<hbm>> -> memref<10000x16xf32, #tpu.memory_space<hbm>>
    tpu.enqueue_indirect_dma source(%dma_start3A_57 : memref<10000x16xf32, #tpu.memory_space<hbm>>) target(%arg16 : memref<100x16xf32, #tpu.memory_space<vmem>>) offsets(%dma_start3A_54 : memref<100xi32, #tpu.memory_space<vmem>>) semaphore(%arg24 : memref<!tpu.dma_semaphore, #tpu.memory_space<semaphore_mem>>)
    %scan3A = arith.constant 0 : i32
    %scan3A_58 = arith.constant 25 : i32
    %scan3A_59 = arith.addi %scan3A, %scan3A_58 : i32
    %scan3A_60 = arith.constant 1 : i32
    scf.for %scan3A_77 = %scan3A to %scan3A_59 step %scan3A_60  : i32 {
      %mul3A_78 = arith.constant 4 : i32
      %mul3A_79 = arith.muli %scan3A_77, %mul3A_78 : i32
      %dma_wait3A_80 = arith.constant 0 : i32
      %dma_wait3A_81 = arith.constant 0 : i32
      %dma_wait3A_82 = tpu.memref_slice %arg7[%dma_wait3A_80, %dma_wait3A_81] : memref<100x100xi32, #tpu.memory_space<vmem>> -> memref<1x100xi32, #tpu.memory_space<vmem>>
      %dma_wait3A_83 = tpu.memref_squeeze %dma_wait3A_82 : memref<1x100xi32, #tpu.memory_space<vmem>> -> memref<100xi32, #tpu.memory_space<vmem>>
      %dma_wait3A_84 = arith.constant 0 : i32
      %dma_wait3A_85 = arith.constant 0 : i32
      %dma_wait3A_86 = tpu.memref_slice %arg2[%dma_wait3A_84, %dma_wait3A_85] : memref<10000x16xf32, #tpu.memory_space<hbm>> -> memref<10000x16xf32, #tpu.memory_space<hbm>>
      tpu.wait_indirect_dma semaphore(%arg21 : memref<!tpu.dma_semaphore, #tpu.memory_space<semaphore_mem>>) src(%dma_wait3A_86 : memref<10000x16xf32, #tpu.memory_space<hbm>>) dst(%arg9 : memref<100x16xf32, #tpu.memory_space<vmem>>)
      %dma_wait3A_87 = arith.constant 0 : i32
      %dma_wait3A_88 = arith.constant 0 : i32
      %dma_wait3A_89 = tpu.memref_slice %arg8[%dma_wait3A_87, %dma_wait3A_88] : memref<100x100xi32, #tpu.memory_space<vmem>> -> memref<1x100xi32, #tpu.memory_space<vmem>>
      %dma_wait3A_90 = tpu.memref_squeeze %dma_wait3A_89 : memref<1x100xi32, #tpu.memory_space<vmem>> -> memref<100xi32, #tpu.memory_space<vmem>>
      %dma_wait3A_91 = arith.constant 0 : i32
      %dma_wait3A_92 = arith.constant 0 : i32
      %dma_wait3A_93 = tpu.memref_slice %arg3[%dma_wait3A_91, %dma_wait3A_92] : memref<10000x16xf32, #tpu.memory_space<hbm>> -> memref<10000x16xf32, #tpu.memory_space<hbm>>
      tpu.wait_indirect_dma semaphore(%arg21 : memref<!tpu.dma_semaphore, #tpu.memory_space<semaphore_mem>>) src(%dma_wait3A_93 : memref<10000x16xf32, #tpu.memory_space<hbm>>) dst(%arg13 : memref<100x16xf32, #tpu.memory_space<vmem>>)
      %gt3A = arith.constant 0 : i32
      %gt3A_94 = arith.cmpi sgt, %scan3A_77, %gt3A : i32
      %convert_element_type3A = arith.extui %gt3A_94 : i1 to i32
      %cond3A = arith.constant 0 : i32
      %cond3A_95 = arith.cmpi ne, %convert_element_type3A, %cond3A : i32
      scf.if %cond3A_95 {
        %mul3A_219 = arith.constant 16 : i32
        %mul3A_220 = arith.muli %mul3A_2, %mul3A_219 : i32
        %dma_wait3A_221 = tpu.memref_slice %arg6[%mul3A_220] : memref<5120000xf32, #tpu.memory_space<hbm>> -> memref<1600xf32, #tpu.memory_space<hbm>>
        %dma_wait3A_222 = tpu.memref_slice %arg6[%mul3A_220] : memref<5120000xf32, #tpu.memory_space<hbm>> -> memref<1600xf32, #tpu.memory_space<hbm>>
        tpu.wait_dma2 semaphore(%arg25 : memref<!tpu.dma_semaphore, #tpu.memory_space<semaphore_mem>>) src(%arg17 : memref<1600xf32, #tpu.memory_space<vmem>>) dst(%dma_wait3A_222 : memref<1600xf32, #tpu.memory_space<hbm>>)
      } else {
      }
      %parallel_loop3A = arith.constant 0 : i32
      %parallel_loop3A_96 = arith.constant 100 : i32
      %parallel_loop3A_97 = arith.constant 1 : i32
      scf.for %parallel_loop3A_219 = %parallel_loop3A to %parallel_loop3A_96 step %parallel_loop3A_97  : i32 {
        %parallel_loop3A_220 = arith.index_cast %parallel_loop3A_219 : i32 to index
        %parallel_loop3A_221 = arith.constant 0 : index
        %parallel_loop3A_222 = tpu.vector_load %arg9[%parallel_loop3A_220, %parallel_loop3A_221] {strides = array<i32>} : memref<100x16xf32, #tpu.memory_space<vmem>>, vector<16xf32>,
        %parallel_loop3A_223 = arith.index_cast %parallel_loop3A_219 : i32 to index
        %parallel_loop3A_224 = arith.constant 0 : index
        %parallel_loop3A_225 = tpu.vector_load %arg13[%parallel_loop3A_223, %parallel_loop3A_224] {strides = array<i32>} : memref<100x16xf32, #tpu.memory_space<vmem>>, vector<16xf32>,
        %parallel_loop3A_226 = arith.addf %parallel_loop3A_222, %parallel_loop3A_225 : vector<16xf32>
        %parallel_loop3A_227 = arith.constant 16 : i32
        %parallel_loop3A_228 = arith.muli %parallel_loop3A_219, %parallel_loop3A_227 : i32
        %parallel_loop3A_229 = arith.index_cast %parallel_loop3A_228 : i32 to index
        %parallel_loop3A_230 = tpu.vector_load %arg17[%parallel_loop3A_229] {strides = array<i32>} : memref<1600xf32, #tpu.memory_space<vmem>>, vector<16xf32>,
        tpu.vector_store %arg17[%parallel_loop3A_229], %parallel_loop3A_226 {strides = array<i32>} : memref<1600xf32, #tpu.memory_space<vmem>>, vector<16xf32>,
      } {sc.loop_unroll_factor = 8 : i64, sc.parallel_access}
      %add3A_98 = arith.constant 0 : i32
      %add3A_99 = arith.addi %mul3A_79, %add3A_98 : i32
      %mul3A_100 = arith.constant 100 : i32
      %mul3A_101 = arith.muli %add3A_99, %mul3A_100 : i32
      %add3A_102 = arith.addi %mul3A_2, %mul3A_101 : i32
      %mul3A_103 = arith.constant 16 : i32
      %mul3A_104 = arith.muli %add3A_102, %mul3A_103 : i32
      %dma_start3A_105 = tpu.memref_slice %arg6[%mul3A_104] : memref<5120000xf32, #tpu.memory_space<hbm>> -> memref<1600xf32, #tpu.memory_space<hbm>>
      %dma_start3A_106 = tpu.memref_slice %arg6[%mul3A_104] : memref<5120000xf32, #tpu.memory_space<hbm>> -> memref<1600xf32, #tpu.memory_space<hbm>>
      tpu.enqueue_dma source(%arg17 : memref<1600xf32, #tpu.memory_space<vmem>>) target(%dma_start3A_106 : memref<1600xf32, #tpu.memory_space<hbm>>) target_semaphore(%arg25 : memref<!tpu.dma_semaphore, #tpu.memory_space<semaphore_mem>>)
      %lt3A = arith.constant 24 : i32
      %lt3A_107 = arith.cmpi slt, %scan3A_77, %lt3A : i32
      %convert_element_type3A_108 = arith.extui %lt3A_107 : i1 to i32
      %cond3A_109 = arith.constant 0 : i32
      %cond3A_110 = arith.cmpi ne, %convert_element_type3A_108, %cond3A_109 : i32
      scf.if %cond3A_110 {
        %add3A_219 = arith.constant 0 : i32
        %add3A_220 = arith.addi %mul3A_79, %add3A_219 : i32
        %add3A_221 = arith.constant 4 : i32
        %add3A_222 = arith.addi %add3A_220, %add3A_221 : i32
        %dma_start3A_223 = arith.constant 0 : i32
        %dma_start3A_224 = tpu.memref_slice %arg7[%add3A_222, %dma_start3A_223] : memref<100x100xi32, #tpu.memory_space<vmem>> -> memref<1x100xi32, #tpu.memory_space<vmem>>
        %dma_start3A_225 = tpu.memref_squeeze %dma_start3A_224 : memref<1x100xi32, #tpu.memory_space<vmem>> -> memref<100xi32, #tpu.memory_space<vmem>>
        %dma_start3A_226 = arith.constant 0 : i32
        %dma_start3A_227 = arith.constant 0 : i32
        %dma_start3A_228 = tpu.memref_slice %arg2[%dma_start3A_226, %dma_start3A_227] : memref<10000x16xf32, #tpu.memory_space<hbm>> -> memref<10000x16xf32, #tpu.memory_space<hbm>>
        tpu.enqueue_indirect_dma source(%dma_start3A_228 : memref<10000x16xf32, #tpu.memory_space<hbm>>) target(%arg9 : memref<100x16xf32, #tpu.memory_space<vmem>>) offsets(%dma_start3A_225 : memref<100xi32, #tpu.memory_space<vmem>>) semaphore(%arg21 : memref<!tpu.dma_semaphore, #tpu.memory_space<semaphore_mem>>)
        %dma_start3A_229 = arith.constant 0 : i32
        %dma_start3A_230 = tpu.memref_slice %arg8[%add3A_222, %dma_start3A_229] : memref<100x100xi32, #tpu.memory_space<vmem>> -> memref<1x100xi32, #tpu.memory_space<vmem>>
        %dma_start3A_231 = tpu.memref_squeeze %dma_start3A_230 : memref<1x100xi32, #tpu.memory_space<vmem>> -> memref<100xi32, #tpu.memory_space<vmem>>
        %dma_start3A_232 = arith.constant 0 : i32
        %dma_start3A_233 = arith.constant 0 : i32
        %dma_start3A_234 = tpu.memref_slice %arg3[%dma_start3A_232, %dma_start3A_233] : memref<10000x16xf32, #tpu.memory_space<hbm>> -> memref<10000x16xf32, #tpu.memory_space<hbm>>
        tpu.enqueue_indirect_dma source(%dma_start3A_234 : memref<10000x16xf32, #tpu.memory_space<hbm>>) target(%arg13 : memref<100x16xf32, #tpu.memory_space<vmem>>) offsets(%dma_start3A_231 : memref<100xi32, #tpu.memory_space<vmem>>) semaphore(%arg21 : memref<!tpu.dma_semaphore, #tpu.memory_space<semaphore_mem>>)
      } else {
      }
      %dma_wait3A_111 = arith.constant 0 : i32
      %dma_wait3A_112 = arith.constant 0 : i32
      %dma_wait3A_113 = tpu.memref_slice %arg7[%dma_wait3A_111, %dma_wait3A_112] : memref<100x100xi32, #tpu.memory_space<vmem>> -> memref<1x100xi32, #tpu.memory_space<vmem>>
      %dma_wait3A_114 = tpu.memref_squeeze %dma_wait3A_113 : memref<1x100xi32, #tpu.memory_space<vmem>> -> memref<100xi32, #tpu.memory_space<vmem>>
      %dma_wait3A_115 = arith.constant 0 : i32
      %dma_wait3A_116 = arith.constant 0 : i32
      %dma_wait3A_117 = tpu.memref_slice %arg2[%dma_wait3A_115, %dma_wait3A_116] : memref<10000x16xf32, #tpu.memory_space<hbm>> -> memref<10000x16xf32, #tpu.memory_space<hbm>>
      tpu.wait_indirect_dma semaphore(%arg22 : memref<!tpu.dma_semaphore, #tpu.memory_space<semaphore_mem>>) src(%dma_wait3A_117 : memref<10000x16xf32, #tpu.memory_space<hbm>>) dst(%arg10 : memref<100x16xf32, #tpu.memory_space<vmem>>)
      %dma_wait3A_118 = arith.constant 0 : i32
      %dma_wait3A_119 = arith.constant 0 : i32
      %dma_wait3A_120 = tpu.memref_slice %arg8[%dma_wait3A_118, %dma_wait3A_119] : memref<100x100xi32, #tpu.memory_space<vmem>> -> memref<1x100xi32, #tpu.memory_space<vmem>>
      %dma_wait3A_121 = tpu.memref_squeeze %dma_wait3A_120 : memref<1x100xi32, #tpu.memory_space<vmem>> -> memref<100xi32, #tpu.memory_space<vmem>>
      %dma_wait3A_122 = arith.constant 0 : i32
      %dma_wait3A_123 = arith.constant 0 : i32
      %dma_wait3A_124 = tpu.memref_slice %arg3[%dma_wait3A_122, %dma_wait3A_123] : memref<10000x16xf32, #tpu.memory_space<hbm>> -> memref<10000x16xf32, #tpu.memory_space<hbm>>
      tpu.wait_indirect_dma semaphore(%arg22 : memref<!tpu.dma_semaphore, #tpu.memory_space<semaphore_mem>>) src(%dma_wait3A_124 : memref<10000x16xf32, #tpu.memory_space<hbm>>) dst(%arg14 : memref<100x16xf32, #tpu.memory_space<vmem>>)
      %gt3A_125 = arith.constant 0 : i32
      %gt3A_126 = arith.cmpi sgt, %scan3A_77, %gt3A_125 : i32
      %convert_element_type3A_127 = arith.extui %gt3A_126 : i1 to i32
      %cond3A_128 = arith.constant 0 : i32
      %cond3A_129 = arith.cmpi ne, %convert_element_type3A_127, %cond3A_128 : i32
      scf.if %cond3A_129 {
        %mul3A_219 = arith.constant 16 : i32
        %mul3A_220 = arith.muli %mul3A_2, %mul3A_219 : i32
        %dma_wait3A_221 = tpu.memref_slice %arg6[%mul3A_220] : memref<5120000xf32, #tpu.memory_space<hbm>> -> memref<1600xf32, #tpu.memory_space<hbm>>
        %dma_wait3A_222 = tpu.memref_slice %arg6[%mul3A_220] : memref<5120000xf32, #tpu.memory_space<hbm>> -> memref<1600xf32, #tpu.memory_space<hbm>>
        tpu.wait_dma2 semaphore(%arg26 : memref<!tpu.dma_semaphore, #tpu.memory_space<semaphore_mem>>) src(%arg18 : memref<1600xf32, #tpu.memory_space<vmem>>) dst(%dma_wait3A_222 : memref<1600xf32, #tpu.memory_space<hbm>>)
      } else {
      }
      %parallel_loop3A_130 = arith.constant 0 : i32
      %parallel_loop3A_131 = arith.constant 100 : i32
      %parallel_loop3A_132 = arith.constant 1 : i32
      scf.for %parallel_loop3A_219 = %parallel_loop3A_130 to %parallel_loop3A_131 step %parallel_loop3A_132  : i32 {
        %parallel_loop3A_220 = arith.index_cast %parallel_loop3A_219 : i32 to index
        %parallel_loop3A_221 = arith.constant 0 : index
        %parallel_loop3A_222 = tpu.vector_load %arg10[%parallel_loop3A_220, %parallel_loop3A_221] {strides = array<i32>} : memref<100x16xf32, #tpu.memory_space<vmem>>, vector<16xf32>,
        %parallel_loop3A_223 = arith.index_cast %parallel_loop3A_219 : i32 to index
        %parallel_loop3A_224 = arith.constant 0 : index
        %parallel_loop3A_225 = tpu.vector_load %arg14[%parallel_loop3A_223, %parallel_loop3A_224] {strides = array<i32>} : memref<100x16xf32, #tpu.memory_space<vmem>>, vector<16xf32>,
        %parallel_loop3A_226 = arith.addf %parallel_loop3A_222, %parallel_loop3A_225 : vector<16xf32>
        %parallel_loop3A_227 = arith.constant 16 : i32
        %parallel_loop3A_228 = arith.muli %parallel_loop3A_219, %parallel_loop3A_227 : i32
        %parallel_loop3A_229 = arith.index_cast %parallel_loop3A_228 : i32 to index
        %parallel_loop3A_230 = tpu.vector_load %arg18[%parallel_loop3A_229] {strides = array<i32>} : memref<1600xf32, #tpu.memory_space<vmem>>, vector<16xf32>,
        tpu.vector_store %arg18[%parallel_loop3A_229], %parallel_loop3A_226 {strides = array<i32>} : memref<1600xf32, #tpu.memory_space<vmem>>, vector<16xf32>,
      } {sc.loop_unroll_factor = 8 : i64, sc.parallel_access}
      %add3A_133 = arith.constant 1 : i32
      %add3A_134 = arith.addi %mul3A_79, %add3A_133 : i32
      %mul3A_135 = arith.constant 100 : i32
      %mul3A_136 = arith.muli %add3A_134, %mul3A_135 : i32
      %add3A_137 = arith.addi %mul3A_2, %mul3A_136 : i32
      %mul3A_138 = arith.constant 16 : i32
      %mul3A_139 = arith.muli %add3A_137, %mul3A_138 : i32
      %dma_start3A_140 = tpu.memref_slice %arg6[%mul3A_139] : memref<5120000xf32, #tpu.memory_space<hbm>> -> memref<1600xf32, #tpu.memory_space<hbm>>
      %dma_start3A_141 = tpu.memref_slice %arg6[%mul3A_139] : memref<5120000xf32, #tpu.memory_space<hbm>> -> memref<1600xf32, #tpu.memory_space<hbm>>
      tpu.enqueue_dma source(%arg18 : memref<1600xf32, #tpu.memory_space<vmem>>) target(%dma_start3A_141 : memref<1600xf32, #tpu.memory_space<hbm>>) target_semaphore(%arg26 : memref<!tpu.dma_semaphore, #tpu.memory_space<semaphore_mem>>)
      %lt3A_142 = arith.constant 24 : i32
      %lt3A_143 = arith.cmpi slt, %scan3A_77, %lt3A_142 : i32
      %convert_element_type3A_144 = arith.extui %lt3A_143 : i1 to i32
      %cond3A_145 = arith.constant 0 : i32
      %cond3A_146 = arith.cmpi ne, %convert_element_type3A_144, %cond3A_145 : i32
      scf.if %cond3A_146 {
        %add3A_219 = arith.constant 1 : i32
        %add3A_220 = arith.addi %mul3A_79, %add3A_219 : i32
        %add3A_221 = arith.constant 4 : i32
        %add3A_222 = arith.addi %add3A_220, %add3A_221 : i32
        %dma_start3A_223 = arith.constant 0 : i32
        %dma_start3A_224 = tpu.memref_slice %arg7[%add3A_222, %dma_start3A_223] : memref<100x100xi32, #tpu.memory_space<vmem>> -> memref<1x100xi32, #tpu.memory_space<vmem>>
        %dma_start3A_225 = tpu.memref_squeeze %dma_start3A_224 : memref<1x100xi32, #tpu.memory_space<vmem>> -> memref<100xi32, #tpu.memory_space<vmem>>
        %dma_start3A_226 = arith.constant 0 : i32
        %dma_start3A_227 = arith.constant 0 : i32
        %dma_start3A_228 = tpu.memref_slice %arg2[%dma_start3A_226, %dma_start3A_227] : memref<10000x16xf32, #tpu.memory_space<hbm>> -> memref<10000x16xf32, #tpu.memory_space<hbm>>
        tpu.enqueue_indirect_dma source(%dma_start3A_228 : memref<10000x16xf32, #tpu.memory_space<hbm>>) target(%arg10 : memref<100x16xf32, #tpu.memory_space<vmem>>) offsets(%dma_start3A_225 : memref<100xi32, #tpu.memory_space<vmem>>) semaphore(%arg22 : memref<!tpu.dma_semaphore, #tpu.memory_space<semaphore_mem>>)
        %dma_start3A_229 = arith.constant 0 : i32
        %dma_start3A_230 = tpu.memref_slice %arg8[%add3A_222, %dma_start3A_229] : memref<100x100xi32, #tpu.memory_space<vmem>> -> memref<1x100xi32, #tpu.memory_space<vmem>>
        %dma_start3A_231 = tpu.memref_squeeze %dma_start3A_230 : memref<1x100xi32, #tpu.memory_space<vmem>> -> memref<100xi32, #tpu.memory_space<vmem>>
        %dma_start3A_232 = arith.constant 0 : i32
        %dma_start3A_233 = arith.constant 0 : i32
        %dma_start3A_234 = tpu.memref_slice %arg3[%dma_start3A_232, %dma_start3A_233] : memref<10000x16xf32, #tpu.memory_space<hbm>> -> memref<10000x16xf32, #tpu.memory_space<hbm>>
        tpu.enqueue_indirect_dma source(%dma_start3A_234 : memref<10000x16xf32, #tpu.memory_space<hbm>>) target(%arg14 : memref<100x16xf32, #tpu.memory_space<vmem>>) offsets(%dma_start3A_231 : memref<100xi32, #tpu.memory_space<vmem>>) semaphore(%arg22 : memref<!tpu.dma_semaphore, #tpu.memory_space<semaphore_mem>>)
      } else {
      }
      %dma_wait3A_147 = arith.constant 0 : i32
      %dma_wait3A_148 = arith.constant 0 : i32
      %dma_wait3A_149 = tpu.memref_slice %arg7[%dma_wait3A_147, %dma_wait3A_148] : memref<100x100xi32, #tpu.memory_space<vmem>> -> memref<1x100xi32, #tpu.memory_space<vmem>>
      %dma_wait3A_150 = tpu.memref_squeeze %dma_wait3A_149 : memref<1x100xi32, #tpu.memory_space<vmem>> -> memref<100xi32, #tpu.memory_space<vmem>>
      %dma_wait3A_151 = arith.constant 0 : i32
      %dma_wait3A_152 = arith.constant 0 : i32
      %dma_wait3A_153 = tpu.memref_slice %arg2[%dma_wait3A_151, %dma_wait3A_152] : memref<10000x16xf32, #tpu.memory_space<hbm>> -> memref<10000x16xf32, #tpu.memory_space<hbm>>
      tpu.wait_indirect_dma semaphore(%arg23 : memref<!tpu.dma_semaphore, #tpu.memory_space<semaphore_mem>>) src(%dma_wait3A_153 : memref<10000x16xf32, #tpu.memory_space<hbm>>) dst(%arg11 : memref<100x16xf32, #tpu.memory_space<vmem>>)
      %dma_wait3A_154 = arith.constant 0 : i32
      %dma_wait3A_155 = arith.constant 0 : i32
      %dma_wait3A_156 = tpu.memref_slice %arg8[%dma_wait3A_154, %dma_wait3A_155] : memref<100x100xi32, #tpu.memory_space<vmem>> -> memref<1x100xi32, #tpu.memory_space<vmem>>
      %dma_wait3A_157 = tpu.memref_squeeze %dma_wait3A_156 : memref<1x100xi32, #tpu.memory_space<vmem>> -> memref<100xi32, #tpu.memory_space<vmem>>
      %dma_wait3A_158 = arith.constant 0 : i32
      %dma_wait3A_159 = arith.constant 0 : i32
      %dma_wait3A_160 = tpu.memref_slice %arg3[%dma_wait3A_158, %dma_wait3A_159] : memref<10000x16xf32, #tpu.memory_space<hbm>> -> memref<10000x16xf32, #tpu.memory_space<hbm>>
      tpu.wait_indirect_dma semaphore(%arg23 : memref<!tpu.dma_semaphore, #tpu.memory_space<semaphore_mem>>) src(%dma_wait3A_160 : memref<10000x16xf32, #tpu.memory_space<hbm>>) dst(%arg15 : memref<100x16xf32, #tpu.memory_space<vmem>>)
      %gt3A_161 = arith.constant 0 : i32
      %gt3A_162 = arith.cmpi sgt, %scan3A_77, %gt3A_161 : i32
      %convert_element_type3A_163 = arith.extui %gt3A_162 : i1 to i32
      %cond3A_164 = arith.constant 0 : i32
      %cond3A_165 = arith.cmpi ne, %convert_element_type3A_163, %cond3A_164 : i32
      scf.if %cond3A_165 {
        %mul3A_219 = arith.constant 16 : i32
        %mul3A_220 = arith.muli %mul3A_2, %mul3A_219 : i32
        %dma_wait3A_221 = tpu.memref_slice %arg6[%mul3A_220] : memref<5120000xf32, #tpu.memory_space<hbm>> -> memref<1600xf32, #tpu.memory_space<hbm>>
        %dma_wait3A_222 = tpu.memref_slice %arg6[%mul3A_220] : memref<5120000xf32, #tpu.memory_space<hbm>> -> memref<1600xf32, #tpu.memory_space<hbm>>
        tpu.wait_dma2 semaphore(%arg27 : memref<!tpu.dma_semaphore, #tpu.memory_space<semaphore_mem>>) src(%arg19 : memref<1600xf32, #tpu.memory_space<vmem>>) dst(%dma_wait3A_222 : memref<1600xf32, #tpu.memory_space<hbm>>)
      } else {
      }
      %parallel_loop3A_166 = arith.constant 0 : i32
      %parallel_loop3A_167 = arith.constant 100 : i32
      %parallel_loop3A_168 = arith.constant 1 : i32
      scf.for %parallel_loop3A_219 = %parallel_loop3A_166 to %parallel_loop3A_167 step %parallel_loop3A_168  : i32 {
        %parallel_loop3A_220 = arith.index_cast %parallel_loop3A_219 : i32 to index
        %parallel_loop3A_221 = arith.constant 0 : index
        %parallel_loop3A_222 = tpu.vector_load %arg11[%parallel_loop3A_220, %parallel_loop3A_221] {strides = array<i32>} : memref<100x16xf32, #tpu.memory_space<vmem>>, vector<16xf32>,
        %parallel_loop3A_223 = arith.index_cast %parallel_loop3A_219 : i32 to index
        %parallel_loop3A_224 = arith.constant 0 : index
        %parallel_loop3A_225 = tpu.vector_load %arg15[%parallel_loop3A_223, %parallel_loop3A_224] {strides = array<i32>} : memref<100x16xf32, #tpu.memory_space<vmem>>, vector<16xf32>,
        %parallel_loop3A_226 = arith.addf %parallel_loop3A_222, %parallel_loop3A_225 : vector<16xf32>
        %parallel_loop3A_227 = arith.constant 16 : i32
        %parallel_loop3A_228 = arith.muli %parallel_loop3A_219, %parallel_loop3A_227 : i32
        %parallel_loop3A_229 = arith.index_cast %parallel_loop3A_228 : i32 to index
        %parallel_loop3A_230 = tpu.vector_load %arg19[%parallel_loop3A_229] {strides = array<i32>} : memref<1600xf32, #tpu.memory_space<vmem>>, vector<16xf32>,
        tpu.vector_store %arg19[%parallel_loop3A_229], %parallel_loop3A_226 {strides = array<i32>} : memref<1600xf32, #tpu.memory_space<vmem>>, vector<16xf32>,
      } {sc.loop_unroll_factor = 8 : i64, sc.parallel_access}
      %add3A_169 = arith.constant 2 : i32
      %add3A_170 = arith.addi %mul3A_79, %add3A_169 : i32
      %mul3A_171 = arith.constant 100 : i32
      %mul3A_172 = arith.muli %add3A_170, %mul3A_171 : i32
      %add3A_173 = arith.addi %mul3A_2, %mul3A_172 : i32
      %mul3A_174 = arith.constant 16 : i32
      %mul3A_175 = arith.muli %add3A_173, %mul3A_174 : i32
      %dma_start3A_176 = tpu.memref_slice %arg6[%mul3A_175] : memref<5120000xf32, #tpu.memory_space<hbm>> -> memref<1600xf32, #tpu.memory_space<hbm>>
      %dma_start3A_177 = tpu.memref_slice %arg6[%mul3A_175] : memref<5120000xf32, #tpu.memory_space<hbm>> -> memref<1600xf32, #tpu.memory_space<hbm>>
      tpu.enqueue_dma source(%arg19 : memref<1600xf32, #tpu.memory_space<vmem>>) target(%dma_start3A_177 : memref<1600xf32, #tpu.memory_space<hbm>>) target_semaphore(%arg27 : memref<!tpu.dma_semaphore, #tpu.memory_space<semaphore_mem>>)
      %lt3A_178 = arith.constant 24 : i32
      %lt3A_179 = arith.cmpi slt, %scan3A_77, %lt3A_178 : i32
      %convert_element_type3A_180 = arith.extui %lt3A_179 : i1 to i32
      %cond3A_181 = arith.constant 0 : i32
      %cond3A_182 = arith.cmpi ne, %convert_element_type3A_180, %cond3A_181 : i32
      scf.if %cond3A_182 {
        %add3A_219 = arith.constant 2 : i32
        %add3A_220 = arith.addi %mul3A_79, %add3A_219 : i32
        %add3A_221 = arith.constant 4 : i32
        %add3A_222 = arith.addi %add3A_220, %add3A_221 : i32
        %dma_start3A_223 = arith.constant 0 : i32
        %dma_start3A_224 = tpu.memref_slice %arg7[%add3A_222, %dma_start3A_223] : memref<100x100xi32, #tpu.memory_space<vmem>> -> memref<1x100xi32, #tpu.memory_space<vmem>>
        %dma_start3A_225 = tpu.memref_squeeze %dma_start3A_224 : memref<1x100xi32, #tpu.memory_space<vmem>> -> memref<100xi32, #tpu.memory_space<vmem>>
        %dma_start3A_226 = arith.constant 0 : i32
        %dma_start3A_227 = arith.constant 0 : i32
        %dma_start3A_228 = tpu.memref_slice %arg2[%dma_start3A_226, %dma_start3A_227] : memref<10000x16xf32, #tpu.memory_space<hbm>> -> memref<10000x16xf32, #tpu.memory_space<hbm>>
        tpu.enqueue_indirect_dma source(%dma_start3A_228 : memref<10000x16xf32, #tpu.memory_space<hbm>>) target(%arg11 : memref<100x16xf32, #tpu.memory_space<vmem>>) offsets(%dma_start3A_225 : memref<100xi32, #tpu.memory_space<vmem>>) semaphore(%arg23 : memref<!tpu.dma_semaphore, #tpu.memory_space<semaphore_mem>>)
        %dma_start3A_229 = arith.constant 0 : i32
        %dma_start3A_230 = tpu.memref_slice %arg8[%add3A_222, %dma_start3A_229] : memref<100x100xi32, #tpu.memory_space<vmem>> -> memref<1x100xi32, #tpu.memory_space<vmem>>
        %dma_start3A_231 = tpu.memref_squeeze %dma_start3A_230 : memref<1x100xi32, #tpu.memory_space<vmem>> -> memref<100xi32, #tpu.memory_space<vmem>>
        %dma_start3A_232 = arith.constant 0 : i32
        %dma_start3A_233 = arith.constant 0 : i32
        %dma_start3A_234 = tpu.memref_slice %arg3[%dma_start3A_232, %dma_start3A_233] : memref<10000x16xf32, #tpu.memory_space<hbm>> -> memref<10000x16xf32, #tpu.memory_space<hbm>>
        tpu.enqueue_indirect_dma source(%dma_start3A_234 : memref<10000x16xf32, #tpu.memory_space<hbm>>) target(%arg15 : memref<100x16xf32, #tpu.memory_space<vmem>>) offsets(%dma_start3A_231 : memref<100xi32, #tpu.memory_space<vmem>>) semaphore(%arg23 : memref<!tpu.dma_semaphore, #tpu.memory_space<semaphore_mem>>)
      } else {
      }
      %dma_wait3A_183 = arith.constant 0 : i32
      %dma_wait3A_184 = arith.constant 0 : i32
      %dma_wait3A_185 = tpu.memref_slice %arg7[%dma_wait3A_183, %dma_wait3A_184] : memref<100x100xi32, #tpu.memory_space<vmem>> -> memref<1x100xi32, #tpu.memory_space<vmem>>
      %dma_wait3A_186 = tpu.memref_squeeze %dma_wait3A_185 : memref<1x100xi32, #tpu.memory_space<vmem>> -> memref<100xi32, #tpu.memory_space<vmem>>
      %dma_wait3A_187 = arith.constant 0 : i32
      %dma_wait3A_188 = arith.constant 0 : i32
      %dma_wait3A_189 = tpu.memref_slice %arg2[%dma_wait3A_187, %dma_wait3A_188] : memref<10000x16xf32, #tpu.memory_space<hbm>> -> memref<10000x16xf32, #tpu.memory_space<hbm>>
      tpu.wait_indirect_dma semaphore(%arg24 : memref<!tpu.dma_semaphore, #tpu.memory_space<semaphore_mem>>) src(%dma_wait3A_189 : memref<10000x16xf32, #tpu.memory_space<hbm>>) dst(%arg12 : memref<100x16xf32, #tpu.memory_space<vmem>>)
      %dma_wait3A_190 = arith.constant 0 : i32
      %dma_wait3A_191 = arith.constant 0 : i32
      %dma_wait3A_192 = tpu.memref_slice %arg8[%dma_wait3A_190, %dma_wait3A_191] : memref<100x100xi32, #tpu.memory_space<vmem>> -> memref<1x100xi32, #tpu.memory_space<vmem>>
      %dma_wait3A_193 = tpu.memref_squeeze %dma_wait3A_192 : memref<1x100xi32, #tpu.memory_space<vmem>> -> memref<100xi32, #tpu.memory_space<vmem>>
      %dma_wait3A_194 = arith.constant 0 : i32
      %dma_wait3A_195 = arith.constant 0 : i32
      %dma_wait3A_196 = tpu.memref_slice %arg3[%dma_wait3A_194, %dma_wait3A_195] : memref<10000x16xf32, #tpu.memory_space<hbm>> -> memref<10000x16xf32, #tpu.memory_space<hbm>>
      tpu.wait_indirect_dma semaphore(%arg24 : memref<!tpu.dma_semaphore, #tpu.memory_space<semaphore_mem>>) src(%dma_wait3A_196 : memref<10000x16xf32, #tpu.memory_space<hbm>>) dst(%arg16 : memref<100x16xf32, #tpu.memory_space<vmem>>)
      %gt3A_197 = arith.constant 0 : i32
      %gt3A_198 = arith.cmpi sgt, %scan3A_77, %gt3A_197 : i32
      %convert_element_type3A_199 = arith.extui %gt3A_198 : i1 to i32
      %cond3A_200 = arith.constant 0 : i32
      %cond3A_201 = arith.cmpi ne, %convert_element_type3A_199, %cond3A_200 : i32
      scf.if %cond3A_201 {
        %mul3A_219 = arith.constant 16 : i32
        %mul3A_220 = arith.muli %mul3A_2, %mul3A_219 : i32
        %dma_wait3A_221 = tpu.memref_slice %arg6[%mul3A_220] : memref<5120000xf32, #tpu.memory_space<hbm>> -> memref<1600xf32, #tpu.memory_space<hbm>>
        %dma_wait3A_222 = tpu.memref_slice %arg6[%mul3A_220] : memref<5120000xf32, #tpu.memory_space<hbm>> -> memref<1600xf32, #tpu.memory_space<hbm>>
        tpu.wait_dma2 semaphore(%arg28 : memref<!tpu.dma_semaphore, #tpu.memory_space<semaphore_mem>>) src(%arg20 : memref<1600xf32, #tpu.memory_space<vmem>>) dst(%dma_wait3A_222 : memref<1600xf32, #tpu.memory_space<hbm>>)
      } else {
      }
      %parallel_loop3A_202 = arith.constant 0 : i32
      %parallel_loop3A_203 = arith.constant 100 : i32
      %parallel_loop3A_204 = arith.constant 1 : i32
      scf.for %parallel_loop3A_219 = %parallel_loop3A_202 to %parallel_loop3A_203 step %parallel_loop3A_204  : i32 {
        %parallel_loop3A_220 = arith.index_cast %parallel_loop3A_219 : i32 to index
        %parallel_loop3A_221 = arith.constant 0 : index
        %parallel_loop3A_222 = tpu.vector_load %arg12[%parallel_loop3A_220, %parallel_loop3A_221] {strides = array<i32>} : memref<100x16xf32, #tpu.memory_space<vmem>>, vector<16xf32>,
        %parallel_loop3A_223 = arith.index_cast %parallel_loop3A_219 : i32 to index
        %parallel_loop3A_224 = arith.constant 0 : index
        %parallel_loop3A_225 = tpu.vector_load %arg16[%parallel_loop3A_223, %parallel_loop3A_224] {strides = array<i32>} : memref<100x16xf32, #tpu.memory_space<vmem>>, vector<16xf32>,
        %parallel_loop3A_226 = arith.addf %parallel_loop3A_222, %parallel_loop3A_225 : vector<16xf32>
        %parallel_loop3A_227 = arith.constant 16 : i32
        %parallel_loop3A_228 = arith.muli %parallel_loop3A_219, %parallel_loop3A_227 : i32
        %parallel_loop3A_229 = arith.index_cast %parallel_loop3A_228 : i32 to index
        %parallel_loop3A_230 = tpu.vector_load %arg20[%parallel_loop3A_229] {strides = array<i32>} : memref<1600xf32, #tpu.memory_space<vmem>>, vector<16xf32>,
        tpu.vector_store %arg20[%parallel_loop3A_229], %parallel_loop3A_226 {strides = array<i32>} : memref<1600xf32, #tpu.memory_space<vmem>>, vector<16xf32>,
      } {sc.loop_unroll_factor = 8 : i64, sc.parallel_access}
      %add3A_205 = arith.constant 3 : i32
      %add3A_206 = arith.addi %mul3A_79, %add3A_205 : i32
      %mul3A_207 = arith.constant 100 : i32
      %mul3A_208 = arith.muli %add3A_206, %mul3A_207 : i32
      %add3A_209 = arith.addi %mul3A_2, %mul3A_208 : i32
      %mul3A_210 = arith.constant 16 : i32
      %mul3A_211 = arith.muli %add3A_209, %mul3A_210 : i32
      %dma_start3A_212 = tpu.memref_slice %arg6[%mul3A_211] : memref<5120000xf32, #tpu.memory_space<hbm>> -> memref<1600xf32, #tpu.memory_space<hbm>>
      %dma_start3A_213 = tpu.memref_slice %arg6[%mul3A_211] : memref<5120000xf32, #tpu.memory_space<hbm>> -> memref<1600xf32, #tpu.memory_space<hbm>>
      tpu.enqueue_dma source(%arg20 : memref<1600xf32, #tpu.memory_space<vmem>>) target(%dma_start3A_213 : memref<1600xf32, #tpu.memory_space<hbm>>) target_semaphore(%arg28 : memref<!tpu.dma_semaphore, #tpu.memory_space<semaphore_mem>>)
      %lt3A_214 = arith.constant 24 : i32
      %lt3A_215 = arith.cmpi slt, %scan3A_77, %lt3A_214 : i32
      %convert_element_type3A_216 = arith.extui %lt3A_215 : i1 to i32
      %cond3A_217 = arith.constant 0 : i32
      %cond3A_218 = arith.cmpi ne, %convert_element_type3A_216, %cond3A_217 : i32
      scf.if %cond3A_218 {
        %add3A_219 = arith.constant 3 : i32
        %add3A_220 = arith.addi %mul3A_79, %add3A_219 : i32
        %add3A_221 = arith.constant 4 : i32
        %add3A_222 = arith.addi %add3A_220, %add3A_221 : i32
        %dma_start3A_223 = arith.constant 0 : i32
        %dma_start3A_224 = tpu.memref_slice %arg7[%add3A_222, %dma_start3A_223] : memref<100x100xi32, #tpu.memory_space<vmem>> -> memref<1x100xi32, #tpu.memory_space<vmem>>
        %dma_start3A_225 = tpu.memref_squeeze %dma_start3A_224 : memref<1x100xi32, #tpu.memory_space<vmem>> -> memref<100xi32, #tpu.memory_space<vmem>>
        %dma_start3A_226 = arith.constant 0 : i32
        %dma_start3A_227 = arith.constant 0 : i32
        %dma_start3A_228 = tpu.memref_slice %arg2[%dma_start3A_226, %dma_start3A_227] : memref<10000x16xf32, #tpu.memory_space<hbm>> -> memref<10000x16xf32, #tpu.memory_space<hbm>>
        tpu.enqueue_indirect_dma source(%dma_start3A_228 : memref<10000x16xf32, #tpu.memory_space<hbm>>) target(%arg12 : memref<100x16xf32, #tpu.memory_space<vmem>>) offsets(%dma_start3A_225 : memref<100xi32, #tpu.memory_space<vmem>>) semaphore(%arg24 : memref<!tpu.dma_semaphore, #tpu.memory_space<semaphore_mem>>)
        %dma_start3A_229 = arith.constant 0 : i32
        %dma_start3A_230 = tpu.memref_slice %arg8[%add3A_222, %dma_start3A_229] : memref<100x100xi32, #tpu.memory_space<vmem>> -> memref<1x100xi32, #tpu.memory_space<vmem>>
        %dma_start3A_231 = tpu.memref_squeeze %dma_start3A_230 : memref<1x100xi32, #tpu.memory_space<vmem>> -> memref<100xi32, #tpu.memory_space<vmem>>
        %dma_start3A_232 = arith.constant 0 : i32
        %dma_start3A_233 = arith.constant 0 : i32
        %dma_start3A_234 = tpu.memref_slice %arg3[%dma_start3A_232, %dma_start3A_233] : memref<10000x16xf32, #tpu.memory_space<hbm>> -> memref<10000x16xf32, #tpu.memory_space<hbm>>
        tpu.enqueue_indirect_dma source(%dma_start3A_234 : memref<10000x16xf32, #tpu.memory_space<hbm>>) target(%arg16 : memref<100x16xf32, #tpu.memory_space<vmem>>) offsets(%dma_start3A_231 : memref<100xi32, #tpu.memory_space<vmem>>) semaphore(%arg24 : memref<!tpu.dma_semaphore, #tpu.memory_space<semaphore_mem>>)
      } else {
      }
    }
    %scan3A_61 = arith.constant 25 : i32
    %mul3A_62 = arith.constant 16 : i32
    %mul3A_63 = arith.muli %mul3A_2, %mul3A_62 : i32
    %dma_wait3A = tpu.memref_slice %arg6[%mul3A_63] : memref<5120000xf32, #tpu.memory_space<hbm>> -> memref<1600xf32, #tpu.memory_space<hbm>>
    %dma_wait3A_64 = tpu.memref_slice %arg6[%mul3A_63] : memref<5120000xf32, #tpu.memory_space<hbm>> -> memref<1600xf32, #tpu.memory_space<hbm>>
    tpu.wait_dma2 semaphore(%arg25 : memref<!tpu.dma_semaphore, #tpu.memory_space<semaphore_mem>>) src(%arg17 : memref<1600xf32, #tpu.memory_space<vmem>>) dst(%dma_wait3A_64 : memref<1600xf32, #tpu.memory_space<hbm>>)
    %mul3A_65 = arith.constant 16 : i32
    %mul3A_66 = arith.muli %mul3A_2, %mul3A_65 : i32
    %dma_wait3A_67 = tpu.memref_slice %arg6[%mul3A_66] : memref<5120000xf32, #tpu.memory_space<hbm>> -> memref<1600xf32, #tpu.memory_space<hbm>>
    %dma_wait3A_68 = tpu.memref_slice %arg6[%mul3A_66] : memref<5120000xf32, #tpu.memory_space<hbm>> -> memref<1600xf32, #tpu.memory_space<hbm>>
    tpu.wait_dma2 semaphore(%arg26 : memref<!tpu.dma_semaphore, #tpu.memory_space<semaphore_mem>>) src(%arg18 : memref<1600xf32, #tpu.memory_space<vmem>>) dst(%dma_wait3A_68 : memref<1600xf32, #tpu.memory_space<hbm>>)
    %mul3A_69 = arith.constant 16 : i32
    %mul3A_70 = arith.muli %mul3A_2, %mul3A_69 : i32
    %dma_wait3A_71 = tpu.memref_slice %arg6[%mul3A_70] : memref<5120000xf32, #tpu.memory_space<hbm>> -> memref<1600xf32, #tpu.memory_space<hbm>>
    %dma_wait3A_72 = tpu.memref_slice %arg6[%mul3A_70] : memref<5120000xf32, #tpu.memory_space<hbm>> -> memref<1600xf32, #tpu.memory_space<hbm>>
    tpu.wait_dma2 semaphore(%arg27 : memref<!tpu.dma_semaphore, #tpu.memory_space<semaphore_mem>>) src(%arg19 : memref<1600xf32, #tpu.memory_space<vmem>>) dst(%dma_wait3A_72 : memref<1600xf32, #tpu.memory_space<hbm>>)
    %mul3A_73 = arith.constant 16 : i32
    %mul3A_74 = arith.muli %mul3A_2, %mul3A_73 : i32
    %dma_wait3A_75 = tpu.memref_slice %arg6[%mul3A_74] : memref<5120000xf32, #tpu.memory_space<hbm>> -> memref<1600xf32, #tpu.memory_space<hbm>>
    %dma_wait3A_76 = tpu.memref_slice %arg6[%mul3A_74] : memref<5120000xf32, #tpu.memory_space<hbm>> -> memref<1600xf32, #tpu.memory_space<hbm>>
    tpu.wait_dma2 semaphore(%arg28 : memref<!tpu.dma_semaphore, #tpu.memory_space<semaphore_mem>>) src(%arg20 : memref<1600xf32, #tpu.memory_space<vmem>>) dst(%dma_wait3A_76 : memref<1600xf32, #tpu.memory_space<hbm>>)
    return
  }
}

module attributes {stable_mosaic.version = 14 : i64} {
  func.func @body(%arg0: i32, %arg1: memref<2000x128xf32, #tpu.memory_space<vmem>>, %arg2: memref<128x160xf32, #tpu.memory_space<vmem>>, %arg3: memref<2000x144xf32, #tpu.memory_space<vmem>>, %arg4: memref<2000x16xf32, #tpu.memory_space<vmem>>, %arg5: memref<2000x16xf32, #tpu.memory_space<vmem>>) attributes {dimension_semantics = [#tpu.dimension_semantics<arbitrary>], iteration_bounds = array<i64: 5>, scalar_prefetch = 0 : i64, scratch_operands = 0 : i64, tpu.core_type = #tpu.core_type<tc>, window_params = [{transform_indices = @transform_0, window_bounds = array<i64: 2000, 128>}, {pipeline_mode = #tpu.pipeline_mode<synchronous>, transform_indices = @transform_1, window_bounds = array<i64: 128, 160>}, {transform_indices = @transform_2, window_bounds = array<i64: 2000, 144>}, {transform_indices = @transform_3, window_bounds = array<i64: 2000, 16>}, {transform_indices = @transform_4, window_bounds = array<i64: 2000, 16>}]} {
    %get3A = arith.constant 0 : index
    %get3A_0 = arith.constant 0 : index
    %get3A_1 = vector.load %arg1[%get3A, %get3A_0] : memref<2000x128xf32, #tpu.memory_space<vmem>>, vector<2000x128xf32>
    %get3A_2 = arith.constant 0 : index
    %get3A_3 = arith.constant 0 : index
    %get3A_4 = vector.load %arg2[%get3A_2, %get3A_3] : memref<128x160xf32, #tpu.memory_space<vmem>>, vector<128x160xf32>
    %dot_general3A = arith.constant dense<0.000000e+00> : vector<2000x160xf32>
    %dot_general3A_5 = tpu.matmul %get3A_1, %get3A_4, %dot_general3A {dimension_numbers = #tpu.dot_dimension_numbers<[1], [0], [0], [1], [0, 0, 1, 1], [], []>, transpose_lhs_hint = false} : vector<2000x128xf32>, vector<128x160xf32>, vector<2000x160xf32> -> vector<2000x160xf32>
    %slice3A = vector.extract_strided_slice %dot_general3A_5 {offsets = [0, 0], sizes = [2000, 128], strides = [1, 1]} : vector<2000x160xf32> to vector<2000x128xf32>
    %swap3A = arith.constant 0 : index
    %swap3A_6 = arith.constant 0 : index
    %swap3A_7 = vector.load %arg3[%swap3A, %swap3A_6] : memref<2000x144xf32, #tpu.memory_space<vmem>>, vector<2000x128xf32>
    tpu.vector_store %arg3[%swap3A, %swap3A_6], %slice3A {strides = array<i32>} : memref<2000x144xf32, #tpu.memory_space<vmem>>, vector<2000x128xf32>,
    %iota3A = tpu.iota {dimensions = array<i32: 1>} : vector<2000x16xi32>
    %eq3A = arith.constant 0 : i32
    %eq3A_8 = vector.broadcast %eq3A : i32 to vector<2000x16xi32>
    %eq3A_9 = arith.cmpi eq, %iota3A, %eq3A_8 : vector<2000x16xi32>
    %jit3A = arith.constant 1.000000e+00 : f32
    %jit3A_10 = arith.constant 0.000000e+00 : f32
    %broadcast_in_dim3A = vector.broadcast %jit3A : f32 to vector<2000x16xf32>
    %broadcast_in_dim3A_11 = vector.broadcast %jit3A_10 : f32 to vector<2000x16xf32>
    %select_n3A = arith.select %eq3A_9, %broadcast_in_dim3A, %broadcast_in_dim3A_11 : vector<2000x16xi1>, vector<2000x16xf32>
    %swap3A_12 = arith.constant 0 : index
    %swap3A_13 = arith.constant 128 : index
    %swap3A_14 = vector.load %arg3[%swap3A_12, %swap3A_13] : memref<2000x144xf32, #tpu.memory_space<vmem>>, vector<2000x16xf32>
    tpu.vector_store %arg3[%swap3A_12, %swap3A_13], %select_n3A {strides = array<i32>} : memref<2000x144xf32, #tpu.memory_space<vmem>>, vector<2000x16xf32>,
    %slice3A_15 = vector.extract_strided_slice %dot_general3A_5 {offsets = [0, 128], sizes = [2000, 16], strides = [1, 1]} : vector<2000x160xf32> to vector<2000x16xf32>
    %swap3A_16 = arith.constant 0 : index
    %swap3A_17 = arith.constant 0 : index
    %swap3A_18 = vector.load %arg4[%swap3A_16, %swap3A_17] : memref<2000x16xf32, #tpu.memory_space<vmem>>, vector<2000x16xf32>
    tpu.vector_store %arg4[%swap3A_16, %swap3A_17], %slice3A_15 {strides = array<i32>} : memref<2000x16xf32, #tpu.memory_space<vmem>>, vector<2000x16xf32>,
    %slice3A_19 = vector.extract_strided_slice %dot_general3A_5 {offsets = [0, 144], sizes = [2000, 16], strides = [1, 1]} : vector<2000x160xf32> to vector<2000x16xf32>
    %swap3A_20 = arith.constant 0 : index
    %swap3A_21 = arith.constant 0 : index
    %swap3A_22 = vector.load %arg5[%swap3A_20, %swap3A_21] : memref<2000x16xf32, #tpu.memory_space<vmem>>, vector<2000x16xf32>
    tpu.vector_store %arg5[%swap3A_20, %swap3A_21], %slice3A_19 {strides = array<i32>} : memref<2000x16xf32, #tpu.memory_space<vmem>>, vector<2000x16xf32>,
    return
  }
  func.func @transform_0(%arg0: i32) -> (i32, i32) {
    %c0_i32 = arith.constant 0 : i32
    %c0_i32_0 = arith.constant 0 : i32
    return %arg0, %c0_i32 : i32, i32
  }
  func.func @transform_1(%arg0: i32) -> (i32, i32) {
    %c0_i32 = arith.constant 0 : i32
    %c0_i32_0 = arith.constant 0 : i32
    %c0_i32_1 = arith.constant 0 : i32
    return %c0_i32, %c0_i32_0 : i32, i32
  }
  func.func @transform_2(%arg0: i32) -> (i32, i32) {
    %c0_i32 = arith.constant 0 : i32
    %c0_i32_0 = arith.constant 0 : i32
    return %arg0, %c0_i32 : i32, i32
  }
  func.func @transform_3(%arg0: i32) -> (i32, i32) {
    %c0_i32 = arith.constant 0 : i32
    %c0_i32_0 = arith.constant 0 : i32
    return %arg0, %c0_i32 : i32, i32
  }
  func.func @transform_4(%arg0: i32) -> (i32, i32) {
    %c0_i32 = arith.constant 0 : i32
    %c0_i32_0 = arith.constant 0 : i32
    return %arg0, %c0_i32 : i32, i32
  }
}

module attributes {stable_mosaic.version = 14 : i64} {
  func.func @body(%arg0: i32, %arg1: memref<4000x128xf32, #tpu.memory_space<vmem>>, %arg2: memref<4000x128xf32, #tpu.memory_space<vmem>>, %arg3: memref<128x128xf32, #tpu.memory_space<vmem>>, %arg4: memref<1x128xf32, #tpu.memory_space<vmem>>, %arg5: memref<128x8xf32, #tpu.memory_space<vmem>>, %arg6: memref<4000x8xf32, #tpu.memory_space<vmem>>) attributes {dimension_semantics = [#tpu.dimension_semantics<arbitrary>], iteration_bounds = array<i64: 10>, scalar_prefetch = 0 : i64, scratch_operands = 0 : i64, tpu.core_type = #tpu.core_type<tc>, window_params = [{transform_indices = @transform_0, window_bounds = array<i64: 4000, 128>}, {transform_indices = @transform_1, window_bounds = array<i64: 4000, 128>}, {pipeline_mode = #tpu.pipeline_mode<synchronous>, transform_indices = @transform_2, window_bounds = array<i64: 128, 128>}, {pipeline_mode = #tpu.pipeline_mode<synchronous>, transform_indices = @transform_3, window_bounds = array<i64: 1, 128>}, {pipeline_mode = #tpu.pipeline_mode<synchronous>, transform_indices = @transform_4, window_bounds = array<i64: 128, 8>}, {transform_indices = @transform_5, window_bounds = array<i64: 4000, 8>}]} {
    %get3A = arith.constant 0 : index
    %get3A_0 = arith.constant 0 : index
    %get3A_1 = vector.load %arg2[%get3A, %get3A_0] : memref<4000x128xf32, #tpu.memory_space<vmem>>, vector<4000x128xf32>
    %get3A_2 = arith.constant 0 : index
    %get3A_3 = arith.constant 0 : index
    %get3A_4 = vector.load %arg3[%get3A_2, %get3A_3] : memref<128x128xf32, #tpu.memory_space<vmem>>, vector<128x128xf32>
    %dot_general3A = arith.constant dense<0.000000e+00> : vector<4000x128xf32>
    %dot_general3A_5 = tpu.matmul %get3A_1, %get3A_4, %dot_general3A {dimension_numbers = #tpu.dot_dimension_numbers<[1], [0], [0], [1], [0, 0, 1, 1], [], []>, transpose_lhs_hint = false} : vector<4000x128xf32>, vector<128x128xf32>, vector<4000x128xf32> -> vector<4000x128xf32>
    %get3A_6 = arith.constant 0 : index
    %get3A_7 = arith.constant 0 : index
    %get3A_8 = vector.load %arg4[%get3A_6, %get3A_7] : memref<1x128xf32, #tpu.memory_space<vmem>>, vector<1x128xf32>
    %add3A = vector.broadcast %get3A_8 : vector<1x128xf32> to vector<4000x128xf32>
    %add3A_9 = arith.addf %dot_general3A_5, %add3A : vector<4000x128xf32>
    %get3A_10 = arith.constant 0 : index
    %get3A_11 = arith.constant 0 : index
    %get3A_12 = vector.load %arg1[%get3A_10, %get3A_11] : memref<4000x128xf32, #tpu.memory_space<vmem>>, vector<4000x128xf32>
    %add3A_13 = arith.addf %get3A_12, %add3A_9 : vector<4000x128xf32>
    %ge3A = arith.constant 0.000000e+00 : f32
    %ge3A_14 = vector.broadcast %ge3A : f32 to vector<4000x128xf32>
    %ge3A_15 = arith.cmpf oge, %add3A_13, %ge3A_14 : vector<4000x128xf32>
    %mul3A = arith.constant 0.00999999977 : f32
    %mul3A_16 = vector.broadcast %mul3A : f32 to vector<4000x128xf32>
    %mul3A_17 = arith.mulf %mul3A_16, %add3A_13 : vector<4000x128xf32>
    %select_n3A = arith.select %ge3A_15, %add3A_13, %mul3A_17 : vector<4000x128xi1>, vector<4000x128xf32>
    %get3A_18 = arith.constant 0 : index
    %get3A_19 = arith.constant 0 : index
    %get3A_20 = vector.load %arg5[%get3A_18, %get3A_19] : memref<128x8xf32, #tpu.memory_space<vmem>>, vector<128x8xf32>
    %dot_general3A_21 = arith.constant dense<0.000000e+00> : vector<4000x8xf32>
    %dot_general3A_22 = tpu.matmul %select_n3A, %get3A_20, %dot_general3A_21 {dimension_numbers = #tpu.dot_dimension_numbers<[1], [0], [0], [1], [0, 0, 1, 1], [], []>, transpose_lhs_hint = false} : vector<4000x128xf32>, vector<128x8xf32>, vector<4000x8xf32> -> vector<4000x8xf32>
    %ge3A_23 = arith.constant 0.000000e+00 : f32
    %ge3A_24 = vector.broadcast %ge3A_23 : f32 to vector<4000x8xf32>
    %ge3A_25 = arith.cmpf oge, %dot_general3A_22, %ge3A_24 : vector<4000x8xf32>
    %mul3A_26 = arith.constant 0.00999999977 : f32
    %mul3A_27 = vector.broadcast %mul3A_26 : f32 to vector<4000x8xf32>
    %mul3A_28 = arith.mulf %mul3A_27, %dot_general3A_22 : vector<4000x8xf32>
    %select_n3A_29 = arith.select %ge3A_25, %dot_general3A_22, %mul3A_28 : vector<4000x8xi1>, vector<4000x8xf32>
    %sub3A = arith.constant 1.600000e+01 : f32
    %sub3A_30 = vector.broadcast %sub3A : f32 to vector<4000x8xf32>
    %sub3A_31 = arith.subf %select_n3A_29, %sub3A_30 : vector<4000x8xf32>
    %exp3A = math.exp %sub3A_31 : vector<4000x8xf32>
    %swap3A = arith.constant 0 : index
    %swap3A_32 = arith.constant 0 : index
    %swap3A_33 = vector.load %arg6[%swap3A, %swap3A_32] : memref<4000x8xf32, #tpu.memory_space<vmem>>, vector<4000x8xf32>
    tpu.vector_store %arg6[%swap3A, %swap3A_32], %exp3A {strides = array<i32>} : memref<4000x8xf32, #tpu.memory_space<vmem>>, vector<4000x8xf32>,
    return
  }
  func.func @transform_0(%arg0: i32) -> (i32, i32) {
    %c0_i32 = arith.constant 0 : i32
    %c0_i32_0 = arith.constant 0 : i32
    return %arg0, %c0_i32 : i32, i32
  }
  func.func @transform_1(%arg0: i32) -> (i32, i32) {
    %c0_i32 = arith.constant 0 : i32
    %c0_i32_0 = arith.constant 0 : i32
    return %arg0, %c0_i32 : i32, i32
  }
  func.func @transform_2(%arg0: i32) -> (i32, i32) {
    %c0_i32 = arith.constant 0 : i32
    %c0_i32_0 = arith.constant 0 : i32
    %c0_i32_1 = arith.constant 0 : i32
    return %c0_i32, %c0_i32_0 : i32, i32
  }
  func.func @transform_3(%arg0: i32) -> (i32, i32) {
    %c0_i32 = arith.constant 0 : i32
    %c0_i32_0 = arith.constant 0 : i32
    %c0_i32_1 = arith.constant 0 : i32
    return %c0_i32, %c0_i32_0 : i32, i32
  }
  func.func @transform_4(%arg0: i32) -> (i32, i32) {
    %c0_i32 = arith.constant 0 : i32
    %c0_i32_0 = arith.constant 0 : i32
    %c0_i32_1 = arith.constant 0 : i32
    return %c0_i32, %c0_i32_0 : i32, i32
  }
  func.func @transform_5(%arg0: i32) -> (i32, i32) {
    %c0_i32 = arith.constant 0 : i32
    %c0_i32_0 = arith.constant 0 : i32
    return %arg0, %c0_i32 : i32, i32
  }
}

module attributes {stable_mosaic.version = 14 : i64} {
  func.func @body(%arg0: i32, %arg1: memref<2000x144xf32, #tpu.memory_space<vmem>>, %arg2: memref<2000x144xf32, #tpu.memory_space<vmem>>, %arg3: memref<2000x128xf32, #tpu.memory_space<vmem>>) attributes {dimension_semantics = [#tpu.dimension_semantics<arbitrary>], iteration_bounds = array<i64: 5>, scalar_prefetch = 0 : i64, scratch_operands = 0 : i64, tpu.core_type = #tpu.core_type<tc>, window_params = [{transform_indices = @transform_0, window_bounds = array<i64: 2000, 144>}, {transform_indices = @transform_1, window_bounds = array<i64: 2000, 144>}, {transform_indices = @transform_2, window_bounds = array<i64: 2000, 128>}]} {
    %get3A = arith.constant 0 : index
    %get3A_0 = arith.constant 0 : index
    %get3A_1 = vector.load %arg1[%get3A, %get3A_0] : memref<2000x144xf32, #tpu.memory_space<vmem>>, vector<2000x144xf32>
    %get3A_2 = arith.constant 0 : index
    %get3A_3 = arith.constant 0 : index
    %get3A_4 = vector.load %arg2[%get3A_2, %get3A_3] : memref<2000x144xf32, #tpu.memory_space<vmem>>, vector<2000x144xf32>
    %add3A = arith.addf %get3A_1, %get3A_4 : vector<2000x144xf32>
    %slice3A = vector.extract_strided_slice %add3A {offsets = [0, 128], sizes = [2000, 1], strides = [1, 1]} : vector<2000x144xf32> to vector<2000x1xf32>
    %eq3A = arith.constant 0.000000e+00 : f32
    %eq3A_5 = vector.broadcast %eq3A : f32 to vector<2000x1xf32>
    %eq3A_6 = arith.cmpf oeq, %slice3A, %eq3A_5 : vector<2000x1xf32>
    %jit3A = arith.constant 1.000000e+00 : f32
    %broadcast_in_dim3A = vector.broadcast %jit3A : f32 to vector<2000x1xf32>
    %select_n3A = arith.select %eq3A_6, %broadcast_in_dim3A, %slice3A : vector<2000x1xi1>, vector<2000x1xf32>
    %slice3A_7 = vector.extract_strided_slice %add3A {offsets = [0, 0], sizes = [2000, 128], strides = [1, 1]} : vector<2000x144xf32> to vector<2000x128xf32>
    %div3A = vector.broadcast %select_n3A : vector<2000x1xf32> to vector<2000x128xf32>
    %div3A_8 = arith.divf %slice3A_7, %div3A : vector<2000x128xf32>
    %swap3A = arith.constant 0 : index
    %swap3A_9 = arith.constant 0 : index
    %swap3A_10 = vector.load %arg3[%swap3A, %swap3A_9] : memref<2000x128xf32, #tpu.memory_space<vmem>>, vector<2000x128xf32>
    tpu.vector_store %arg3[%swap3A, %swap3A_9], %div3A_8 {strides = array<i32>} : memref<2000x128xf32, #tpu.memory_space<vmem>>, vector<2000x128xf32>,
    return
  }
  func.func @transform_0(%arg0: i32) -> (i32, i32) {
    %c0_i32 = arith.constant 0 : i32
    %c0_i32_0 = arith.constant 0 : i32
    return %arg0, %c0_i32 : i32, i32
  }
  func.func @transform_1(%arg0: i32) -> (i32, i32) {
    %c0_i32 = arith.constant 0 : i32
    %c0_i32_0 = arith.constant 0 : i32
    return %arg0, %c0_i32 : i32, i32
  }
  func.func @transform_2(%arg0: i32) -> (i32, i32) {
    %c0_i32 = arith.constant 0 : i32
    %c0_i32_0 = arith.constant 0 : i32
    return %arg0, %c0_i32 : i32, i32
  }
}

</mosaic_0001>

<sc_bundles>
// kernel: kernel.10.cloned.1.call-start
scs
__scs_entry_jumppad:
0x0: {  	(pc) =	sbr.rel $0x88, $3  }
0x1: {  	(tag) =	ssettag $0x0;
	lr =	simm.s32 $0x1  }
0x2: {  	[smem:$0x3F9A] =	sst lr;
	_ =	strace $0xD0000000  }
0x3: {  	_ = 	snop  }
0x4: {  	_ = 	snop  }
0x5: {  	_ = 	snop  }
0x6: {  	_ = 	snop  }
0x7: {  	_ = 	snop  }
__scs_overlays_trampoline_lowered:
0x8: {  	[smem:$0x3FA9] =	sst s0  }
0x9: {  	[smem:$0x3FAA] =	sst s1  }
0xa: {  	[smem:$0x3FAB] =	sst s2  }
0xb: {  	[smem:$0x3FAC] =	sst s3  }
0xc: {  	[smem:$0x3FAD] =	sst s4  }
0xd: {  	[smem:$0x3FAE] =	sst s5  }
0xe: {  	[smem:$0x3FAF] =	sst s6  }
0xf: {  	[smem:$0x3FB0] =	sst s7  }
0x10: {  	[smem:$0x3FB1] =	sst s8  }
0x11: {  	[smem:$0x3FB2] =	sst s9;
	s0 =	simm.s32 @!p0 $0x0  }
0x12: {  	s1 =	sld [smem:$0x3F98];
	s0 =	simm.s32 @p0 $0x1  }
0x13: {  	[smem:$0x3FB3] =	sst s0;
	s0 =	simm.s32 @!p1 $0x0  }
0x14: {  	s2 =	sld [smem:$0x3F97];
	s0 =	simm.s32 @p1 $0x1  }
0x15: {  	[smem:$0x3FB4] =	sst s0;
	s0 =	simm.s32 @!p2 $0x0  }
0x16: {  	s3 =	sld [smem:$0x3FDB];
	s0 =	simm.s32 @p2 $0x1  }
0x17: {  	s4 =	simm.s32 $0x1BF5;
	[smem:$0x3FB6] =	sst s0  }
0x18: {  	s0 =	sld [smem:$0x3F99];
	_ =	swait.ge [sflag:s4], $0x0  }
0x19: {  	s7 =	sld [smem:$0x3F9A]  }
0x1a: {  	s8 =	sadd.s32 $0xFFFFE003, lr  }
0x1b: {  	s9 =	sadd.s32 $0xFFFFFEF7, lr;
	s5 =	simm.s32 $0xFFFFFFFF;
	p2 =	slt.u32 s8, $0xFFFFF086  }
0x1c: {  	p1 =	slt.u32 s9, $0xF7A;
	s5 =	simm.s32 @!p2 $0x0  }
0x1d: {  	s5 =	simm.s32 @p1 $0x1;
	p0 =	seq.s32 s7, s2  }
0x1e: {  	s7 =	smul.u32 @!p0 $0xF7A, s2;
	p2 =	seq.s32 @!p0 s5, $0x0  }
0x1f: {  	s9 =	smul.u32 $0xF7A, s1;
	s8 =	simm.s32 @!p0 $0x1BF5;
	p2 =	por !p2, p0  }
0x20: {  	[sflag:s8] =	ssyncset.s32 @!p0 $0xFFFFF086;
	s6 =	sadd.s32 @!p0 s3, s7;
	s7 =	simm.s32 @!p0 $0x108  }
0x21: {  	s3 =	sadd.s32 s3, s9;
	s6 =	sadd.s32 @!p0 $0x88, s6;
	s7 =	simm.s32 @p2 $0x1082  }
0x22: {  	[simem:s7], [sflag:s8] =	dma.local @!p0 [hbm:s6], $0xF7A  }
0x23: {  	s9 =	sor.u32 $0xD0000000, s2;
	s6 =	simm.s32 $0x108;
	_ =	swait.ge @!p0 [sflag:s8], $0x0  }
0x24: {  	s3 =	sadd.s32 $0x88, s3;
	s6 =	simm.s32 @!p1 $0x1082;
	[sflag:s4] =	ssyncset.s32 $0xFFFFF086  }
0x25: {  	[simem:s6], [sflag:s4] =	dma.local [hbm:s3], $0xF7A  }
0x26: {  	[smem:$0x3F9A] =	sst s1;
	(tag) =	ssettag s2;
	_ =	strace s9  }
0x27: {  	s1 =	sld [smem:$0x3FAA]  }
0x28: {  	s2 =	sld [smem:$0x3FAB]  }
0x29: {  	s4 =	sld [smem:$0x3FAD]  }
0x2a: {  	p0 =	seq.s32 s5, $0x0;
	s5 =	sld [smem:$0x3FAE]  }
0x2b: {  	s6 =	sld [smem:$0x3FAF]  }
0x2c: {  	s7 =	sld [smem:$0x3FB0]  }
0x2d: {  	s3 =	simm.s32 $0x108;
	s8 =	sld [smem:$0x3FB1]  }
0x2e: {  	s3 =	simm.s32 @!p0 $0x1082;
	s9 =	sld [smem:$0x3FB2]  }
0x2f: {  	lr =	sadd.s32 s0, s3;
	s0 =	sld [smem:$0x3FA9]  }
0x30: {  	s3 =	sld [smem:$0x3FAC]  }
0x31: {  	[smem:$0x3FB5] =	sst s10  }
0x32: {  	s10 =	sld [smem:$0x3FB3];
	_ =	sdelay $0x3  }
0x33: {  	p0 =	seq.s32 s10, $0x1;
	s10 =	sld [smem:$0x3FB5];
	_ =	sdelay $0x3  }
0x34: {  	[smem:$0x3FB5] =	sst s10  }
0x35: {  	s10 =	sld [smem:$0x3FB4];
	_ =	sdelay $0x3  }
0x36: {  	p1 =	seq.s32 s10, $0x1;
	s10 =	sld [smem:$0x3FB5];
	_ =	sdelay $0x3  }
0x37: {  	[smem:$0x3FB5] =	sst s10  }
0x38: {  	s10 =	sld [smem:$0x3FB6]  }
0x39: {  	_ = 	snop;
	(pc) =	sbr.ind lr, $3  }
0x3a: {  	_ = 	snop  }
0x3b: {  	_ = 	snop  }
0x3c: {  	p2 =	seq.s32 s10, $0x1;
	s10 =	sld [smem:$0x3FB5]  }
0x3d: {  	_ =	shalt  }
0x3e: {  	_ =	shalt  }
0x3f: {  	_ =	shalt  }
0x40: {  	_ =	shalt  }
0x41: {  	_ =	shalt  }
0x42: {  	_ =	shalt  }
0x43: {  	_ =	shalt  }
0x44: {  	_ =	shalt  }
0x45: {  	_ =	shalt  }
0x46: {  	_ =	shalt  }
0x47: {  	_ =	shalt  }
0x48: {  	_ =	shalt  }
0x49: {  	_ =	shalt  }
0x4a: {  	_ =	shalt  }
0x4b: {  	_ =	shalt  }
0x4c: {  	_ =	shalt  }
0x4d: {  	_ =	shalt  }
0x4e: {  	_ =	shalt  }
0x4f: {  	_ =	shalt  }
0x50: {  	_ =	shalt  }
0x51: {  	_ =	shalt  }
0x52: {  	_ =	shalt  }
0x53: {  	_ =	shalt  }
0x54: {  	_ =	shalt  }
0x55: {  	_ =	shalt  }
0x56: {  	_ =	shalt  }
0x57: {  	_ =	shalt  }
0x58: {  	_ =	shalt  }
0x59: {  	_ =	shalt  }
0x5a: {  	_ =	shalt  }
0x5b: {  	_ =	shalt  }
0x5c: {  	_ =	shalt  }
0x5d: {  	_ =	shalt  }
0x5e: {  	_ =	shalt  }
0x5f: {  	_ =	shalt  }
0x60: {  	_ =	shalt  }
0x61: {  	_ =	shalt  }
0x62: {  	_ =	shalt  }
0x63: {  	_ =	shalt  }
0x64: {  	_ =	shalt  }
0x65: {  	_ =	shalt  }
0x66: {  	_ =	shalt  }
0x67: {  	_ =	shalt  }
0x68: {  	_ =	shalt  }
0x69: {  	_ =	shalt  }
0x6a: {  	_ =	shalt  }
0x6b: {  	_ =	shalt  }
0x6c: {  	_ =	shalt  }
0x6d: {  	_ =	shalt  }
0x6e: {  	_ =	shalt  }
0x6f: {  	_ =	shalt  }
0x70: {  	_ =	shalt  }
0x71: {  	_ =	shalt  }
0x72: {  	_ =	shalt  }
0x73: {  	_ =	shalt  }
0x74: {  	_ =	shalt  }
0x75: {  	_ =	shalt  }
0x76: {  	_ =	shalt  }
0x77: {  	_ =	shalt  }
0x78: {  	_ =	shalt  }
0x79: {  	_ =	shalt  }
0x7a: {  	_ =	shalt  }
0x7b: {  	_ =	shalt  }
0x7c: {  	_ =	shalt  }
0x7d: {  	_ =	shalt  }
0x7e: {  	_ =	shalt  }
0x7f: {  	_ =	shalt  }
0x80: {  	_ =	shalt  }
0x81: {  	_ =	shalt  }
0x82: {  	_ =	shalt  }
0x83: {  	_ =	shalt  }
0x84: {  	_ =	shalt  }
0x85: {  	_ =	shalt  }
0x86: {  	_ =	shalt  }
0x87: {  	_ =	shalt  }
.Lfunc_end0:
.L_simem_size_0:
called_computation.1_lowered:
.L_overlay_start_0:
0x88: {  	s2 =	sld [smem:$0x3FD9]  }
0x89: {  	s3 =	sld [smem:$0x3FFE];
	_ =	sdelay $0x1  }
0x8a: {  	s1 =	srdreg.scid  }
0x8b: {  	s0 =	sand.u32 $0x1, s1  }
0x8c: {  	s14 =	sshll.u32 s0, $0xA;
	s2 =	sadd.s32 s3, s2  }
0x8d: {  	s2 =	sadd.s32 s2, s14  }
0x8e: {  	[smem:$0x3FC1] =	sst s2  }
0x8f: {  	_ = 	snop  }
0x90: {  	s2 =	sld [smem:$0x3FD0];
	_ =	sdelay $0x2  }
0x91: {  	s15 =	simm.s32 $0xA;
	s4 =	simm.s32 $0x10  }
0x92: {  	[smem:s4], [sflag:s15] =	dma.local [hbm:s2], $0x1  }
0x93: {  	_ =	swait.eq [sflag:s15], $0x1  }
0x94: {  	[sflag:s15] =	ssyncset.done $0x0  }
0x95: {  	s16 =	sld [smem:$0x10];
	[sflag:s15] =	ssyncadd.s32 $0xFFFFFFFF  }
0x96: {  	s17 =	sld [smem:$0x11];
	(tm) =	ssettm $0x1  }
0x97: {  	s18 =	sld [smem:$0x3FFB];
	_ =	sdelay $0x3  }
0x98: {  	_ =	strace s18  }
0x99: {  	s4 =	sld [smem:$0x3FFC];
	_ =	sdelay $0x3  }
0x9a: {  	_ =	strace s4  }
0x9b: {  	s4 =	sld [smem:$0x3FFD];
	_ =	sdelay $0x3  }
0x9c: {  	_ =	strace s4  }
0x9d: {  	_ =	strace $0x8FFFFFFF  }
0x9e: {  	s19 =	sld [smem:$0x3FDB];
	_ =	sdelay $0x1  }
0x9f: {  	s5 =	simm.s32 $_scs_section_size  }
0xa0: {  	s6 =	simm.s32 $_size__tile_overlayer_lowered;
	s7 =	simm.s32 $_tile_overlayer_lowered  }
0xa1: {  	s22 =	simm.s32 $0x1BFF;
	s21 =	sshll.u32 s7, $0x1;
	s4 =	sadd.s32 s5, s19  }
0xa2: {  	s8 =	simm.s32 $0x0;
	s20 =	sshll.u32 s6, $0x1;
	s6 =	sadd.s32 s21, s4  }
0xa3: {  	[timem:s8], [sflag:s22] =	dma.local [hbm:s6], s20  }
0xa4: {  	_ =	swait.ge [sflag:s22], s20  }
0xa5: {  	s5 =	ssub.s32 $0x0, s20;
	[sflag:s22] =	ssyncset.done $0x0  }
0xa6: {  	[sflag:s22] =	ssyncadd.s32 s5;
	_ =	sdelay $0x1  }
0xa7: {  	s23 =	simm.s32 $0x1B8B  }
0xa8: {  	_ =	swait.ge [sflag:s23], $0x1  }
0xa9: {  	[sflag:s23] =	ssyncset.done $0x0  }
0xaa: {  	s25 =	simm.s32 $0x1B8E;
	s24 =	sld [smem:$0x3FFE];
	[sflag:s23] =	ssyncadd.s32 $0xFFFFFFFF  }
0xab: {  	s26 =	simm.s32 $execute0_lowered;
	[smem:$0x3FD2] =	sst s25  }
0xac: {  	s6 =	sshll.u32 s26, $0x1;
	_ =	strace $0x80000049;
	[dreg:$0x1] =	wrdreg $0xFFFFFFFF  }
0xad: {  	s28 =	simm.s32 $_size_execute0_lowered;
	s4 =	sadd.s32 s4, s6;
	[dreg:$0x0] =	wrdreg $0x0  }
0xae: {  	s6 =	sshll.u32 s28, $0x1;
	[dreg:$0x2] =	wrdreg s4  }
0xaf: {  	[dreg:$0x3] =	wrdreg s6  }
0xb0: {  	[dreg:$0x4] =	wrdreg $0xC0  }
0xb1: {  	_ =	task [dreg:s8], $0x5FFFF  }
0xb2: {  	[dreg:$0x1] =	wrdreg $0xFFFFFFFF  }
0xb3: {  	[dreg:$0x0] =	wrdreg $0x60  }
0xb4: {  	[dreg:$0x2] =	wrdreg s24  }
0xb5: {  	[dreg:$0x3] =	wrdreg s17  }
0xb6: {  	[dreg:$0x4] =	wrdreg s16  }
0xb7: {  	[dreg:$0x5] =	wrdreg $0x0  }
0xb8: {  	[dreg:$0x6] =	wrdreg $0x9  }
0xb9: {  	_ =	task.clear_ibuf [dreg:s8], $0x7FFFF;
	_ =	strace $0x90000049  }
0xba: {  	s29 =	simm.s32 $0x9;
	_ =	strace $0x8000004B  }
0xbb: {  	_ =	swait.ge [sflag:s29], $0x1  }
0xbc: {  	[sflag:s29] =	ssyncadd.s32 $0xFFFFFFFF  }
0xbd: {  	_ =	strace $0x9000004B  }
0xbe: {  	_ =	sfence  }
0xbf: {  	s30 =	sld [smem:$0x0];
	_ =	sdelay $0x2  }
0xc0: {  	s31 =	sshll.u32 s1, $0xD;
	s1 =	sshrl.u32 s1, $0x2  }
0xc1: {  	s3 =	sand.u32 $0x4000, s31;
	s1 =	sadd.s32 s1, s30  }
0xc2: {  	s0 =	sor.u32 s3, s0;
	s1 =	sshll.u32 s1, $0x11  }
0xc3: {  	s0 =	sor.u32 s1, s0  }
0xc4: {  	s0 =	sadd.s32 $0x8F2B, s0  }
0xc5: {  	[sflag:s0] =	ssyncadd.remote.s32 $0x1  }
0xc6: {  	_ =	sfence.sel $0xFFFF  }
0xc7: {  	[dreg:$0x0] =	wrdreg $0xFFFFFFFF;
	(pc) =	sbr.abs _section_cstart, $3  }
0xc8: {  	[dreg:$0x1] =	wrdreg $0xFFFFFFFF  }
0xc9: {  	_ =	task.clear_ibuf [dreg:s8], $0x2FFFF;
	_ =	strace $0x9FFFFFFF  }
0xca: {  	(tm) =	ssettm $0x7FFFFFFF  }
0xcb: {  	_ =	shalt  }
tec
execute0_lowered:
.L_overlay_start_1:
0x0: {  	(tag) =	ssettag $0x1  }
0x1: {  	s0 =	rddreg [dreg:$0x0]  }
0x2: {  	s1 =	rddreg [dreg:$0x1]  }
0x3: {  	s3 =	rddreg [dreg:$0x2]  }
0x4: {  	s4 =	rddreg [dreg:$0x3]  }
0x5: {  	s2 =	srdreg.scid;
	s5 =	stileid.u32;
	s12 =	simm.s32 $0x0  }
0x6: {  	s28 =	simm.s32 $0x1;
	s29 =	simm.s32 $0x2;
	s30 =	simm.s32 $0x3  }
0x7: {  	s31 =	simm.s32 $0x4;
	s2 =	sand.u32 $0x1, s2;
	s8 =	smul.u32 $0x15F90, s5  }
0x8: {  	[smem:$0x7FF] =	sst s12;
	s6 =	sadd.s32 $0xCCE00, s0;
	s10 =	smul.u32 $0x57E40, s5  }
0x9: {  	s19 =	sshll.u32 s5, $0x1;
	s7 =	smul.u32 $0x15F900, s2;
	_ =	strace $0x8000004A  }
0xa: {  	s11 =	ssub.s32 $0x2, s2;
	s2 =	sor.u32 s2, s19;
	s19 =	simm.s32 $0x177A0  }
0xb: {  	s18 =	sshrl.u32 s11, $0x1;
	s10 =	sshrl.u32 s10, $0x2;
	s15 =	smul.u32 $0x28A0, s2  }
0xc: {  	s5 =	sadd.s32 s8, s4;
	s16 =	smul.u32 $0x2710, s2;
	s10 =	sadd.s32 s10, s4  }
0xd: {  	s9 =	sadd.s32 s8, s7;
	[dreg:$0x6] =	wrdreg s5;
	s20 =	sadd.s32 $0x3840, s10  }
0xe: {  	s7 =	sadd.s32 $0xBDE00, s0;
	s21 =	sadd.s32 $0x7080, s10;
	[dreg:$0x7] =	wrdreg s20  }
0xf: {  	s9 =	sshrl.u32 s9, $0x3;
	s22 =	sadd.s32 $0xA8C0, s10;
	[dreg:$0x8] =	wrdreg s21  }
0x10: {  	s23 =	sadd.s32 $0xE100, s10;
	s24 =	sadd.s32 $0x11940, s10;
	[dreg:$0x9] =	wrdreg s22  }
0x11: {  	s25 =	sadd.s32 $0x15180, s10;
	s0 =	sadd.s32 s9, s0;
	[dreg:$0xa] =	wrdreg s23  }
.Ltmp0:
0x12: {  	s9 =	ssub.s32 s11, s18;
	[dreg:$0xb] =	wrdreg s24;
	(pc) =	sbr.rel .LBB2_1-.Ltmp0, $4  }
0x13: {  	[dreg:$0xc] =	wrdreg s25;
	s20 =	simm.s32 $0x5;
	s21 =	simm.s32 $0x15F90  }
0x14: {  	s22 =	simm.s32 $0x167B0;
	s23 =	simm.s32 $0x16FD0;
	s0 =	sadd.s32 $0x3200, s0  }
0x15: {  	s24 =	simm.s32 $0x64;
	s26 =	smax.u32 s9, $0x1;
	[dreg:$0xd] =	wrdreg s0  }
0x16: {  	v0 =	vimm.f32 $0.0e+00;
	s25 =	simm.s32 $0x15FF8;
	[dreg:$0xe] =	wrdreg s26;
	s26 =	simm.s32 $0x1AFE0  }
.LBB2_12:
0x17: {  	s0 =	stileid.u32;
	[bflag:$0x0] =	sbarrier.arrive $0xFFFF  }
0x18: {  	s0 =	sshll.u32 s0, $0x6;
	s5 =	rddreg [dreg:$0x6]  }
0x19: {  	s8 =	rddreg [dreg:$0xd];
	s0 =	sor.u32 $0x1C05, s0;
	s2 =	sshrl.u32 s5, $0x3  }
0x1a: {  	[hbm:s8], [sflag:s0] =	dma.local [spmem:s2], $0x2BF2  }
0x1b: {  	_ =	swait.ge [sflag:s20], $0x2BF2  }
0x1c: {  	s12 =	rddreg [dreg:$0x5]  }
0x1d: {  	s18 =	rddreg [dreg:$0xe];
	s12 =	sadd.s32 $0x1, s12  }
0x1e: {  	p0 =	sne.s32 s12, s18  }
.Ltmp1:
0x1f: {  	_ = 	snop;
	(pc) =	sbr.rel @!p0 .LBB2_13-.Ltmp1, $3  }
0x20: {  	_ =	sdelay $0x1  }
0x21: {  	[sflag:s20] =	ssyncset.done $0x0  }
0x22: {  	[sflag:s20] =	ssyncadd.s32 $0xFFFFD40E  }
.LBB2_1:
0x23: {  	[dreg:$0x5] =	wrdreg s12;
	s0 =	simm.s32 $0x0;
	s2 =	simm.s32 $0x240  }
.LBB2_2:
0x24: {  	p0 =	sne.s32 s2, $0xDEC0;
	[tilespmem:s0+$0x17820] =	vst v0  }
0x25: {  	[tilespmem:s0+$0x177A0] =	vst v0  }
0x26: {  	[tilespmem:s0+$0x177B0] =	vst v0  }
0x27: {  	[tilespmem:s0+$0x177C0] =	vst v0  }
.Ltmp2:
0x28: {  	[tilespmem:s0+$0x177D0] =	vst v0;
	(pc) =	sbr.rel @p0 .LBB2_2-.Ltmp2, $4  }
0x29: {  	[tilespmem:s0+$0x177E0] =	vst v0  }
0x2a: {  	[tilespmem:s0+$0x177F0] =	vst v0  }
0x2b: {  	[tilespmem:s0+$0x17800] =	vst v0  }
0x2c: {  	[tilespmem:s0+$0x17810] =	vst v0;
	s0 =	sshra.s32 s2, $0x2;
	s2 =	sadd.s32 $0x240, s2  }
0x2d: {  	[tilespmem:s0+$0x17820] =	vst v0  }
0x2e: {  	[tilespmem:s0+$0x177A0] =	vst v0  }
0x2f: {  	[tilespmem:s0+$0x177B0] =	vst v0  }
0x30: {  	[tilespmem:s0+$0x177C0] =	vst v0  }
0x31: {  	[tilespmem:s0+$0x177D0] =	vst v0  }
0x32: {  	[tilespmem:s0+$0x177E0] =	vst v0  }
0x33: {  	[tilespmem:s0+$0x177F0] =	vst v0  }
0x34: {  	[tilespmem:s0+$0x17800] =	vst v0  }
0x35: {  	[tilespmem:s0+$0x17810] =	vst v0  }
0x36: {  	[spmem:s5] =	stream.linear.scatter [tilespmem:s19], [sflag:$0x5], $0x3840, $0x38;
	[tilespmem:$0x1E820] =	vst v63  }
0x37: {  	_ =	swait.ge [sflag:s20], $0x3840  }
0x38: {  	[sflag:s20] =	ssyncset.done $0x0  }
0x39: {  	s11 =	rddreg [dreg:$0x7];
	[sflag:s20] =	ssyncadd.s32 $0xFFFFC7C0  }
0x3a: {  	[spmem:s11] =	stream.linear.scatter [tilespmem:s19], [sflag:$0x5], $0x3840, $0x38;
	[tilespmem:$0x1E820] =	vst v63  }
0x3b: {  	_ =	swait.ge [sflag:s20], $0x3840  }
0x3c: {  	[sflag:s20] =	ssyncset.done $0x0  }
0x3d: {  	s12 =	rddreg [dreg:$0x8];
	[sflag:s20] =	ssyncadd.s32 $0xFFFFC7C0  }
0x3e: {  	[spmem:s12] =	stream.linear.scatter [tilespmem:s19], [sflag:$0x5], $0x3840, $0x38;
	[tilespmem:$0x1E820] =	vst v63  }
0x3f: {  	_ =	swait.ge [sflag:s20], $0x3840  }
0x40: {  	[sflag:s20] =	ssyncset.done $0x0  }
0x41: {  	s13 =	rddreg [dreg:$0x9];
	[sflag:s20] =	ssyncadd.s32 $0xFFFFC7C0  }
0x42: {  	[spmem:s13] =	stream.linear.scatter [tilespmem:s19], [sflag:$0x5], $0x3840, $0x38;
	[tilespmem:$0x1E820] =	vst v63  }
0x43: {  	_ =	swait.ge [sflag:s20], $0x3840  }
0x44: {  	[sflag:s20] =	ssyncset.done $0x0  }
0x45: {  	s14 =	rddreg [dreg:$0xa];
	[sflag:s20] =	ssyncadd.s32 $0xFFFFC7C0  }
0x46: {  	[spmem:s14] =	stream.linear.scatter [tilespmem:s19], [sflag:$0x5], $0x3840, $0x38;
	[tilespmem:$0x1E820] =	vst v63  }
0x47: {  	_ =	swait.ge [sflag:s20], $0x3840  }
0x48: {  	[sflag:s20] =	ssyncset.done $0x0  }
0x49: {  	s17 =	rddreg [dreg:$0xb];
	[sflag:s20] =	ssyncadd.s32 $0xFFFFC7C0  }
0x4a: {  	[spmem:s17] =	stream.linear.scatter [tilespmem:s19], [sflag:$0x5], $0x3840, $0x38;
	[tilespmem:$0x1E820] =	vst v63  }
0x4b: {  	_ =	swait.ge [sflag:s20], $0x3840  }
0x4c: {  	[sflag:s20] =	ssyncset.done $0x0  }
0x4d: {  	s18 =	rddreg [dreg:$0xc];
	[sflag:s20] =	ssyncadd.s32 $0xFFFFC7C0  }
0x4e: {  	[spmem:s18] =	stream.linear.scatter [tilespmem:s19], [sflag:$0x5], $0xE10, $0x38;
	[tilespmem:$0x1E820] =	vst v63  }
.Ltmp3:
0x4f: {  	_ =	swait.ge [sflag:s20], $0xE10;
	(pc) =	sbr.rel .LBB2_4-.Ltmp3, $4  }
0x50: {  	[sflag:s20] =	ssyncset.done $0x0  }
0x51: {  	[sflag:s20] =	ssyncadd.s32 $0xFFFFF1F0  }
0x52: {  	[bflag:$0x0] =	sbarrier.arrive $0xFFFF  }
0x53: {  	s0 =	simm.s32 $0x0;
	s2 =	simm.s32 $0x0  }
.LBB2_11:
0x54: {  	s2 =	sadd.s32 $0x1, s2  }
0x55: {  	p0 =	sne.s32 s2, $0x5  }
.Ltmp4:
0x56: {  	_ = 	snop;
	(pc) =	sbr.rel @!p0 .LBB2_12-.Ltmp4, $4  }
0x57: {  	_ = 	snop  }
0x58: {  	_ =	swait.ge [sflag:s31], $0x3840  }
0x59: {  	[sflag:s31] =	ssyncset.done $0x0  }
0x5a: {  	[sflag:s31] =	ssyncadd.s32 $0xFFFFC7C0  }
.LBB2_4:
0x5b: {  	s9 =	smul.u32 $0x820, s2;
	_ =	sdelay $0x1  }
0x5c: {  	s9 =	sadd.s32 s15, s9  }
0x5d: {  	s9 =	sshrl.u32 s9, $0x3  }
0x5e: {  	s10 =	sadd.s32 s3, s9  }
0x5f: {  	[tilespmem:s21], [sflag:$0x5] =	stream.linear.gather [hbm4b:s10+s0], $0x820, $0x38;
	[tilespmem:$0x1E820] =	vst v63  }
0x60: {  	_ =	swait.ge [sflag:s20], $0x820  }
0x61: {  	[sflag:s20] =	ssyncset.done $0x0  }
0x62: {  	s17 =	smul.u32 $0x7D0, s2;
	s9 =	sadd.s32 s7, s9;
	[sflag:s20] =	ssyncadd.s32 $0xFFFFF7E0  }
0x63: {  	[tilespmem:s22], [sflag:$0x5] =	stream.linear.gather [hbm4b:s9+s0], $0x820, $0x38;
	[tilespmem:$0x1E820] =	vst v63  }
0x64: {  	s18 =	sadd.s32 s16, s17;
	_ =	swait.ge [sflag:s20], $0x820  }
0x65: {  	s9 =	sshrl.u32 s18, $0x3;
	[sflag:s20] =	ssyncset.done $0x0  }
0x66: {  	s9 =	sadd.s32 s1, s9;
	[sflag:s20] =	ssyncadd.s32 $0xFFFFF7E0  }
0x67: {  	[tilespmem:s23], [sflag:$0x5] =	stream.linear.gather [hbm4b:s9+s0], $0x7D0, $0x38;
	[tilespmem:$0x1E820] =	vst v63  }
0x68: {  	_ =	swait.ge [sflag:s20], $0x7D0  }
0x69: {  	[sflag:s20] =	ssyncset.done $0x0  }
0x6a: {  	[sflag:s20] =	ssyncadd.s32 $0xFFFFF830  }
0x6b: {  	[tilespmem:s19], [sflag:$0x1] =	stream.indirect.gather [hbm4b:s6+s24], $0x90, s21, s24, $0xb8;
	[tilespmem:$0x1E820] =	vst v63  }
0x6c: {  	s10 =	simm.s32 $0x0;
	s9 =	simm.s32 $0x0  }
0x6d: {  	[tilespmem:s26], [sflag:$0x2] =	stream.indirect.gather [hbm4b:s6+s24], $0x90, s25, s24, $0xb8;
	[tilespmem:$0x1E820] =	vst v63  }
.LBB2_5:
0x6e: {  	s12 =	sadd.s32 $0xFFFFFFFC, s9  }
0x6f: {  	s18 =	sadd.s32 $0x4, s12  }
0x70: {  	v2 =	vmov s18  }
0x71: {  	_ =	swait.ge [sflag:s28], $0x3840;
	s11 =	sadd.s32 $0x6, s12;
	v2 =	vand.u32 $0xFFFFFFFC, v2  }
0x72: {  	[sflag:s28] =	ssyncset.done $0x0;
	v1 =	vmov s11;
	v2 =	vbroadcast v2, $0x0  }
0x73: {  	[sflag:s28] =	ssyncadd.s32 $0xFFFFC7C0;
	s11 =	simm.s32 $0x178C0;
	v1 =	vand.u32 $0xFFFFFFFE, v1  }
0x74: {  	v3 =	vld [tilespmem:s11+$0x80];
	v1 =	vbroadcast v1, $0x0  }
0x75: {  	v4 =	vld [tilespmem:s11+$0xFFFFFEE0]  }
0x76: {  	v6 =	vld [tilespmem:s11+$0xFFFFFEF0]  }
0x77: {  	s13 =	sadd.s32 $0x5, s12;
	v7 =	vld [tilespmem:s11+$0xFFFFFF00]  }
0x78: {  	v5 =	vmov s13;
	v2 =	vld.idx.msk [tilespmem:v2+s23+$0x0], $0xffff  }
0x79: {  	v5 =	vand.u32 $0xFFFFFFFD, v5;
	v8 =	vld [tilespmem:s11+$0xFFFFFF10]  }
0x7a: {  	v5 =	vbroadcast v5, $0x0;
	v1 =	vld.idx.msk [tilespmem:v1+s23+$0x0], $0xffff  }
0x7b: {  	v9 =	vld [tilespmem:s11+$0xFFFFFF20]  }
0x7c: {  	v10 =	vld [tilespmem:s11+$0xFFFFFF30]  }
0x7d: {  	v11 =	vld [tilespmem:s11+$0xFFFFFF40];
	v4 =	vmul.f32 v4, v2  }
0x7e: {  	v12 =	vld [tilespmem:s11+$0xFFFFFF70];
	v6 =	vmul.f32 v6, v2  }
0x7f: {  	v63 =	vld [tilespmem:s11+$0xFFFFFFC0];
	v3 =	vmul.f32 v3, v1;
	[tilespmem:s11+$0xFFFFFEE0] =	vst v4  }
0x80: {  	v5 =	vld.idx.msk [tilespmem:v5+s23+$0x0], $0xffff;
	v7 =	vmul.f32 v7, v2;
	[tilespmem:s11+$0xFFFFFEF0] =	vst v6  }
0x81: {  	v4 =	vld [tilespmem:s11+$0xFFFFFF50];
	[tilespmem:s11+$0x80] =	vst v3;
	v3 =	vmul.f32 v8, v2  }
0x82: {  	s12 =	sadd.s32 $0x7, s12;
	v6 =	vld [tilespmem:s11+$0xFFFFFF60];
	[tilespmem:s11+$0xFFFFFF00] =	vst v7;
	v7 =	vmul.f32 v9, v2  }
0x83: {  	v13 =	vmov s12;
	v8 =	vld [tilespmem:s11+$0xFFFFFF80];
	[tilespmem:s11+$0xFFFFFF10] =	vst v3;
	v3 =	vmul.f32 v10, v2  }
0x84: {  	v9 =	vld [tilespmem:s11+$0xFFFFFF90];
	[tilespmem:s11+$0xFFFFFF20] =	vst v7;
	v7 =	vmul.f32 v11, v2  }
0x85: {  	v10 =	vld [tilespmem:s11+$0xFFFFFFA0];
	[tilespmem:s11+$0xFFFFFF30] =	vst v3;
	v3 =	vmul.f32 v12, v5  }
0x86: {  	v11 =	vld [tilespmem:s11+$0xFFFFFFB0];
	[tilespmem:s11+$0xFFFFFF40] =	vst v7;
	v4 =	vmul.f32 v4, v2  }
0x87: {  	v7 =	vld [tilespmem:s11+$0xFFFFFFD0];
	v6 =	vmul.f32 v6, v2;
	[tilespmem:s11+$0xFFFFFF70] =	vst v3  }
0x88: {  	v2 =	vld.idx.msk [tilespmem:v13+s23+$0x0], $0xffff;
	v3 =	vmul.f32 v8, v5;
	[tilespmem:s11+$0xFFFFFF50] =	vst v4  }
0x89: {  	v8 =	vmul.f32 v9, v5;
	v4 =	vld [tilespmem:s11+$0xFFFFFFE0];
	[tilespmem:s11+$0xFFFFFF60] =	vst v6  }
0x8a: {  	v9 =	vld [tilespmem:s11+$0xFFFFFFF0];
	[tilespmem:s11+$0xFFFFFF80] =	vst v3;
	v3 =	vmul.f32 v10, v5  }
0x8b: {  	v6 =	vmul.f32 v11, v5;
	[tilespmem:s11+$0xFFFFFF90] =	vst v8;
	v8 =	vld [tilespmem:s11+$0x0]  }
0x8c: {  	v10 =	vld [tilespmem:s11+$0x10];
	[tilespmem:s11+$0xFFFFFFA0] =	vst v3;
	v3 =	vmul.f32 v63, v5  }
0x8d: {  	[tilespmem:s11+$0xFFFFFFB0] =	vst v6;
	v11 =	vmul.f32 v7, v5;
	v7 =	vld [tilespmem:s11+$0x20]  }
0x8e: {  	v6 =	vld [tilespmem:s11+$0x30];
	[tilespmem:s11+$0xFFFFFFC0] =	vst v3;
	v3 =	vmul.f32 v4, v5  }
0x8f: {  	[tilespmem:s11+$0xFFFFFFD0] =	vst v11;
	v4 =	vmul.f32 v9, v5;
	v5 =	vld [tilespmem:s11+$0x40]  }
0x90: {  	v9 =	vmul.f32 v8, v1;
	[tilespmem:s11+$0xFFFFFFE0] =	vst v3;
	v3 =	vld [tilespmem:s11+$0x50]  }
0x91: {  	s13 =	simm.s32 $0x0;
	s12 =	simm.s32 $0x178C0;
	v8 =	vmul.f32 v10, v1;
	[tilespmem:s11+$0xFFFFFFF0] =	vst v4;
	v4 =	vld [tilespmem:s11+$0x60]  }
.LBB2_6:
0x92: {  	s14 =	sadd.s32 s13, s9;
	s13 =	sadd.s32 $0x4, s13;
	[tilespmem:s11+$0x0] =	vst v9;
	v7 =	vmul.f32 v7, v1;
	v9 =	vld [tilespmem:s11+$0x70]  }
0x93: {  	s17 =	sadd.s32 $0x4, s14;
	s18 =	sadd.s32 $0x6, s14;
	p0 =	slt.u32 s13, $0x60;
	[tilespmem:s11+$0x10] =	vst v8;
	v6 =	vmul.f32 v6, v1;
	v8 =	vld [tilespmem:s11+$0x90]  }
0x94: {  	v10 =	vmov s17;
	s17 =	sadd.s32 $0x5, s14;
	v11 =	vmov s18;
	s14 =	sadd.s32 $0x7, s14;
	[tilespmem:s11+$0x20] =	vst v7;
	v5 =	vmul.f32 v5, v1;
	v7 =	vld [tilespmem:s11+$0xA0]  }
0x95: {  	v10 =	vand.u32 $0xFFFFFFFC, v10;
	v12 =	vmov s17;
	v11 =	vand.u32 $0xFFFFFFFE, v11;
	[tilespmem:s11+$0x30] =	vst v6;
	v6 =	vld [tilespmem:s11+$0xB0]  }
0x96: {  	v10 =	vbroadcast v10, $0x0;
	v12 =	vand.u32 $0xFFFFFFFD, v12;
	v11 =	vbroadcast v11, $0x0;
	[tilespmem:s11+$0x40] =	vst v5;
	v5 =	vld [tilespmem:s11+$0xC0]  }
0x97: {  	v13 =	vmov s14;
	v3 =	vmul.f32 v3, v1;
	v12 =	vbroadcast v12, $0x0;
	v14 =	vld [tilespmem:s11+$0xD0]  }
0x98: {  	v4 =	vmul.f32 v4, v1;
	v1 =	vmul.f32 v9, v1;
	v9 =	vld [tilespmem:s11+$0xE0]  }
0x99: {  	[tilespmem:s11+$0x50] =	vst v3;
	v3 =	vmul.f32 v8, v2;
	v7 =	vmul.f32 v7, v2;
	v8 =	vld [tilespmem:s11+$0xF0]  }
0x9a: {  	[tilespmem:s11+$0x60] =	vst v4;
	v4 =	vmul.f32 v6, v2;
	v6 =	vld [tilespmem:s11+$0x100]  }
0x9b: {  	[tilespmem:s11+$0x70] =	vst v1;
	v5 =	vmul.f32 v5, v2;
	v15 =	vld [tilespmem:s11+$0x110]  }
0x9c: {  	s11 =	sadd.s32 $0x240, s11;
	v1 =	vld.idx.msk [tilespmem:v11+s23+$0x0], $0xffff;
	[tilespmem:s12+$0x90] =	vst v3;
	v3 =	vmul.f32 v14, v2  }
0x9d: {  	v11 =	vld [tilespmem:s11+$0x80];
	[tilespmem:s12+$0xA0] =	vst v7;
	v7 =	vmul.f32 v9, v2  }
0x9e: {  	v9 =	vld.idx.msk [tilespmem:v10+s23+$0x0], $0xffff;
	[tilespmem:s12+$0xB0] =	vst v4;
	v4 =	vmul.f32 v8, v2  }
0x9f: {  	v8 =	vld.idx.msk [tilespmem:v12+s23+$0x0], $0xffff;
	[tilespmem:s12+$0xC0] =	vst v5;
	v5 =	vmul.f32 v6, v2  }
0xa0: {  	[tilespmem:s12+$0xD0] =	vst v3;
	v3 =	vmul.f32 v15, v2;
	v2 =	vld.idx.msk [tilespmem:v13+s23+$0x0], $0xffff  }
0xa1: {  	v6 =	vld [tilespmem:s11+$0xFFFFFEE0];
	[tilespmem:s12+$0xE0] =	vst v7  }
0xa2: {  	v7 =	vld [tilespmem:s11+$0xFFFFFEF0];
	v10 =	vmul.f32 v11, v1;
	[tilespmem:s12+$0xF0] =	vst v4  }
0xa3: {  	v4 =	vld [tilespmem:s11+$0xFFFFFF00];
	[tilespmem:s12+$0x100] =	vst v5  }
0xa4: {  	v5 =	vld [tilespmem:s11+$0xFFFFFF10];
	[tilespmem:s11+$0x80] =	vst v10  }
0xa5: {  	v10 =	vld [tilespmem:s11+$0xFFFFFF20];
	[tilespmem:s12+$0x110] =	vst v3;
	s12 =	smov.u32 s11  }
0xa6: {  	v3 =	vmul.f32 v6, v9;
	v6 =	vld [tilespmem:s11+$0xFFFFFF30]  }
0xa7: {  	v7 =	vmul.f32 v7, v9;
	v11 =	vld [tilespmem:s11+$0xFFFFFF40]  }
0xa8: {  	[tilespmem:s11+$0xFFFFFEE0] =	vst v3;
	v3 =	vmul.f32 v4, v9;
	v4 =	vld [tilespmem:s11+$0xFFFFFF50]  }
0xa9: {  	[tilespmem:s11+$0xFFFFFEF0] =	vst v7;
	v5 =	vmul.f32 v5, v9;
	v7 =	vld [tilespmem:s11+$0xFFFFFF60]  }
0xaa: {  	[tilespmem:s11+$0xFFFFFF00] =	vst v3;
	v3 =	vmul.f32 v10, v9;
	v10 =	vld [tilespmem:s11+$0xFFFFFF70]  }
0xab: {  	[tilespmem:s11+$0xFFFFFF10] =	vst v5;
	v5 =	vmul.f32 v6, v9;
	v6 =	vld [tilespmem:s11+$0xFFFFFF80]  }
0xac: {  	[tilespmem:s11+$0xFFFFFF20] =	vst v3;
	v3 =	vmul.f32 v11, v9;
	v11 =	vld [tilespmem:s11+$0xFFFFFF90]  }
0xad: {  	[tilespmem:s11+$0xFFFFFF30] =	vst v5;
	v4 =	vmul.f32 v4, v9;
	v5 =	vld [tilespmem:s11+$0xFFFFFFA0]  }
0xae: {  	[tilespmem:s11+$0xFFFFFF40] =	vst v3;
	v3 =	vmul.f32 v7, v9;
	v7 =	vld [tilespmem:s11+$0xFFFFFFB0]  }
0xaf: {  	[tilespmem:s11+$0xFFFFFF50] =	vst v4;
	v4 =	vmul.f32 v10, v8;
	v9 =	vld [tilespmem:s11+$0xFFFFFFC0]  }
0xb0: {  	[tilespmem:s11+$0xFFFFFF60] =	vst v3;
	v3 =	vmul.f32 v6, v8;
	v6 =	vld [tilespmem:s11+$0xFFFFFFD0]  }
0xb1: {  	[tilespmem:s11+$0xFFFFFF70] =	vst v4;
	v4 =	vmul.f32 v11, v8;
	v10 =	vld [tilespmem:s11+$0xFFFFFFE0]  }
0xb2: {  	[tilespmem:s11+$0xFFFFFF80] =	vst v3;
	v3 =	vmul.f32 v5, v8;
	v5 =	vld [tilespmem:s11+$0xFFFFFFF0]  }
0xb3: {  	[tilespmem:s11+$0xFFFFFF90] =	vst v4;
	v4 =	vmul.f32 v7, v8;
	v11 =	vld [tilespmem:s11+$0x0]  }
0xb4: {  	[tilespmem:s11+$0xFFFFFFA0] =	vst v3;
	v3 =	vmul.f32 v9, v8;
	v12 =	vld [tilespmem:s11+$0x10]  }
.Ltmp5:
0xb5: {  	[tilespmem:s11+$0xFFFFFFB0] =	vst v4;
	v4 =	vmul.f32 v6, v8;
	v7 =	vld [tilespmem:s11+$0x20];
	(pc) =	sbr.rel @p0 .LBB2_6-.Ltmp5, $4  }
0xb6: {  	[tilespmem:s11+$0xFFFFFFC0] =	vst v3;
	v3 =	vmul.f32 v10, v8;
	v6 =	vld [tilespmem:s11+$0x30]  }
0xb7: {  	[tilespmem:s11+$0xFFFFFFD0] =	vst v4;
	v4 =	vmul.f32 v5, v8;
	v5 =	vld [tilespmem:s11+$0x40]  }
0xb8: {  	[tilespmem:s11+$0xFFFFFFE0] =	vst v3;
	v9 =	vmul.f32 v11, v1;
	v3 =	vld [tilespmem:s11+$0x50]  }
0xb9: {  	[tilespmem:s11+$0xFFFFFFF0] =	vst v4;
	v8 =	vmul.f32 v12, v1;
	v4 =	vld [tilespmem:s11+$0x60]  }
0xba: {  	[tilespmem:s11+$0x0] =	vst v9;
	v9 =	vld [tilespmem:s11+$0x70]  }
0xbb: {  	v10 =	vld [tilespmem:s11+$0x90];
	v7 =	vmul.f32 v7, v1  }
0xbc: {  	v11 =	vld [tilespmem:s11+$0xA0];
	[tilespmem:s11+$0x10] =	vst v8;
	v6 =	vmul.f32 v6, v1  }
0xbd: {  	v8 =	vld [tilespmem:s11+$0xB0];
	[tilespmem:s11+$0x20] =	vst v7;
	v5 =	vmul.f32 v5, v1  }
0xbe: {  	v7 =	vld [tilespmem:s11+$0xC0];
	[tilespmem:s11+$0x30] =	vst v6;
	v3 =	vmul.f32 v3, v1  }
0xbf: {  	v6 =	vld [tilespmem:s11+$0xD0];
	[tilespmem:s11+$0x40] =	vst v5;
	v4 =	vmul.f32 v4, v1  }
0xc0: {  	v5 =	vld [tilespmem:s11+$0xE0];
	v1 =	vmul.f32 v9, v1;
	[tilespmem:s11+$0x50] =	vst v3  }
0xc1: {  	v3 =	vld [tilespmem:s11+$0xF0];
	v9 =	vmul.f32 v10, v2;
	[tilespmem:s11+$0x60] =	vst v4  }
0xc2: {  	v10 =	vmul.f32 v11, v2;
	v4 =	vld [tilespmem:s11+$0x100];
	[tilespmem:s11+$0x70] =	vst v1  }
0xc3: {  	v8 =	vmul.f32 v8, v2;
	v1 =	vld [tilespmem:s11+$0x110];
	[tilespmem:s12+$0x90] =	vst v9  }
0xc4: {  	v7 =	vmul.f32 v7, v2;
	[tilespmem:s12+$0xA0] =	vst v10  }
0xc5: {  	v6 =	vmul.f32 v6, v2;
	[tilespmem:s12+$0xB0] =	vst v8  }
0xc6: {  	s13 =	sadd.s32 $0xFFFFFFFC, s9;
	v5 =	vmul.f32 v5, v2;
	[tilespmem:s12+$0xC0] =	vst v7  }
0xc7: {  	s8 =	sadd.s32 $0x6A, s13;
	v3 =	vmul.f32 v3, v2;
	[tilespmem:s12+$0xD0] =	vst v6  }
0xc8: {  	s14 =	smul.u32 $0x340, s10;
	v4 =	vmul.f32 v4, v2;
	[tilespmem:s12+$0xE0] =	vst v5;
	v5 =	vmov s8  }
0xc9: {  	v1 =	vmul.f32 v1, v2;
	[tilespmem:s12+$0xF0] =	vst v3;
	v2 =	vand.u32 $0xFFFFFFFE, v5  }
0xca: {  	s17 =	sadd.s32 $0x68, s13;
	s11 =	sshra.s32 s14, $0x2;
	[tilespmem:s12+$0x100] =	vst v4;
	v2 =	vbroadcast v2, $0x0  }
0xcb: {  	v3 =	vmov s17;
	s17 =	sadd.s32 $0x167B0, s11;
	[tilespmem:s12+$0x110] =	vst v1  }
0xcc: {  	[spmem:s4] =	stream.indirect.scatter.add.f32 [tilespmem:s19], [sflag:$0x3], $0x90, s17, s24, $0xb8;
	[tilespmem:$0x1E820] =	vst v63  }
0xcd: {  	_ =	swait.ge [sflag:s29], $0x3840  }
0xce: {  	v1 =	vand.u32 $0xFFFFFFFC, v3;
	[sflag:s29] =	ssyncset.done $0x0  }
0xcf: {  	v3 =	vbroadcast v1, $0x0;
	[sflag:s29] =	ssyncadd.s32 $0xFFFFC7C0  }
0xd0: {  	s12 =	simm.s32 $0x1B100;
	v1 =	vld.idx.msk [tilespmem:v2+s23+$0x0], $0xffff  }
0xd1: {  	v2 =	vld [tilespmem:s12+$0x80]  }
0xd2: {  	v4 =	vld [tilespmem:s12+$0xFFFFFEE0]  }
0xd3: {  	s18 =	sadd.s32 $0x69, s13;
	v6 =	vld [tilespmem:s12+$0xFFFFFEF0]  }
0xd4: {  	v5 =	vmov s18;
	v7 =	vld [tilespmem:s12+$0xFFFFFF00]  }
0xd5: {  	v5 =	vand.u32 $0xFFFFFFFD, v5;
	v3 =	vld.idx.msk [tilespmem:v3+s23+$0x0], $0xffff  }
0xd6: {  	v5 =	vbroadcast v5, $0x0;
	v8 =	vld [tilespmem:s12+$0xFFFFFF10]  }
0xd7: {  	v9 =	vld [tilespmem:s12+$0xFFFFFF20]  }
0xd8: {  	v10 =	vld [tilespmem:s12+$0xFFFFFF30]  }
0xd9: {  	v11 =	vld [tilespmem:s12+$0xFFFFFF40];
	v2 =	vmul.f32 v2, v1  }
0xda: {  	v12 =	vld [tilespmem:s12+$0xFFFFFF70];
	v4 =	vmul.f32 v4, v3  }
0xdb: {  	v63 =	vld [tilespmem:s12+$0xFFFFFFC0];
	v6 =	vmul.f32 v6, v3;
	[tilespmem:s12+$0x80] =	vst v2  }
0xdc: {  	v5 =	vld.idx.msk [tilespmem:v5+s23+$0x0], $0xffff;
	v7 =	vmul.f32 v7, v3;
	[tilespmem:s12+$0xFFFFFEE0] =	vst v4  }
0xdd: {  	v2 =	vmul.f32 v8, v3;
	v8 =	vld [tilespmem:s12+$0xFFFFFF80];
	[tilespmem:s12+$0xFFFFFEF0] =	vst v6  }
0xde: {  	s13 =	sadd.s32 $0x6B, s13;
	v4 =	vld [tilespmem:s12+$0xFFFFFF50];
	[tilespmem:s12+$0xFFFFFF00] =	vst v7;
	v7 =	vmul.f32 v9, v3  }
0xdf: {  	v13 =	vmov s13;
	v6 =	vld [tilespmem:s12+$0xFFFFFF60];
	[tilespmem:s12+$0xFFFFFF10] =	vst v2;
	v2 =	vmul.f32 v10, v3  }
0xe0: {  	v9 =	vld [tilespmem:s12+$0xFFFFFF90];
	[tilespmem:s12+$0xFFFFFF20] =	vst v7;
	v7 =	vmul.f32 v11, v3  }
0xe1: {  	v10 =	vld [tilespmem:s12+$0xFFFFFFA0];
	[tilespmem:s12+$0xFFFFFF30] =	vst v2;
	v2 =	vmul.f32 v12, v5  }
0xe2: {  	v11 =	vld [tilespmem:s12+$0xFFFFFFB0];
	v8 =	vmul.f32 v8, v5;
	[tilespmem:s12+$0xFFFFFF40] =	vst v7  }
0xe3: {  	v7 =	vld [tilespmem:s12+$0xFFFFFFD0];
	[tilespmem:s12+$0xFFFFFF70] =	vst v2;
	v4 =	vmul.f32 v4, v3  }
0xe4: {  	v2 =	vld.idx.msk [tilespmem:v13+s23+$0x0], $0xffff;
	v3 =	vmul.f32 v6, v3;
	[tilespmem:s12+$0xFFFFFF80] =	vst v8  }
0xe5: {  	v6 =	vmul.f32 v9, v5;
	[tilespmem:s12+$0xFFFFFF50] =	vst v4;
	v4 =	vld [tilespmem:s12+$0xFFFFFFE0]  }
0xe6: {  	v8 =	vld [tilespmem:s12+$0xFFFFFFF0];
	[tilespmem:s12+$0xFFFFFF60] =	vst v3;
	v3 =	vmul.f32 v10, v5  }
0xe7: {  	v9 =	vld [tilespmem:s12+$0x0];
	[tilespmem:s12+$0xFFFFFF90] =	vst v6;
	v6 =	vmul.f32 v11, v5  }
0xe8: {  	v10 =	vld [tilespmem:s12+$0x10];
	[tilespmem:s12+$0xFFFFFFA0] =	vst v3;
	v3 =	vmul.f32 v63, v5  }
0xe9: {  	[tilespmem:s12+$0xFFFFFFB0] =	vst v6;
	v11 =	vmul.f32 v7, v5;
	v7 =	vld [tilespmem:s12+$0x20]  }
0xea: {  	v6 =	vld [tilespmem:s12+$0x30];
	[tilespmem:s12+$0xFFFFFFC0] =	vst v3;
	v3 =	vmul.f32 v4, v5  }
0xeb: {  	[tilespmem:s12+$0xFFFFFFD0] =	vst v11;
	v4 =	vmul.f32 v8, v5;
	v5 =	vld [tilespmem:s12+$0x40]  }
0xec: {  	v9 =	vmul.f32 v9, v1;
	[tilespmem:s12+$0xFFFFFFE0] =	vst v3;
	v3 =	vld [tilespmem:s12+$0x50]  }
0xed: {  	s13 =	sshllo.u32 s10, $0x1;
	s14 =	simm.s32 $0x1B100;
	s17 =	simm.s32 $0x0;
	v8 =	vmul.f32 v10, v1;
	[tilespmem:s12+$0xFFFFFFF0] =	vst v4;
	v4 =	vld [tilespmem:s12+$0x60]  }
.LBB2_8:
0xee: {  	s18 =	sadd.s32 s17, s9;
	s17 =	sadd.s32 $0x4, s17;
	[tilespmem:s12+$0x0] =	vst v9;
	v7 =	vmul.f32 v7, v1;
	v9 =	vld [tilespmem:s12+$0x70]  }
0xef: {  	s8 =	sadd.s32 $0x68, s18;
	s5 =	sadd.s32 $0x6A, s18;
	p0 =	slt.u32 s17, $0x60;
	[tilespmem:s12+$0x10] =	vst v8;
	v6 =	vmul.f32 v6, v1;
	v8 =	vld [tilespmem:s12+$0x90]  }
0xf0: {  	v10 =	vmov s8;
	s8 =	sadd.s32 $0x69, s18;
	v11 =	vmov s5;
	s5 =	sadd.s32 $0x6B, s18;
	[tilespmem:s12+$0x20] =	vst v7;
	v5 =	vmul.f32 v5, v1;
	v7 =	vld [tilespmem:s12+$0xA0]  }
0xf1: {  	v10 =	vand.u32 $0xFFFFFFFC, v10;
	v12 =	vmov s8;
	v11 =	vand.u32 $0xFFFFFFFE, v11;
	[tilespmem:s12+$0x30] =	vst v6;
	v6 =	vld [tilespmem:s12+$0xB0]  }
0xf2: {  	v10 =	vbroadcast v10, $0x0;
	v12 =	vand.u32 $0xFFFFFFFD, v12;
	v11 =	vbroadcast v11, $0x0;
	[tilespmem:s12+$0x40] =	vst v5;
	v5 =	vld [tilespmem:s12+$0xC0]  }
0xf3: {  	v13 =	vmov s5;
	v3 =	vmul.f32 v3, v1;
	v12 =	vbroadcast v12, $0x0;
	v14 =	vld [tilespmem:s12+$0xD0]  }
0xf4: {  	v4 =	vmul.f32 v4, v1;
	v1 =	vmul.f32 v9, v1;
	v9 =	vld [tilespmem:s12+$0xE0]  }
0xf5: {  	[tilespmem:s12+$0x50] =	vst v3;
	v3 =	vmul.f32 v8, v2;
	v7 =	vmul.f32 v7, v2;
	v8 =	vld [tilespmem:s12+$0xF0]  }
0xf6: {  	[tilespmem:s12+$0x60] =	vst v4;
	v4 =	vmul.f32 v6, v2;
	v6 =	vld [tilespmem:s12+$0x100]  }
0xf7: {  	[tilespmem:s12+$0x70] =	vst v1;
	v5 =	vmul.f32 v5, v2;
	v15 =	vld [tilespmem:s12+$0x110]  }
0xf8: {  	s12 =	sadd.s32 $0x240, s12;
	v1 =	vld.idx.msk [tilespmem:v11+s23+$0x0], $0xffff;
	[tilespmem:s14+$0x90] =	vst v3;
	v3 =	vmul.f32 v14, v2  }
0xf9: {  	v11 =	vld [tilespmem:s12+$0x80];
	[tilespmem:s14+$0xA0] =	vst v7;
	v7 =	vmul.f32 v9, v2  }
0xfa: {  	v9 =	vld.idx.msk [tilespmem:v10+s23+$0x0], $0xffff;
	[tilespmem:s14+$0xB0] =	vst v4;
	v4 =	vmul.f32 v8, v2  }
0xfb: {  	v8 =	vld.idx.msk [tilespmem:v12+s23+$0x0], $0xffff;
	[tilespmem:s14+$0xC0] =	vst v5;
	v5 =	vmul.f32 v6, v2  }
0xfc: {  	[tilespmem:s14+$0xD0] =	vst v3;
	v3 =	vmul.f32 v15, v2;
	v2 =	vld.idx.msk [tilespmem:v13+s23+$0x0], $0xffff  }
0xfd: {  	v6 =	vld [tilespmem:s12+$0xFFFFFEE0];
	[tilespmem:s14+$0xE0] =	vst v7  }
0xfe: {  	v7 =	vld [tilespmem:s12+$0xFFFFFEF0];
	v10 =	vmul.f32 v11, v1;
	[tilespmem:s14+$0xF0] =	vst v4  }
0xff: {  	v4 =	vld [tilespmem:s12+$0xFFFFFF00];
	[tilespmem:s14+$0x100] =	vst v5  }
0x100: {  	v5 =	vld [tilespmem:s12+$0xFFFFFF10];
	[tilespmem:s12+$0x80] =	vst v10  }
0x101: {  	v10 =	vld [tilespmem:s12+$0xFFFFFF20];
	[tilespmem:s14+$0x110] =	vst v3;
	s14 =	smov.u32 s12  }
0x102: {  	v3 =	vmul.f32 v6, v9;
	v6 =	vld [tilespmem:s12+$0xFFFFFF30]  }
0x103: {  	v7 =	vmul.f32 v7, v9;
	v11 =	vld [tilespmem:s12+$0xFFFFFF40]  }
0x104: {  	[tilespmem:s12+$0xFFFFFEE0] =	vst v3;
	v3 =	vmul.f32 v4, v9;
	v4 =	vld [tilespmem:s12+$0xFFFFFF50]  }
0x105: {  	[tilespmem:s12+$0xFFFFFEF0] =	vst v7;
	v5 =	vmul.f32 v5, v9;
	v7 =	vld [tilespmem:s12+$0xFFFFFF60]  }
0x106: {  	[tilespmem:s12+$0xFFFFFF00] =	vst v3;
	v3 =	vmul.f32 v10, v9;
	v10 =	vld [tilespmem:s12+$0xFFFFFF70]  }
0x107: {  	[tilespmem:s12+$0xFFFFFF10] =	vst v5;
	v5 =	vmul.f32 v6, v9;
	v6 =	vld [tilespmem:s12+$0xFFFFFF80]  }
0x108: {  	[tilespmem:s12+$0xFFFFFF20] =	vst v3;
	v3 =	vmul.f32 v11, v9;
	v11 =	vld [tilespmem:s12+$0xFFFFFF90]  }
0x109: {  	[tilespmem:s12+$0xFFFFFF30] =	vst v5;
	v4 =	vmul.f32 v4, v9;
	v5 =	vld [tilespmem:s12+$0xFFFFFFA0]  }
0x10a: {  	[tilespmem:s12+$0xFFFFFF40] =	vst v3;
	v3 =	vmul.f32 v7, v9;
	v7 =	vld [tilespmem:s12+$0xFFFFFFB0]  }
0x10b: {  	[tilespmem:s12+$0xFFFFFF50] =	vst v4;
	v4 =	vmul.f32 v10, v8;
	v9 =	vld [tilespmem:s12+$0xFFFFFFC0]  }
0x10c: {  	[tilespmem:s12+$0xFFFFFF60] =	vst v3;
	v3 =	vmul.f32 v6, v8;
	v6 =	vld [tilespmem:s12+$0xFFFFFFD0]  }
0x10d: {  	[tilespmem:s12+$0xFFFFFF70] =	vst v4;
	v4 =	vmul.f32 v11, v8;
	v10 =	vld [tilespmem:s12+$0xFFFFFFE0]  }
0x10e: {  	[tilespmem:s12+$0xFFFFFF80] =	vst v3;
	v3 =	vmul.f32 v5, v8;
	v5 =	vld [tilespmem:s12+$0xFFFFFFF0]  }
0x10f: {  	[tilespmem:s12+$0xFFFFFF90] =	vst v4;
	v4 =	vmul.f32 v7, v8;
	v11 =	vld [tilespmem:s12+$0x0]  }
0x110: {  	[tilespmem:s12+$0xFFFFFFA0] =	vst v3;
	v3 =	vmul.f32 v9, v8;
	v12 =	vld [tilespmem:s12+$0x10]  }
.Ltmp6:
0x111: {  	[tilespmem:s12+$0xFFFFFFB0] =	vst v4;
	v4 =	vmul.f32 v6, v8;
	v7 =	vld [tilespmem:s12+$0x20];
	(pc) =	sbr.rel @p0 .LBB2_8-.Ltmp6, $4  }
0x112: {  	[tilespmem:s12+$0xFFFFFFC0] =	vst v3;
	v3 =	vmul.f32 v10, v8;
	v6 =	vld [tilespmem:s12+$0x30]  }
0x113: {  	[tilespmem:s12+$0xFFFFFFD0] =	vst v4;
	v4 =	vmul.f32 v5, v8;
	v5 =	vld [tilespmem:s12+$0x40]  }
0x114: {  	[tilespmem:s12+$0xFFFFFFE0] =	vst v3;
	v9 =	vmul.f32 v11, v1;
	v3 =	vld [tilespmem:s12+$0x50]  }
0x115: {  	[tilespmem:s12+$0xFFFFFFF0] =	vst v4;
	v8 =	vmul.f32 v12, v1;
	v4 =	vld [tilespmem:s12+$0x60]  }
0x116: {  	v56 =	vld [tilespmem:s12+$0x70]  }
0x117: {  	[tilespmem:s12+$0x0] =	vst v9;
	v10 =	vld [tilespmem:s12+$0x90];
	v7 =	vmul.f32 v7, v1  }
0x118: {  	v11 =	vld [tilespmem:s12+$0xA0];
	[tilespmem:s12+$0x10] =	vst v8;
	v6 =	vmul.f32 v6, v1  }
0x119: {  	v57 =	vld [tilespmem:s12+$0xB0];
	[tilespmem:s12+$0x20] =	vst v7;
	v5 =	vmul.f32 v5, v1  }
0x11a: {  	v58 =	vld [tilespmem:s12+$0xC0];
	[tilespmem:s12+$0x30] =	vst v6;
	v3 =	vmul.f32 v3, v1  }
0x11b: {  	v59 =	vld [tilespmem:s12+$0xD0];
	[tilespmem:s12+$0x40] =	vst v5;
	v4 =	vmul.f32 v4, v1  }
0x11c: {  	v60 =	vld [tilespmem:s12+$0xE0];
	v1 =	vmul.f32 v56, v1;
	[tilespmem:s12+$0x50] =	vst v3  }
0x11d: {  	v62 =	vld [tilespmem:s12+$0x100];
	v61 =	vmul.f32 v10, v2;
	[tilespmem:s12+$0x60] =	vst v4  }
0x11e: {  	v3 =	vld [tilespmem:s12+$0xF0];
	v63 =	vmul.f32 v11, v2;
	[tilespmem:s12+$0x70] =	vst v1  }
0x11f: {  	v8 =	vmul.f32 v57, v2;
	v1 =	vld [tilespmem:s12+$0x110];
	[tilespmem:s14+$0x90] =	vst v61  }
0x120: {  	v7 =	vmul.f32 v58, v2;
	[tilespmem:s14+$0xA0] =	vst v63  }
0x121: {  	v6 =	vmul.f32 v59, v2;
	[tilespmem:s14+$0xB0] =	vst v8  }
0x122: {  	v5 =	vmul.f32 v60, v2;
	[tilespmem:s14+$0xC0] =	vst v7  }
0x123: {  	v4 =	vmul.f32 v62, v2;
	[tilespmem:s14+$0xD0] =	vst v6  }
0x124: {  	s5 =	smul.u32 $0x1A0, s13;
	[tilespmem:s14+$0xE0] =	vst v5;
	v3 =	vmul.f32 v3, v2  }
0x125: {  	[tilespmem:s14+$0x100] =	vst v4;
	v1 =	vmul.f32 v1, v2  }
0x126: {  	p0 =	seq.s32 s10, $0x9;
	s5 =	sshra.s32 s5, $0x2;
	[tilespmem:s14+$0xF0] =	vst v3  }
.Ltmp7:
0x127: {  	s5 =	sadd.s32 $0x167B0, s5;
	[tilespmem:s14+$0x110] =	vst v1;
	(pc) =	sbr.rel @p0 .LBB2_11-.Ltmp7, $4  }
0x128: {  	[spmem:s4] =	stream.indirect.scatter.add.f32 [tilespmem:s26], [sflag:$0x4], $0x90, s5, s24, $0xb8;
	[tilespmem:$0x1E820] =	vst v63  }
0x129: {  	_ =	swait.ge [sflag:s30], $0x3840  }
0x12a: {  	[sflag:s30] =	ssyncset.done $0x0  }
0x12b: {  	[sflag:s30] =	ssyncadd.s32 $0xFFFFC7C0  }
0x12c: {  	s5 =	sadd.s32 $0x16060, s11  }
0x12d: {  	[tilespmem:s19], [sflag:$0x1] =	stream.indirect.gather [hbm4b:s6+s24], $0x90, s5, s24, $0xb8;
	[tilespmem:$0x1E820] =	vst v63  }
.Ltmp8:
0x12e: {  	_ = 	snop;
	(pc) =	sbr.rel .LBB2_5-.Ltmp8, $4  }
0x12f: {  	_ =	swait.ge [sflag:s31], $0x3840  }
0x130: {  	s18 =	sadd.s32 $0x160C8, s11;
	[sflag:s31] =	ssyncset.done $0x0  }
0x131: {  	s10 =	sadd.s32 $0x1, s10;
	s9 =	sadd.s32 $0xC8, s9;
	[sflag:s31] =	ssyncadd.s32 $0xFFFFC7C0  }
0x132: {  	[tilespmem:s26], [sflag:$0x2] =	stream.indirect.gather [hbm4b:s6+s24], $0x90, s18, s24, $0xb8;
	[tilespmem:$0x1E820] =	vst v63  }
.LBB2_13:
0x133: {  	_ =	sfence.sel $0x180000  }
0x134: {  	[bflag:$0x0] =	sbarrier.arrive $0xFFFF  }
0x135: {  	_ =	strace $0x9000004A  }
0x136: {  	s0 =	stileid.u32;
	[bflag:$0x2] =	sbarrier.arrive $0xFFFF  }
0x137: {  	p0 =	sne.s32 s0, $0x0;
	s0 =	rddreg [dreg:$0x4]  }
0x138: {  	s0 =	sadd.s32 @!p0 $0x100000, s0  }
0x139: {  	[sflag:s0] =	ssyncadd.tile.s32 @!p0 $0x1;
	_ =	shalt  }
.Lfunc_end2:
_tile_overlayer_lowered:
.L_overlay_start_2:
0x13a: {  	(tag) =	ssettag $0x2  }
0x13b: {  	s0 =	rddreg [dreg:$0x0];
	s2 =	stileid.u32  }
0x13c: {  	s1 =	rddreg [dreg:$0x1];
	p0 =	sne.s32 s2, $0x0  }
0x13d: {  	s3 =	rddreg [dreg:$0x2];
	[bflag:$0x3] =	sbarrier.arrive $0xFFFF;
	s2 =	simm.s32 @!p0 $0x1C05  }
0x13e: {  	[timem:s3], [sflag:s2] =	dma.local @!p0 [hbm:s0], s1  }
0x13f: {  	s0 =	simm.s32 @!p0 $0x5  }
0x140: {  	_ =	swait.ge @!p0 [sflag:s0], s1  }
0x141: {  	s1 =	ssub.s32 @!p0 $0x0, s1;
	[sflag:s0] =	ssyncset.done @!p0 $0x0  }
0x142: {  	[sflag:s0] =	ssyncadd.s32 @!p0 s1  }
0x143: {  	[bflag:$0x3] =	sbarrier.arrive $0xFFFF  }
0x144: {  	_ =	shalt  }

// kernel: kernel.7.cloned.1.call-start
scs
__scs_entry_jumppad:
0x0: {  	(pc) =	sbr.rel $0x88, $3  }
0x1: {  	(tag) =	ssettag $0x0;
	lr =	simm.s32 $0x1  }
0x2: {  	[smem:$0x3F9A] =	sst lr;
	_ =	strace $0xD0000000  }
0x3: {  	_ = 	snop  }
0x4: {  	_ = 	snop  }
0x5: {  	_ = 	snop  }
0x6: {  	_ = 	snop  }
0x7: {  	_ = 	snop  }
__scs_overlays_trampoline_lowered:
0x8: {  	[smem:$0x3FA9] =	sst s0  }
0x9: {  	[smem:$0x3FAA] =	sst s1  }
0xa: {  	[smem:$0x3FAB] =	sst s2  }
0xb: {  	[smem:$0x3FAC] =	sst s3  }
0xc: {  	[smem:$0x3FAD] =	sst s4  }
0xd: {  	[smem:$0x3FAE] =	sst s5  }
0xe: {  	[smem:$0x3FAF] =	sst s6  }
0xf: {  	[smem:$0x3FB0] =	sst s7  }
0x10: {  	[smem:$0x3FB1] =	sst s8  }
0x11: {  	[smem:$0x3FB2] =	sst s9;
	s0 =	simm.s32 @!p0 $0x0  }
0x12: {  	s1 =	sld [smem:$0x3F98];
	s0 =	simm.s32 @p0 $0x1  }
0x13: {  	[smem:$0x3FB3] =	sst s0;
	s0 =	simm.s32 @!p1 $0x0  }
0x14: {  	s2 =	sld [smem:$0x3F97];
	s0 =	simm.s32 @p1 $0x1  }
0x15: {  	[smem:$0x3FB4] =	sst s0;
	s0 =	simm.s32 @!p2 $0x0  }
0x16: {  	s3 =	sld [smem:$0x3FDB];
	s0 =	simm.s32 @p2 $0x1  }
0x17: {  	s4 =	simm.s32 $0x1BF5;
	[smem:$0x3FB6] =	sst s0  }
0x18: {  	s0 =	sld [smem:$0x3F99];
	_ =	swait.ge [sflag:s4], $0x0  }
0x19: {  	s7 =	sld [smem:$0x3F9A]  }
0x1a: {  	s8 =	sadd.s32 $0xFFFFE003, lr  }
0x1b: {  	s9 =	sadd.s32 $0xFFFFFEF7, lr;
	s5 =	simm.s32 $0xFFFFFFFF;
	p2 =	slt.u32 s8, $0xFFFFF086  }
0x1c: {  	p1 =	slt.u32 s9, $0xF7A;
	s5 =	simm.s32 @!p2 $0x0  }
0x1d: {  	s5 =	simm.s32 @p1 $0x1;
	p0 =	seq.s32 s7, s2  }
0x1e: {  	s7 =	smul.u32 @!p0 $0xF7A, s2;
	p2 =	seq.s32 @!p0 s5, $0x0  }
0x1f: {  	s9 =	smul.u32 $0xF7A, s1;
	s8 =	simm.s32 @!p0 $0x1BF5;
	p2 =	por !p2, p0  }
0x20: {  	[sflag:s8] =	ssyncset.s32 @!p0 $0xFFFFF086;
	s6 =	sadd.s32 @!p0 s3, s7;
	s7 =	simm.s32 @!p0 $0x108  }
0x21: {  	s3 =	sadd.s32 s3, s9;
	s6 =	sadd.s32 @!p0 $0x88, s6;
	s7 =	simm.s32 @p2 $0x1082  }
0x22: {  	[simem:s7], [sflag:s8] =	dma.local @!p0 [hbm:s6], $0xF7A  }
0x23: {  	s9 =	sor.u32 $0xD0000000, s2;
	s6 =	simm.s32 $0x108;
	_ =	swait.ge @!p0 [sflag:s8], $0x0  }
0x24: {  	s3 =	sadd.s32 $0x88, s3;
	s6 =	simm.s32 @!p1 $0x1082;
	[sflag:s4] =	ssyncset.s32 $0xFFFFF086  }
0x25: {  	[simem:s6], [sflag:s4] =	dma.local [hbm:s3], $0xF7A  }
0x26: {  	[smem:$0x3F9A] =	sst s1;
	(tag) =	ssettag s2;
	_ =	strace s9  }
0x27: {  	s1 =	sld [smem:$0x3FAA]  }
0x28: {  	s2 =	sld [smem:$0x3FAB]  }
0x29: {  	s4 =	sld [smem:$0x3FAD]  }
0x2a: {  	p0 =	seq.s32 s5, $0x0;
	s5 =	sld [smem:$0x3FAE]  }
0x2b: {  	s6 =	sld [smem:$0x3FAF]  }
0x2c: {  	s7 =	sld [smem:$0x3FB0]  }
0x2d: {  	s3 =	simm.s32 $0x108;
	s8 =	sld [smem:$0x3FB1]  }
0x2e: {  	s3 =	simm.s32 @!p0 $0x1082;
	s9 =	sld [smem:$0x3FB2]  }
0x2f: {  	lr =	sadd.s32 s0, s3;
	s0 =	sld [smem:$0x3FA9]  }
0x30: {  	s3 =	sld [smem:$0x3FAC]  }
0x31: {  	[smem:$0x3FB5] =	sst s10  }
0x32: {  	s10 =	sld [smem:$0x3FB3];
	_ =	sdelay $0x3  }
0x33: {  	p0 =	seq.s32 s10, $0x1;
	s10 =	sld [smem:$0x3FB5];
	_ =	sdelay $0x3  }
0x34: {  	[smem:$0x3FB5] =	sst s10  }
0x35: {  	s10 =	sld [smem:$0x3FB4];
	_ =	sdelay $0x3  }
0x36: {  	p1 =	seq.s32 s10, $0x1;
	s10 =	sld [smem:$0x3FB5];
	_ =	sdelay $0x3  }
0x37: {  	[smem:$0x3FB5] =	sst s10  }
0x38: {  	s10 =	sld [smem:$0x3FB6]  }
0x39: {  	_ = 	snop;
	(pc) =	sbr.ind lr, $3  }
0x3a: {  	_ = 	snop  }
0x3b: {  	_ = 	snop  }
0x3c: {  	p2 =	seq.s32 s10, $0x1;
	s10 =	sld [smem:$0x3FB5]  }
0x3d: {  	_ =	shalt  }
0x3e: {  	_ =	shalt  }
0x3f: {  	_ =	shalt  }
0x40: {  	_ =	shalt  }
0x41: {  	_ =	shalt  }
0x42: {  	_ =	shalt  }
0x43: {  	_ =	shalt  }
0x44: {  	_ =	shalt  }
0x45: {  	_ =	shalt  }
0x46: {  	_ =	shalt  }
0x47: {  	_ =	shalt  }
0x48: {  	_ =	shalt  }
0x49: {  	_ =	shalt  }
0x4a: {  	_ =	shalt  }
0x4b: {  	_ =	shalt  }
0x4c: {  	_ =	shalt  }
0x4d: {  	_ =	shalt  }
0x4e: {  	_ =	shalt  }
0x4f: {  	_ =	shalt  }
0x50: {  	_ =	shalt  }
0x51: {  	_ =	shalt  }
0x52: {  	_ =	shalt  }
0x53: {  	_ =	shalt  }
0x54: {  	_ =	shalt  }
0x55: {  	_ =	shalt  }
0x56: {  	_ =	shalt  }
0x57: {  	_ =	shalt  }
0x58: {  	_ =	shalt  }
0x59: {  	_ =	shalt  }
0x5a: {  	_ =	shalt  }
0x5b: {  	_ =	shalt  }
0x5c: {  	_ =	shalt  }
0x5d: {  	_ =	shalt  }
0x5e: {  	_ =	shalt  }
0x5f: {  	_ =	shalt  }
0x60: {  	_ =	shalt  }
0x61: {  	_ =	shalt  }
0x62: {  	_ =	shalt  }
0x63: {  	_ =	shalt  }
0x64: {  	_ =	shalt  }
0x65: {  	_ =	shalt  }
0x66: {  	_ =	shalt  }
0x67: {  	_ =	shalt  }
0x68: {  	_ =	shalt  }
0x69: {  	_ =	shalt  }
0x6a: {  	_ =	shalt  }
0x6b: {  	_ =	shalt  }
0x6c: {  	_ =	shalt  }
0x6d: {  	_ =	shalt  }
0x6e: {  	_ =	shalt  }
0x6f: {  	_ =	shalt  }
0x70: {  	_ =	shalt  }
0x71: {  	_ =	shalt  }
0x72: {  	_ =	shalt  }
0x73: {  	_ =	shalt  }
0x74: {  	_ =	shalt  }
0x75: {  	_ =	shalt  }
0x76: {  	_ =	shalt  }
0x77: {  	_ =	shalt  }
0x78: {  	_ =	shalt  }
0x79: {  	_ =	shalt  }
0x7a: {  	_ =	shalt  }
0x7b: {  	_ =	shalt  }
0x7c: {  	_ =	shalt  }
0x7d: {  	_ =	shalt  }
0x7e: {  	_ =	shalt  }
0x7f: {  	_ =	shalt  }
0x80: {  	_ =	shalt  }
0x81: {  	_ =	shalt  }
0x82: {  	_ =	shalt  }
0x83: {  	_ =	shalt  }
0x84: {  	_ =	shalt  }
0x85: {  	_ =	shalt  }
0x86: {  	_ =	shalt  }
0x87: {  	_ =	shalt  }
.Lfunc_end0:
.L_simem_size_0:
called_computation_lowered:
.L_overlay_start_0:
0x88: {  	s2 =	sld [smem:$0x3FD9]  }
0x89: {  	s3 =	sld [smem:$0x3FFE];
	_ =	sdelay $0x1  }
0x8a: {  	s1 =	srdreg.scid  }
0x8b: {  	s0 =	sand.u32 $0x1, s1  }
0x8c: {  	s16 =	sshll.u32 s0, $0xA;
	s2 =	sadd.s32 s3, s2  }
0x8d: {  	s2 =	sadd.s32 s2, s16  }
0x8e: {  	[smem:$0x3FC1] =	sst s2  }
0x8f: {  	_ = 	snop  }
0x90: {  	(tm) =	ssettm $0x1  }
0x91: {  	s17 =	sld [smem:$0x3FFB];
	_ =	sdelay $0x3  }
0x92: {  	_ =	strace s17  }
0x93: {  	s2 =	sld [smem:$0x3FFC];
	_ =	sdelay $0x3  }
0x94: {  	_ =	strace s2  }
0x95: {  	s2 =	sld [smem:$0x3FFD];
	_ =	sdelay $0x3  }
0x96: {  	_ =	strace s2  }
0x97: {  	_ =	strace $0x8FFFFFFF  }
0x98: {  	s18 =	sld [smem:$0x3FDB];
	_ =	sdelay $0x1  }
0x99: {  	s19 =	simm.s32 $_scs_section_size  }
0x9a: {  	s4 =	simm.s32 $_size__tile_overlayer_lowered;
	s5 =	simm.s32 $_tile_overlayer_lowered  }
0x9b: {  	s22 =	simm.s32 $0x1BFF;
	s21 =	sshll.u32 s5, $0x1;
	s2 =	sadd.s32 s19, s18  }
0x9c: {  	s6 =	simm.s32 $0x0;
	s20 =	sshll.u32 s4, $0x1;
	s4 =	sadd.s32 s21, s2  }
0x9d: {  	[timem:s6], [sflag:s22] =	dma.local [hbm:s4], s20  }
0x9e: {  	_ =	swait.ge [sflag:s22], s20  }
0x9f: {  	s3 =	ssub.s32 $0x0, s20;
	[sflag:s22] =	ssyncset.done $0x0  }
0xa0: {  	[sflag:s22] =	ssyncadd.s32 s3;
	_ =	sdelay $0x1  }
0xa1: {  	s23 =	simm.s32 $0x1B8B  }
0xa2: {  	_ =	swait.ge [sflag:s23], $0x1  }
0xa3: {  	[sflag:s23] =	ssyncset.done $0x0  }
0xa4: {  	s25 =	simm.s32 $0x1B8E;
	s24 =	sld [smem:$0x3FFE];
	[sflag:s23] =	ssyncadd.s32 $0xFFFFFFFF  }
0xa5: {  	s26 =	simm.s32 $execute0_lowered;
	[smem:$0x3FD2] =	sst s25  }
0xa6: {  	s4 =	sshll.u32 s26, $0x1;
	_ =	strace $0x80000046;
	[dreg:$0x1] =	wrdreg $0xFFFFFFFF  }
0xa7: {  	s28 =	simm.s32 $_size_execute0_lowered;
	s2 =	sadd.s32 s2, s4;
	[dreg:$0x0] =	wrdreg $0x0  }
0xa8: {  	s4 =	sshll.u32 s28, $0x1;
	[dreg:$0x2] =	wrdreg s2  }
0xa9: {  	[dreg:$0x3] =	wrdreg s4  }
0xaa: {  	[dreg:$0x4] =	wrdreg $0xC0  }
0xab: {  	_ =	task [dreg:s6], $0x5FFFF  }
0xac: {  	[dreg:$0x1] =	wrdreg $0xFFFFFFFF  }
0xad: {  	[dreg:$0x0] =	wrdreg $0x60  }
0xae: {  	[dreg:$0x2] =	wrdreg s24  }
0xaf: {  	[dreg:$0x3] =	wrdreg $0x9  }
0xb0: {  	_ =	task.clear_ibuf [dreg:s6], $0x4FFFF;
	_ =	strace $0x90000046  }
0xb1: {  	s29 =	simm.s32 $0x9;
	_ =	strace $0x80000048  }
0xb2: {  	_ =	swait.ge [sflag:s29], $0x1  }
0xb3: {  	[sflag:s29] =	ssyncadd.s32 $0xFFFFFFFF  }
0xb4: {  	_ =	strace $0x90000048  }
0xb5: {  	_ =	sfence  }
0xb6: {  	s30 =	sld [smem:$0x0];
	_ =	sdelay $0x2  }
0xb7: {  	s31 =	sshll.u32 s1, $0xD;
	s1 =	sshrl.u32 s1, $0x2  }
0xb8: {  	s3 =	sand.u32 $0x4000, s31;
	s1 =	sadd.s32 s1, s30  }
0xb9: {  	s0 =	sor.u32 s3, s0;
	s1 =	sshll.u32 s1, $0x11  }
0xba: {  	s0 =	sor.u32 s1, s0  }
0xbb: {  	s0 =	sadd.s32 $0x8F2B, s0  }
0xbc: {  	[sflag:s0] =	ssyncadd.remote.s32 $0x1  }
0xbd: {  	_ =	sfence.sel $0xFFFF  }
0xbe: {  	[dreg:$0x0] =	wrdreg $0xFFFFFFFF;
	(pc) =	sbr.abs _section_cstart, $3  }
0xbf: {  	[dreg:$0x1] =	wrdreg $0xFFFFFFFF  }
0xc0: {  	_ =	task.clear_ibuf [dreg:s6], $0x2FFFF;
	_ =	strace $0x9FFFFFFF  }
0xc1: {  	(tm) =	ssettm $0x7FFFFFFF  }
tec
execute0_lowered:
.L_overlay_start_1:
0x0: {  	(tag) =	ssettag $0x1  }
0x1: {  	s0 =	rddreg [dreg:$0x0]  }
0x2: {  	s2 =	simm.s32 $0x0;
	s1 =	srdreg.scid;
	s3 =	stileid.u32  }
0x3: {  	s13 =	simm.s32 $0x9;
	s15 =	simm.s32 $0x64;
	s28 =	simm.s32 $0x6400  }
0x4: {  	s30 =	simm.s32 $0x7D00;
	s31 =	simm.s32 $0x1;
	s16 =	simm.s32 $0x8980  }
0x5: {  	s17 =	simm.s32 $0x3;
	s18 =	simm.s32 $0x8FC0;
	s19 =	simm.s32 $0x4  }
0x6: {  	s20 =	simm.s32 $0x9600;
	s23 =	simm.s32 $0x7;
	s24 =	simm.s32 $0x8  }
0x7: {  	[smem:$0x7FF] =	sst s2;
	s1 =	sand.u32 $0x1, s1;
	s3 =	sshll.u32 s3, $0x1  }
0x8: {  	s4 =	sadd.s32 $0x8200, s0;
	s5 =	sor.u32 s1, s3;
	s1 =	ssub.s32 $0x2, s1  }
0x9: {  	_ =	strace $0x80000047;
	s6 =	smul.u32 $0x514, s5;
	s7 =	sshrl.u32 s1, $0x1  }
0xa: {  	s3 =	sadd.s32 $0x3200, s0;
	s5 =	smul.u32 $0x2710, s5;
	s25 =	ssub.s32 s1, s7  }
.Ltmp0:
0xb: {  	s1 =	simm.s32 $0x2;
	s8 =	sadd.s32 s6, s0;
	(pc) =	sbr.rel .LBB2_1-.Ltmp0, $4  }
0xc: {  	s6 =	sadd.s32 $0x21A00, s0;
	s9 =	sadd.s32 $0x64, s5;
	s0 =	smax.u32 s25, $0x1  }
0xd: {  	s10 =	sadd.s32 $0xC8, s5;
	s26 =	sadd.s32 $0xD200, s8;
	[dreg:$0x4] =	wrdreg s0  }
0xe: {  	s11 =	sadd.s32 $0x12C, s5;
	s29 =	sadd.s32 $0x17600, s8;
	[dreg:$0x2] =	wrdreg s26  }
0xf: {  	s25 =	simm.s32 $0x0;
	s0 =	simm.s32 $0x8340;
	[dreg:$0x3] =	wrdreg s29  }
.LBB2_20:
0x10: {  	s7 =	simm.s32 $0x5  }
0x11: {  	_ =	swait.ge [sflag:s7], $0x640  }
0x12: {  	[sflag:s7] =	ssyncset.done $0x0  }
0x13: {  	s26 =	simm.s32 $0x6;
	[sflag:s7] =	ssyncadd.s32 $0xFFFFF9C0  }
0x14: {  	_ =	swait.ge [sflag:s26], $0x640  }
0x15: {  	[sflag:s26] =	ssyncset.done $0x0  }
0x16: {  	[sflag:s26] =	ssyncadd.s32 $0xFFFFF9C0  }
0x17: {  	_ =	swait.ge [sflag:s23], $0x640  }
0x18: {  	[sflag:s23] =	ssyncset.done $0x0  }
0x19: {  	[sflag:s23] =	ssyncadd.s32 $0xFFFFF9C0  }
0x1a: {  	_ =	swait.ge [sflag:s24], $0x640  }
0x1b: {  	s25 =	sadd.s32 $0x1, s25;
	s29 =	rddreg [dreg:$0x4]  }
0x1c: {  	p0 =	sne.s32 s25, s29  }
.Ltmp1:
0x1d: {  	_ = 	snop;
	(pc) =	sbr.rel @!p0 .LBB2_21-.Ltmp1, $3  }
0x1e: {  	_ =	sdelay $0x1  }
0x1f: {  	[sflag:s24] =	ssyncset.done $0x0  }
0x20: {  	[sflag:s24] =	ssyncadd.s32 $0xFFFFF9C0  }
.LBB2_1:
0x21: {  	s7 =	rddreg [dreg:$0x2]  }
0x22: {  	[tilespmem:s2], [sflag:$0x9] =	stream.linear.gather [hbm4b:s7+s2], $0x28A0, $0x38;
	[tilespmem:$0x9C40] =	vst v63  }
0x23: {  	_ =	swait.ge [sflag:s13], $0x28A0  }
0x24: {  	[sflag:s13] =	ssyncset.done $0x0  }
0x25: {  	s8 =	simm.s32 $0x28A0;
	s29 =	rddreg [dreg:$0x3];
	[sflag:s13] =	ssyncadd.s32 $0xFFFFD760  }
0x26: {  	[tilespmem:s8], [sflag:$0x9] =	stream.linear.gather [hbm4b:s29+s2], $0x28A0, $0x38;
	[tilespmem:$0x9C40] =	vst v63  }
0x27: {  	_ =	swait.ge [sflag:s13], $0x28A0  }
0x28: {  	[sflag:s13] =	ssyncset.done $0x0  }
0x29: {  	s12 =	simm.s32 $0x5140;
	[sflag:s13] =	ssyncadd.s32 $0xFFFFD760  }
0x2a: {  	[tilespmem:s12], [sflag:$0x1] =	stream.indirect.gather [hbm4b:s3+s15], $0x10, s2, s15, $0xb8;
	[tilespmem:$0x9C40] =	vst v63  }
0x2b: {  	s14 =	simm.s32 $0x6A40  }
0x2c: {  	[tilespmem:s14], [sflag:$0x1] =	stream.indirect.gather [hbm4b:s4+s15], $0x10, s8, s15, $0xb8;
	[tilespmem:$0x9C40] =	vst v63  }
0x2d: {  	s21 =	simm.s32 $0x68;
	s22 =	simm.s32 $0x5780  }
0x2e: {  	[tilespmem:s22], [sflag:$0x2] =	stream.indirect.gather [hbm4b:s3+s15], $0x10, s21, s15, $0xb8;
	[tilespmem:$0x9C40] =	vst v63  }
0x2f: {  	s26 =	simm.s32 $0x2908;
	s29 =	simm.s32 $0x7080  }
0x30: {  	[tilespmem:s29], [sflag:$0x2] =	stream.indirect.gather [hbm4b:s4+s15], $0x10, s26, s15, $0xb8;
	[tilespmem:$0x9C40] =	vst v63  }
0x31: {  	s12 =	simm.s32 $0xD0;
	s14 =	simm.s32 $0x5DC0  }
0x32: {  	[tilespmem:s14], [sflag:$0x3] =	stream.indirect.gather [hbm4b:s3+s15], $0x10, s12, s15, $0xb8;
	[tilespmem:$0x9C40] =	vst v63  }
0x33: {  	s21 =	simm.s32 $0x2970;
	s22 =	simm.s32 $0x76C0  }
0x34: {  	[tilespmem:s22], [sflag:$0x3] =	stream.indirect.gather [hbm4b:s4+s15], $0x10, s21, s15, $0xb8;
	[tilespmem:$0x9C40] =	vst v63  }
0x35: {  	s26 =	simm.s32 $0x138  }
0x36: {  	[tilespmem:s28], [sflag:$0x4] =	stream.indirect.gather [hbm4b:s3+s15], $0x10, s26, s15, $0xb8;
	[tilespmem:$0x9C40] =	vst v63  }
0x37: {  	s29 =	simm.s32 $0x29D8;
	s26 =	simm.s32 $0x0  }
0x38: {  	[tilespmem:s30], [sflag:$0x4] =	stream.indirect.gather [hbm4b:s4+s15], $0x10, s29, s15, $0xb8;
	[tilespmem:$0x9C40] =	vst v63  }
.LBB2_2:
0x39: {  	_ =	swait.ge [sflag:s31], $0x640  }
0x3a: {  	[sflag:s31] =	ssyncset.done $0x0  }
0x3b: {  	[sflag:s31] =	ssyncadd.s32 $0xFFFFF9C0  }
0x3c: {  	_ =	swait.ge [sflag:s31], $0x640  }
0x3d: {  	p0 =	seq.s32 s26, $0x0;
	[sflag:s31] =	ssyncset.done $0x0  }
0x3e: {  	s7 =	simm.s32 @!p0 $0x5;
	[sflag:s31] =	ssyncadd.s32 $0xFFFFF9C0  }
0x3f: {  	_ =	swait.ge @!p0 [sflag:s7], $0x640  }
0x40: {  	[sflag:s7] =	ssyncset.done @!p0 $0x0  }
0x41: {  	s12 =	simm.s32 $0x5180;
	[sflag:s7] =	ssyncadd.s32 @!p0 $0xFFFFF9C0  }
0x42: {  	s14 =	simm.s32 $0x6A80;
	v1 =	vld [tilespmem:s12+$0x30]  }
0x43: {  	v2 =	vld [tilespmem:s14+$0x30]  }
0x44: {  	v0 =	vld [tilespmem:s14+$0xFFFFFFC0]  }
0x45: {  	v3 =	vld [tilespmem:s12+$0xFFFFFFD0]  }
0x46: {  	v4 =	vld [tilespmem:s14+$0xFFFFFFD0]  }
0x47: {  	v5 =	vld [tilespmem:s12+$0xFFFFFFE0]  }
0x48: {  	v6 =	vld [tilespmem:s14+$0xFFFFFFE0]  }
0x49: {  	v7 =	vld [tilespmem:s12+$0xFFFFFFF0]  }
0x4a: {  	v8 =	vld [tilespmem:s14+$0xFFFFFFF0]  }
0x4b: {  	v9 =	vld [tilespmem:s12+$0x0]  }
0x4c: {  	v10 =	vld [tilespmem:s14+$0x0];
	v2 =	vadd.f32 v2, v1  }
0x4d: {  	s7 =	simm.s32 $0x8380;
	v4 =	vadd.f32 v4, v3;
	v1 =	vld [tilespmem:s12+$0x10]  }
0x4e: {  	v5 =	vadd.f32 v6, v5;
	v3 =	vld [tilespmem:s14+$0x10];
	[tilespmem:s7+$0x30] =	vst v2  }
0x4f: {  	v6 =	vadd.f32 v8, v7;
	[tilespmem:s7+$0xFFFFFFD0] =	vst v4;
	v2 =	vld [tilespmem:s12+$0x20]  }
0x50: {  	[tilespmem:s7+$0xFFFFFFE0] =	vst v5;
	v5 =	vld [tilespmem:s14+$0x20]  }
0x51: {  	s8 =	simm.s32 $0x0;
	v4 =	vld [tilespmem:s12+$0xFFFFFFC0];
	[tilespmem:s7+$0xFFFFFFF0] =	vst v6;
	v6 =	vadd.f32 v10, v9;
	s12 =	simm.s32 $0x5200  }
.LBB2_3:
0x52: {  	v7 =	vld [tilespmem:s12+$0x30];
	s14 =	sadd.s32 $0x80, s14  }
0x53: {  	s8 =	sadd.s32 $0x8, s8;
	v8 =	vld [tilespmem:s14+$0x30];
	[tilespmem:s7+$0x0] =	vst v6;
	v1 =	vadd.f32 v3, v1  }
0x54: {  	p1 =	slt.u32 s8, $0x58;
	v3 =	vld [tilespmem:s14+$0xFFFFFFC0]  }
0x55: {  	v6 =	vld [tilespmem:s12+$0xFFFFFFD0];
	[tilespmem:s7+$0x10] =	vst v1;
	v1 =	vadd.f32 v5, v2  }
0x56: {  	v2 =	vld [tilespmem:s14+$0xFFFFFFD0];
	v9 =	vadd.f32 v0, v4  }
0x57: {  	v4 =	vld [tilespmem:s12+$0xFFFFFFE0];
	[tilespmem:s7+$0x20] =	vst v1  }
0x58: {  	v1 =	vld [tilespmem:s14+$0xFFFFFFE0];
	v5 =	vadd.f32 v8, v7;
	[tilespmem:s7+$0xFFFFFFC0] =	vst v9  }
0x59: {  	s7 =	sadd.s32 $0x80, s7;
	v7 =	vld [tilespmem:s12+$0xFFFFFFF0];
	v0 =	vmov v3  }
0x5a: {  	s21 =	simm.s32 $0x0;
	v8 =	vld [tilespmem:s14+$0xFFFFFFF0];
	[tilespmem:s7+$0x30] =	vst v5  }
0x5b: {  	v2 =	vadd.f32 v2, v6;
	v6 =	vld [tilespmem:s12+$0x0]  }
0x5c: {  	v9 =	vld [tilespmem:s14+$0x0]  }
.Ltmp2:
0x5d: {  	[tilespmem:s7+$0xFFFFFFD0] =	vst v2;
	v2 =	vadd.f32 v1, v4;
	v1 =	vld [tilespmem:s12+$0x10];
	(pc) =	sbr.rel @p1 .LBB2_3-.Ltmp2, $4  }
0x5e: {  	v3 =	vld [tilespmem:s14+$0x10]  }
0x5f: {  	[tilespmem:s7+$0xFFFFFFE0] =	vst v2;
	v7 =	vadd.f32 v8, v7;
	v2 =	vld [tilespmem:s12+$0x20]  }
0x60: {  	v5 =	vld [tilespmem:s14+$0x20]  }
0x61: {  	v4 =	vld [tilespmem:s12+$0xFFFFFFC0];
	[tilespmem:s7+$0xFFFFFFF0] =	vst v7;
	v6 =	vadd.f32 v9, v6;
	s12 =	sadd.s32 $0x80, s12  }
0x62: {  	_ =	sdelay $0x1  }
0x63: {  	v1 =	vadd.f32 v3, v1  }
0x64: {  	[tilespmem:s7+$0x0] =	vst v6;
	v2 =	vadd.f32 v5, v2  }
0x65: {  	[tilespmem:s7+$0x10] =	vst v1;
	v0 =	vadd.f32 v0, v4  }
0x66: {  	[tilespmem:s7+$0x20] =	vst v2  }
0x67: {  	[tilespmem:s7+$0xFFFFFFC0] =	vst v0  }
.LBB2_5:
0x68: {  	s7 =	sshra.s32 s21, $0x2  }
0x69: {  	v0 =	vld [tilespmem:s7+$0x5740]  }
0x6a: {  	v1 =	vld [tilespmem:s7+$0x7040];
	_ =	sdelay $0x1  }
0x6b: {  	p1 =	sne.s32 s21, $0xC0  }
.Ltmp3:
0x6c: {  	_ = 	snop;
	(pc) =	sbr.rel @p1 .LBB2_5-.Ltmp3, $3  }
0x6d: {  	_ = 	snop  }
0x6e: {  	v0 =	vadd.f32 v1, v0;
	_ =	sdelay $0x1  }
0x6f: {  	s21 =	sadd.s32 $0x40, s21;
	[tilespmem:s7+$0x8940] =	vst v0  }
0x70: {  	s29 =	smul.u32 $0x190, s26;
	_ =	sdelay $0x1  }
0x71: {  	s7 =	sadd.s32 s5, s29  }
0x72: {  	p1 =	seq.s32 s26, $0x18;
	s7 =	sshll.u32 s7, $0x1  }
0x73: {  	s14 =	smul.u32 @!p1 $0x1A0, s26;
	s7 =	sadd.s32 s6, s7  }
0x74: {  	[hbm4b:s7+s2] =	stream.linear.scatter [tilespmem:s0], [sflag:$0x5], $0x640, $0x38;
	[tilespmem:$0x9C40] =	vst v63  }
0x75: {  	s8 =	simm.s32 @!p1 $0x64;
	s12 =	simm.s32 @!p1 $0x5140;
	s7 =	sadd.s32 @!p1 $0x1A0, s14  }
0x76: {  	[tilespmem:s12], [sflag:$0x1] =	stream.indirect.gather @!p1 [hbm4b:s3+s8], $0x10, s7, s8, $0xb8;
	[tilespmem:$0x9C40] =	vst v63  }
0x77: {  	s7 =	sadd.s32 @!p1 $0x2A40, s14;
	s12 =	simm.s32 @!p1 $0x6A40  }
0x78: {  	[tilespmem:s12], [sflag:$0x1] =	stream.indirect.gather @!p1 [hbm4b:s4+s8], $0x10, s7, s8, $0xb8;
	[tilespmem:$0x9C40] =	vst v63  }
0x79: {  	_ =	swait.ge [sflag:s1], $0x640  }
0x7a: {  	[sflag:s1] =	ssyncset.done $0x0  }
0x7b: {  	[sflag:s1] =	ssyncadd.s32 $0xFFFFF9C0  }
0x7c: {  	_ =	swait.ge [sflag:s1], $0x640  }
0x7d: {  	[sflag:s1] =	ssyncset.done $0x0  }
0x7e: {  	s7 =	simm.s32 @!p0 $0x6;
	[sflag:s1] =	ssyncadd.s32 $0xFFFFF9C0  }
0x7f: {  	_ =	swait.ge @!p0 [sflag:s7], $0x640  }
0x80: {  	[sflag:s7] =	ssyncset.done @!p0 $0x0  }
0x81: {  	s21 =	simm.s32 $0x57C0;
	[sflag:s7] =	ssyncadd.s32 @!p0 $0xFFFFF9C0  }
0x82: {  	s7 =	simm.s32 $0x70C0;
	v1 =	vld [tilespmem:s21+$0x30]  }
0x83: {  	v2 =	vld [tilespmem:s7+$0x30]  }
0x84: {  	v0 =	vld [tilespmem:s7+$0xFFFFFFC0]  }
0x85: {  	v3 =	vld [tilespmem:s21+$0xFFFFFFD0]  }
0x86: {  	v4 =	vld [tilespmem:s7+$0xFFFFFFD0]  }
0x87: {  	v5 =	vld [tilespmem:s21+$0xFFFFFFE0]  }
0x88: {  	v6 =	vld [tilespmem:s7+$0xFFFFFFE0]  }
0x89: {  	v7 =	vld [tilespmem:s21+$0xFFFFFFF0]  }
0x8a: {  	v8 =	vld [tilespmem:s7+$0xFFFFFFF0]  }
0x8b: {  	v9 =	vld [tilespmem:s21+$0x0]  }
0x8c: {  	v10 =	vld [tilespmem:s7+$0x0];
	v2 =	vadd.f32 v2, v1  }
0x8d: {  	s8 =	simm.s32 $0x89C0;
	v4 =	vadd.f32 v4, v3;
	v1 =	vld [tilespmem:s21+$0x10]  }
0x8e: {  	v5 =	vadd.f32 v6, v5;
	v3 =	vld [tilespmem:s7+$0x10];
	[tilespmem:s8+$0x30] =	vst v2  }
0x8f: {  	v6 =	vadd.f32 v8, v7;
	[tilespmem:s8+$0xFFFFFFD0] =	vst v4;
	v2 =	vld [tilespmem:s21+$0x20]  }
0x90: {  	[tilespmem:s8+$0xFFFFFFE0] =	vst v5;
	v5 =	vld [tilespmem:s7+$0x20]  }
0x91: {  	s12 =	simm.s32 $0x0;
	v4 =	vld [tilespmem:s21+$0xFFFFFFC0];
	[tilespmem:s8+$0xFFFFFFF0] =	vst v6;
	v6 =	vadd.f32 v10, v9;
	s21 =	simm.s32 $0x5840  }
.LBB2_7:
0x92: {  	v7 =	vld [tilespmem:s21+$0x30];
	s7 =	sadd.s32 $0x80, s7  }
0x93: {  	s12 =	sadd.s32 $0x8, s12;
	v8 =	vld [tilespmem:s7+$0x30];
	[tilespmem:s8+$0x0] =	vst v6;
	v1 =	vadd.f32 v3, v1  }
0x94: {  	p2 =	slt.u32 s12, $0x58;
	v3 =	vld [tilespmem:s7+$0xFFFFFFC0]  }
0x95: {  	v6 =	vld [tilespmem:s21+$0xFFFFFFD0];
	[tilespmem:s8+$0x10] =	vst v1;
	v1 =	vadd.f32 v5, v2  }
0x96: {  	v2 =	vld [tilespmem:s7+$0xFFFFFFD0];
	v9 =	vadd.f32 v0, v4  }
0x97: {  	v4 =	vld [tilespmem:s21+$0xFFFFFFE0];
	[tilespmem:s8+$0x20] =	vst v1  }
0x98: {  	v1 =	vld [tilespmem:s7+$0xFFFFFFE0];
	v5 =	vadd.f32 v8, v7;
	[tilespmem:s8+$0xFFFFFFC0] =	vst v9  }
0x99: {  	s8 =	sadd.s32 $0x80, s8;
	v7 =	vld [tilespmem:s21+$0xFFFFFFF0];
	v0 =	vmov v3  }
0x9a: {  	s22 =	simm.s32 $0x0;
	v8 =	vld [tilespmem:s7+$0xFFFFFFF0];
	[tilespmem:s8+$0x30] =	vst v5  }
0x9b: {  	v2 =	vadd.f32 v2, v6;
	v6 =	vld [tilespmem:s21+$0x0]  }
0x9c: {  	v9 =	vld [tilespmem:s7+$0x0]  }
.Ltmp4:
0x9d: {  	[tilespmem:s8+$0xFFFFFFD0] =	vst v2;
	v2 =	vadd.f32 v1, v4;
	v1 =	vld [tilespmem:s21+$0x10];
	(pc) =	sbr.rel @p2 .LBB2_7-.Ltmp4, $4  }
0x9e: {  	v3 =	vld [tilespmem:s7+$0x10]  }
0x9f: {  	[tilespmem:s8+$0xFFFFFFE0] =	vst v2;
	v7 =	vadd.f32 v8, v7;
	v2 =	vld [tilespmem:s21+$0x20]  }
0xa0: {  	v5 =	vld [tilespmem:s7+$0x20]  }
0xa1: {  	v4 =	vld [tilespmem:s21+$0xFFFFFFC0];
	[tilespmem:s8+$0xFFFFFFF0] =	vst v7;
	v6 =	vadd.f32 v9, v6;
	s21 =	sadd.s32 $0x80, s21  }
0xa2: {  	_ =	sdelay $0x1  }
0xa3: {  	v1 =	vadd.f32 v3, v1  }
0xa4: {  	[tilespmem:s8+$0x0] =	vst v6;
	v2 =	vadd.f32 v5, v2  }
0xa5: {  	[tilespmem:s8+$0x10] =	vst v1;
	v0 =	vadd.f32 v0, v4  }
0xa6: {  	[tilespmem:s8+$0x20] =	vst v2  }
0xa7: {  	[tilespmem:s8+$0xFFFFFFC0] =	vst v0  }
.LBB2_9:
0xa8: {  	s7 =	sshra.s32 s22, $0x2  }
0xa9: {  	v0 =	vld [tilespmem:s7+$0x5D80]  }
0xaa: {  	v1 =	vld [tilespmem:s7+$0x7680];
	_ =	sdelay $0x1  }
0xab: {  	p2 =	sne.s32 s22, $0xC0  }
.Ltmp5:
0xac: {  	_ = 	snop;
	(pc) =	sbr.rel @p2 .LBB2_9-.Ltmp5, $3  }
0xad: {  	_ = 	snop  }
0xae: {  	v0 =	vadd.f32 v1, v0;
	_ =	sdelay $0x1  }
0xaf: {  	s22 =	sadd.s32 $0x40, s22;
	[tilespmem:s7+$0x8F80] =	vst v0  }
0xb0: {  	s7 =	sadd.s32 s29, s9  }
0xb1: {  	s7 =	sshll.u32 s7, $0x1  }
0xb2: {  	s7 =	sand.u32 $0x1FFFFFE8, s7  }
0xb3: {  	s7 =	sadd.s32 s6, s7  }
0xb4: {  	[hbm4b:s7+s2] =	stream.linear.scatter [tilespmem:s16], [sflag:$0x6], $0x640, $0x38;
	[tilespmem:$0x9C40] =	vst v63  }
0xb5: {  	s8 =	simm.s32 @!p1 $0x64;
	s12 =	simm.s32 @!p1 $0x5780;
	s7 =	sadd.s32 @!p1 $0x208, s14  }
0xb6: {  	[tilespmem:s12], [sflag:$0x2] =	stream.indirect.gather @!p1 [hbm4b:s3+s8], $0x10, s7, s8, $0xb8;
	[tilespmem:$0x9C40] =	vst v63  }
0xb7: {  	s7 =	sadd.s32 @!p1 $0x2AA8, s14;
	s12 =	simm.s32 @!p1 $0x7080  }
0xb8: {  	[tilespmem:s12], [sflag:$0x2] =	stream.indirect.gather @!p1 [hbm4b:s4+s8], $0x10, s7, s8, $0xb8;
	[tilespmem:$0x9C40] =	vst v63  }
0xb9: {  	_ =	swait.ge [sflag:s17], $0x640  }
0xba: {  	[sflag:s17] =	ssyncset.done $0x0  }
0xbb: {  	[sflag:s17] =	ssyncadd.s32 $0xFFFFF9C0  }
0xbc: {  	_ =	swait.ge [sflag:s17], $0x640  }
0xbd: {  	[sflag:s17] =	ssyncset.done $0x0  }
0xbe: {  	s7 =	simm.s32 @!p0 $0x7;
	[sflag:s17] =	ssyncadd.s32 $0xFFFFF9C0  }
0xbf: {  	_ =	swait.ge @!p0 [sflag:s7], $0x640  }
0xc0: {  	[sflag:s7] =	ssyncset.done @!p0 $0x0  }
0xc1: {  	s21 =	simm.s32 $0x5E00;
	[sflag:s7] =	ssyncadd.s32 @!p0 $0xFFFFF9C0  }
0xc2: {  	s7 =	simm.s32 $0x7700;
	v1 =	vld [tilespmem:s21+$0x30]  }
0xc3: {  	v2 =	vld [tilespmem:s7+$0x30]  }
0xc4: {  	v0 =	vld [tilespmem:s7+$0xFFFFFFC0]  }
0xc5: {  	v3 =	vld [tilespmem:s21+$0xFFFFFFD0]  }
0xc6: {  	v4 =	vld [tilespmem:s7+$0xFFFFFFD0]  }
0xc7: {  	v5 =	vld [tilespmem:s21+$0xFFFFFFE0]  }
0xc8: {  	v6 =	vld [tilespmem:s7+$0xFFFFFFE0]  }
0xc9: {  	v7 =	vld [tilespmem:s21+$0xFFFFFFF0]  }
0xca: {  	v8 =	vld [tilespmem:s7+$0xFFFFFFF0]  }
0xcb: {  	v9 =	vld [tilespmem:s21+$0x0]  }
0xcc: {  	v10 =	vld [tilespmem:s7+$0x0];
	v2 =	vadd.f32 v2, v1  }
0xcd: {  	s8 =	simm.s32 $0x9000;
	v4 =	vadd.f32 v4, v3;
	v1 =	vld [tilespmem:s21+$0x10]  }
0xce: {  	v5 =	vadd.f32 v6, v5;
	v3 =	vld [tilespmem:s7+$0x10];
	[tilespmem:s8+$0x30] =	vst v2  }
0xcf: {  	v6 =	vadd.f32 v8, v7;
	[tilespmem:s8+$0xFFFFFFD0] =	vst v4;
	v2 =	vld [tilespmem:s21+$0x20]  }
0xd0: {  	[tilespmem:s8+$0xFFFFFFE0] =	vst v5;
	v5 =	vld [tilespmem:s7+$0x20]  }
0xd1: {  	s12 =	simm.s32 $0x0;
	v4 =	vld [tilespmem:s21+$0xFFFFFFC0];
	[tilespmem:s8+$0xFFFFFFF0] =	vst v6;
	v6 =	vadd.f32 v10, v9;
	s21 =	simm.s32 $0x5E80  }
.LBB2_11:
0xd2: {  	v7 =	vld [tilespmem:s21+$0x30];
	s7 =	sadd.s32 $0x80, s7  }
0xd3: {  	s12 =	sadd.s32 $0x8, s12;
	v8 =	vld [tilespmem:s7+$0x30];
	[tilespmem:s8+$0x0] =	vst v6;
	v1 =	vadd.f32 v3, v1  }
0xd4: {  	p2 =	slt.u32 s12, $0x58;
	v3 =	vld [tilespmem:s7+$0xFFFFFFC0]  }
0xd5: {  	v6 =	vld [tilespmem:s21+$0xFFFFFFD0];
	[tilespmem:s8+$0x10] =	vst v1;
	v1 =	vadd.f32 v5, v2  }
0xd6: {  	v2 =	vld [tilespmem:s7+$0xFFFFFFD0];
	v9 =	vadd.f32 v0, v4  }
0xd7: {  	v4 =	vld [tilespmem:s21+$0xFFFFFFE0];
	[tilespmem:s8+$0x20] =	vst v1  }
0xd8: {  	v1 =	vld [tilespmem:s7+$0xFFFFFFE0];
	v5 =	vadd.f32 v8, v7;
	[tilespmem:s8+$0xFFFFFFC0] =	vst v9  }
0xd9: {  	s8 =	sadd.s32 $0x80, s8;
	v7 =	vld [tilespmem:s21+$0xFFFFFFF0];
	v0 =	vmov v3  }
0xda: {  	s22 =	simm.s32 $0x0;
	v8 =	vld [tilespmem:s7+$0xFFFFFFF0];
	[tilespmem:s8+$0x30] =	vst v5  }
0xdb: {  	v2 =	vadd.f32 v2, v6;
	v6 =	vld [tilespmem:s21+$0x0]  }
0xdc: {  	v9 =	vld [tilespmem:s7+$0x0]  }
.Ltmp6:
0xdd: {  	[tilespmem:s8+$0xFFFFFFD0] =	vst v2;
	v2 =	vadd.f32 v1, v4;
	v1 =	vld [tilespmem:s21+$0x10];
	(pc) =	sbr.rel @p2 .LBB2_11-.Ltmp6, $4  }
0xde: {  	v3 =	vld [tilespmem:s7+$0x10]  }
0xdf: {  	[tilespmem:s8+$0xFFFFFFE0] =	vst v2;
	v7 =	vadd.f32 v8, v7;
	v2 =	vld [tilespmem:s21+$0x20]  }
0xe0: {  	v5 =	vld [tilespmem:s7+$0x20]  }
0xe1: {  	v4 =	vld [tilespmem:s21+$0xFFFFFFC0];
	[tilespmem:s8+$0xFFFFFFF0] =	vst v7;
	v6 =	vadd.f32 v9, v6;
	s21 =	sadd.s32 $0x80, s21  }
0xe2: {  	_ =	sdelay $0x1  }
0xe3: {  	v1 =	vadd.f32 v3, v1  }
0xe4: {  	[tilespmem:s8+$0x0] =	vst v6;
	v2 =	vadd.f32 v5, v2  }
0xe5: {  	[tilespmem:s8+$0x10] =	vst v1;
	v0 =	vadd.f32 v0, v4  }
0xe6: {  	[tilespmem:s8+$0x20] =	vst v2  }
0xe7: {  	[tilespmem:s8+$0xFFFFFFC0] =	vst v0  }
.LBB2_13:
0xe8: {  	s7 =	sshra.s32 s22, $0x2  }
0xe9: {  	v0 =	vld [tilespmem:s7+$0x63C0]  }
0xea: {  	v1 =	vld [tilespmem:s7+$0x7CC0];
	_ =	sdelay $0x1  }
0xeb: {  	p2 =	sne.s32 s22, $0xC0  }
.Ltmp7:
0xec: {  	_ = 	snop;
	(pc) =	sbr.rel @p2 .LBB2_13-.Ltmp7, $3  }
0xed: {  	_ = 	snop  }
0xee: {  	v0 =	vadd.f32 v1, v0;
	_ =	sdelay $0x1  }
0xef: {  	s22 =	sadd.s32 $0x40, s22;
	[tilespmem:s7+$0x95C0] =	vst v0  }
0xf0: {  	s7 =	sadd.s32 s29, s10  }
0xf1: {  	s7 =	sshll.u32 s7, $0x1  }
0xf2: {  	s7 =	sand.u32 $0x1FFFFFF0, s7  }
0xf3: {  	s7 =	sadd.s32 s6, s7  }
0xf4: {  	[hbm4b:s7+s2] =	stream.linear.scatter [tilespmem:s18], [sflag:$0x7], $0x640, $0x38;
	[tilespmem:$0x9C40] =	vst v63  }
0xf5: {  	s8 =	simm.s32 @!p1 $0x64;
	s12 =	simm.s32 @!p1 $0x5DC0;
	s7 =	sadd.s32 @!p1 $0x270, s14  }
0xf6: {  	[tilespmem:s12], [sflag:$0x3] =	stream.indirect.gather @!p1 [hbm4b:s3+s8], $0x10, s7, s8, $0xb8;
	[tilespmem:$0x9C40] =	vst v63  }
0xf7: {  	s7 =	sadd.s32 @!p1 $0x2B10, s14;
	s12 =	simm.s32 @!p1 $0x76C0  }
0xf8: {  	[tilespmem:s12], [sflag:$0x3] =	stream.indirect.gather @!p1 [hbm4b:s4+s8], $0x10, s7, s8, $0xb8;
	[tilespmem:$0x9C40] =	vst v63  }
0xf9: {  	_ =	swait.ge [sflag:s19], $0x640  }
0xfa: {  	[sflag:s19] =	ssyncset.done $0x0  }
0xfb: {  	[sflag:s19] =	ssyncadd.s32 $0xFFFFF9C0  }
0xfc: {  	_ =	swait.ge [sflag:s19], $0x640  }
0xfd: {  	[sflag:s19] =	ssyncset.done $0x0  }
0xfe: {  	s7 =	simm.s32 @!p0 $0x8;
	[sflag:s19] =	ssyncadd.s32 $0xFFFFF9C0  }
0xff: {  	_ =	swait.ge @!p0 [sflag:s7], $0x640  }
0x100: {  	[sflag:s7] =	ssyncset.done @!p0 $0x0  }
0x101: {  	s22 =	simm.s32 $0x6440;
	[sflag:s7] =	ssyncadd.s32 @!p0 $0xFFFFF9C0  }
0x102: {  	s7 =	simm.s32 $0x7D40;
	v1 =	vld [tilespmem:s22+$0x30]  }
0x103: {  	v2 =	vld [tilespmem:s7+$0x30]  }
0x104: {  	v0 =	vld [tilespmem:s7+$0xFFFFFFC0]  }
0x105: {  	v3 =	vld [tilespmem:s22+$0xFFFFFFD0]  }
0x106: {  	v4 =	vld [tilespmem:s7+$0xFFFFFFD0]  }
0x107: {  	v5 =	vld [tilespmem:s22+$0xFFFFFFE0]  }
0x108: {  	v6 =	vld [tilespmem:s7+$0xFFFFFFE0]  }
0x109: {  	v7 =	vld [tilespmem:s22+$0xFFFFFFF0]  }
0x10a: {  	v8 =	vld [tilespmem:s7+$0xFFFFFFF0]  }
0x10b: {  	v9 =	vld [tilespmem:s22+$0x0]  }
0x10c: {  	v10 =	vld [tilespmem:s7+$0x0];
	v2 =	vadd.f32 v2, v1  }
0x10d: {  	s8 =	simm.s32 $0x9640;
	v4 =	vadd.f32 v4, v3;
	v1 =	vld [tilespmem:s22+$0x10]  }
0x10e: {  	v5 =	vadd.f32 v6, v5;
	v3 =	vld [tilespmem:s7+$0x10];
	[tilespmem:s8+$0x30] =	vst v2  }
0x10f: {  	v6 =	vadd.f32 v8, v7;
	[tilespmem:s8+$0xFFFFFFD0] =	vst v4;
	v2 =	vld [tilespmem:s22+$0x20]  }
0x110: {  	[tilespmem:s8+$0xFFFFFFE0] =	vst v5;
	v5 =	vld [tilespmem:s7+$0x20]  }
0x111: {  	s14 =	simm.s32 $0x64C0;
	s12 =	simm.s32 $0x0;
	v4 =	vld [tilespmem:s22+$0xFFFFFFC0];
	[tilespmem:s8+$0xFFFFFFF0] =	vst v6;
	v6 =	vadd.f32 v10, v9  }
.LBB2_15:
0x112: {  	v7 =	vld [tilespmem:s14+$0x30];
	s7 =	sadd.s32 $0x80, s7  }
0x113: {  	s12 =	sadd.s32 $0x8, s12;
	v8 =	vld [tilespmem:s7+$0x30];
	[tilespmem:s8+$0x0] =	vst v6;
	v1 =	vadd.f32 v3, v1  }
0x114: {  	p0 =	slt.u32 s12, $0x58;
	v3 =	vld [tilespmem:s7+$0xFFFFFFC0]  }
0x115: {  	v6 =	vld [tilespmem:s14+$0xFFFFFFD0];
	[tilespmem:s8+$0x10] =	vst v1;
	v1 =	vadd.f32 v5, v2  }
0x116: {  	v2 =	vld [tilespmem:s7+$0xFFFFFFD0];
	v9 =	vadd.f32 v0, v4  }
0x117: {  	v4 =	vld [tilespmem:s14+$0xFFFFFFE0];
	[tilespmem:s8+$0x20] =	vst v1  }
0x118: {  	v1 =	vld [tilespmem:s7+$0xFFFFFFE0];
	v5 =	vadd.f32 v8, v7;
	[tilespmem:s8+$0xFFFFFFC0] =	vst v9  }
0x119: {  	s8 =	sadd.s32 $0x80, s8;
	v7 =	vld [tilespmem:s14+$0xFFFFFFF0];
	v0 =	vmov v3  }
0x11a: {  	s21 =	simm.s32 $0x0;
	v8 =	vld [tilespmem:s7+$0xFFFFFFF0];
	[tilespmem:s8+$0x30] =	vst v5  }
0x11b: {  	v2 =	vadd.f32 v2, v6;
	v6 =	vld [tilespmem:s14+$0x0]  }
0x11c: {  	v9 =	vld [tilespmem:s7+$0x0]  }
.Ltmp8:
0x11d: {  	[tilespmem:s8+$0xFFFFFFD0] =	vst v2;
	v2 =	vadd.f32 v1, v4;
	v1 =	vld [tilespmem:s14+$0x10];
	(pc) =	sbr.rel @p0 .LBB2_15-.Ltmp8, $4  }
0x11e: {  	v3 =	vld [tilespmem:s7+$0x10]  }
0x11f: {  	[tilespmem:s8+$0xFFFFFFE0] =	vst v2;
	v7 =	vadd.f32 v8, v7;
	v2 =	vld [tilespmem:s14+$0x20]  }
0x120: {  	v5 =	vld [tilespmem:s7+$0x20]  }
0x121: {  	v4 =	vld [tilespmem:s14+$0xFFFFFFC0];
	[tilespmem:s8+$0xFFFFFFF0] =	vst v7;
	v6 =	vadd.f32 v9, v6;
	s14 =	sadd.s32 $0x80, s14  }
0x122: {  	_ =	sdelay $0x1  }
0x123: {  	v1 =	vadd.f32 v3, v1  }
0x124: {  	[tilespmem:s8+$0x0] =	vst v6;
	v2 =	vadd.f32 v5, v2  }
0x125: {  	[tilespmem:s8+$0x10] =	vst v1;
	v0 =	vadd.f32 v0, v4  }
0x126: {  	[tilespmem:s8+$0x20] =	vst v2  }
0x127: {  	[tilespmem:s8+$0xFFFFFFC0] =	vst v0  }
.LBB2_17:
0x128: {  	s7 =	sshra.s32 s21, $0x2  }
0x129: {  	v0 =	vld [tilespmem:s7+$0x6A00]  }
0x12a: {  	v1 =	vld [tilespmem:s7+$0x8300];
	_ =	sdelay $0x1  }
0x12b: {  	p0 =	sne.s32 s21, $0xC0  }
.Ltmp9:
0x12c: {  	_ = 	snop;
	(pc) =	sbr.rel @p0 .LBB2_17-.Ltmp9, $3  }
0x12d: {  	_ = 	snop  }
0x12e: {  	v0 =	vadd.f32 v1, v0;
	_ =	sdelay $0x1  }
0x12f: {  	s21 =	sadd.s32 $0x40, s21;
	[tilespmem:s7+$0x9C00] =	vst v0  }
.Ltmp10:
0x130: {  	s7 =	sadd.s32 s29, s11;
	(pc) =	sbr.rel @p1 .LBB2_20-.Ltmp10, $4  }
0x131: {  	s7 =	sshll.u32 s7, $0x1  }
0x132: {  	s7 =	sand.u32 $0x1FFFFFF8, s7  }
0x133: {  	s7 =	sadd.s32 s6, s7  }
0x134: {  	[hbm4b:s7+s2] =	stream.linear.scatter [tilespmem:s20], [sflag:$0x8], $0x640, $0x38;
	[tilespmem:$0x9C40] =	vst v63  }
0x135: {  	s7 =	smul.u32 $0x1A0, s26  }
.Ltmp11:
0x136: {  	_ = 	snop;
	(pc) =	sbr.rel .LBB2_2-.Ltmp11, $4  }
0x137: {  	s8 =	sadd.s32 $0x2D8, s7  }
0x138: {  	[tilespmem:s28], [sflag:$0x4] =	stream.indirect.gather [hbm4b:s3+s15], $0x10, s8, s15, $0xb8;
	[tilespmem:$0x9C40] =	vst v63  }
0x139: {  	s26 =	sadd.s32 $0x1, s26;
	s7 =	sadd.s32 $0x2B78, s7  }
0x13a: {  	[tilespmem:s30], [sflag:$0x4] =	stream.indirect.gather [hbm4b:s4+s15], $0x10, s7, s15, $0xb8;
	[tilespmem:$0x9C40] =	vst v63  }
.LBB2_21:
0x13b: {  	_ =	sfence.sel $0x180000  }
0x13c: {  	[bflag:$0x0] =	sbarrier.arrive $0xFFFF  }
0x13d: {  	_ =	strace $0x90000047  }
0x13e: {  	s0 =	stileid.u32;
	[bflag:$0x2] =	sbarrier.arrive $0xFFFF  }
0x13f: {  	p0 =	sne.s32 s0, $0x0;
	s0 =	rddreg [dreg:$0x1]  }
0x140: {  	s0 =	sadd.s32 @!p0 $0x100000, s0  }
0x141: {  	[sflag:s0] =	ssyncadd.tile.s32 @!p0 $0x1;
	_ =	shalt  }
.Lfunc_end2:
_tile_overlayer_lowered:
.L_overlay_start_2:
0x142: {  	(tag) =	ssettag $0x2  }
0x143: {  	s0 =	rddreg [dreg:$0x0];
	s2 =	stileid.u32  }
0x144: {  	s1 =	rddreg [dreg:$0x1];
	p0 =	sne.s32 s2, $0x0  }
0x145: {  	s3 =	rddreg [dreg:$0x2];
	[bflag:$0x3] =	sbarrier.arrive $0xFFFF;
	s2 =	simm.s32 @!p0 $0x1C09  }
0x146: {  	[timem:s3], [sflag:s2] =	dma.local @!p0 [hbm:s0], s1  }
0x147: {  	s0 =	simm.s32 @!p0 $0x9  }
0x148: {  	_ =	swait.ge @!p0 [sflag:s0], s1  }
0x149: {  	s1 =	ssub.s32 @!p0 $0x0, s1;
	[sflag:s0] =	ssyncset.done @!p0 $0x0  }
0x14a: {  	[sflag:s0] =	ssyncadd.s32 @!p0 s1  }
0x14b: {  	[bflag:$0x3] =	sbarrier.arrive $0xFFFF  }
0x14c: {  	_ =	shalt  }

</sc_bundles>
